<compile_context>
chip_gen: v7x
topology: tpu7x:2x2x1
jax: 0.10.2.dev20260603
libtpu: 0.0.44.dev20260713+nightly
codegen_flags: <defaults>
</compile_context>

<pallas_src>
import functools

import jax
import jax.numpy as jnp
from jax import lax
from jax.experimental import pallas as pl
from jax.experimental.pallas import tpu as pltpu
from jax.experimental.pallas import tpu_sc as plsc

N = 10000
D = 128
E = 320000

NC = 2
NS = 16
NW = NC * NS
CK = 128
CW = 80
EP = NW * CW * CK
NP = 10240
RPT = NP // NS
HW = 64
GRID = 8
RB = NP // GRID
GRID_O = 10
RBO = 1024

_mesh = plsc.VectorSubcoreMesh(
    core_axis_name="c", subcore_axis_name="s", num_cores=NC, num_subcores=NS
)
_sc_params = pltpu.CompilerParams(use_tc_tiling_on_sc=False)


@functools.partial(
    pl.kernel,
    out_type=[jax.ShapeDtypeStruct((NP, 16), jnp.float32),
              jax.ShapeDtypeStruct((NP, 16), jnp.float32)],
    mesh=_mesh,
    compiler_params=_sc_params,
    scratch_types=[
        pltpu.VMEM((CW, CK), jnp.int32),
        pltpu.VMEM((CK, 16), jnp.float32),
        pltpu.VMEM((RPT, 16), jnp.float32),
        pltpu.VMEM_SHARED((NP, 16), jnp.float32),
        pltpu.SemaphoreType.DMA,
    ],
)
def _deg_kernel(d_hbm, oh_hbm, z16_hbm, out0_hbm, out1_hbm, dv, oh, zb, acc, sem):
    cid = lax.axis_index("c")
    sid = lax.axis_index("s")
    wid = sid * NC + cid
    base = sid * RPT
    pltpu.sync_copy(d_hbm.at[wid], dv)
    pltpu.sync_copy(oh_hbm, oh)
    pltpu.sync_copy(z16_hbm, zb)
    pltpu.sync_copy(zb, acc.at[pl.ds(base, RPT)])
    plsc.subcore_barrier()

    def _start(j, carry):
        pltpu.async_copy(oh, acc.at[dv.at[j]], sem, add=True)
        return carry

    lax.fori_loop(0, 16, _start, 0)

    def _slide(j, carry):
        pltpu.make_async_copy(oh, acc.at[dv.at[0]], sem).wait()
        pltpu.async_copy(oh, acc.at[dv.at[j + 16]], sem, add=True)
        return carry

    lax.fori_loop(0, CW - 16, _slide, 0)

    def _drain(j, carry):
        pltpu.make_async_copy(oh, acc.at[dv.at[0]], sem).wait()
        return carry

    lax.fori_loop(0, 16, _drain, 0)
    plsc.subcore_barrier()
    pltpu.sync_copy(acc.at[pl.ds(base, RPT)], zb)

    @pl.when(cid == 0)
    def _():
        pltpu.sync_copy(zb, out0_hbm.at[pl.ds(base, RPT)])

    @pl.when(cid != 0)
    def _():
        pltpu.sync_copy(zb, out1_hbm.at[pl.ds(base, RPT)])


def _dis_from_views(d0v, d1v, nrows):
    nv = nrows // 8
    dv = d0v + d1v
    sel = (lax.broadcasted_iota(jnp.int32, (nrows, nv), 0) // 8
           == lax.broadcasted_iota(jnp.int32, (nrows, nv), 1)).astype(jnp.float32)
    rep = jnp.dot(sel, dv, preferred_element_type=jnp.float32)
    lane = (lax.broadcasted_iota(jnp.int32, (nrows, 128), 1)
            == 16 * (lax.broadcasted_iota(jnp.int32, (nrows, 128), 0) % 8))
    deg = jnp.sum(jnp.where(lane, rep, 0.0), axis=1, keepdims=True) + 1.0
    return lax.rsqrt(deg)


def _ka_body(z_ref, w1_ref, b1_ref, wg_ref, d0_ref, d1_ref, y_ref):
    h = jnp.dot(z_ref[...], w1_ref[...], preferred_element_type=jnp.float32)
    h = jnp.maximum(h + b1_ref[...], 0.0)
    xw = jnp.dot(h, wg_ref[...], preferred_element_type=jnp.float32)
    y_ref[...] = xw * _dis_from_views(d0_ref[...], d1_ref[...], RB)


def _ka(z_p, W1, b1r, Wg, deg0, deg1):
    return pl.pallas_call(
        _ka_body,
        grid=(GRID,),
        in_specs=[
            pl.BlockSpec((RB, D), lambda i: (i, 0)),
            pl.BlockSpec((D, D), lambda i: (0, 0)),
            pl.BlockSpec((1, D), lambda i: (0, 0)),
            pl.BlockSpec((D, D), lambda i: (0, 0)),
            pl.BlockSpec((RB // 8, D), lambda i: (i, 0)),
            pl.BlockSpec((RB // 8, D), lambda i: (i, 0)),
        ],
        out_specs=pl.BlockSpec((RB, D), lambda i: (i, 0)),
        out_shape=jax.ShapeDtypeStruct((NP, D), jnp.float32),
    )(z_p, W1, b1r, Wg, deg0, deg1)


@functools.partial(
    pl.kernel,
    out_type=jax.ShapeDtypeStruct((NP, D), jnp.float32),
    mesh=_mesh,
    compiler_params=_sc_params,
    scratch_types=[
        pltpu.VMEM((CW, CK), jnp.int32),
        pltpu.VMEM((CW, CK), jnp.int32),
        pltpu.VMEM((CK, HW), jnp.float32),
        pltpu.VMEM((CK, HW), jnp.float32),
        pltpu.VMEM((CK, HW), jnp.float32),
        pltpu.VMEM((CK, HW), jnp.float32),
        pltpu.VMEM((CK, HW), jnp.float32),
        pltpu.VMEM((CK, HW), jnp.float32),
        pltpu.VMEM((CK, HW), jnp.float32),
        pltpu.VMEM((CK, HW), jnp.float32),
        pltpu.VMEM_SHARED((NP, HW), jnp.float32),
        [pltpu.SemaphoreType.DMA] * 8,
        [pltpu.SemaphoreType.DMA] * 8,
    ],
)
def _seg_kernel(y2_hbm, s_hbm, d_hbm, zslab_hbm, p_hbm,
                sv, dv, rb0, rb1, rb2, rb3, rb4, rb5, rb6, rb7,
                acc, gs, sse):
    cid = lax.axis_index("c")
    sid = lax.axis_index("s")
    base = sid * RPT
    off = cid * HW

    pltpu.sync_copy(zslab_hbm, acc.at[pl.ds(base, RPT)])
    plsc.subcore_barrier()

    def _mkidx(r, carry):
        for c8 in range(CK // 16):
            sl = pl.ds(16 * c8, 16)
            sv[r, sl] = sv[r, sl] * 2 + cid
        return carry

    rbs = (rb0, rb1, rb2, rb3, rb4, rb5, rb6, rb7)
    NB = 8

    for half in range(2):
        wrow = sid * 2 + half
        pltpu.sync_copy(s_hbm.at[wrow], sv)
        pltpu.sync_copy(d_hbm.at[wrow], dv)
        lax.fori_loop(0, CW, _mkidx, 0)

        for b in range(NB // 2):
            pltpu.async_copy(y2_hbm.at[sv.at[b]], rbs[b], gs[b])
        for j in range(NB // 2):
            pltpu.make_async_copy(y2_hbm.at[sv.at[j]], rbs[j], gs[j]).wait()
            pltpu.async_copy(rbs[j], acc.at[dv.at[j]], sse[j], add=True)
            pltpu.async_copy(y2_hbm.at[sv.at[j + 4]], rbs[j + 4], gs[j + 4])

        def _body(t, carry):
            for b8 in range(NB):
                j = 4 + NB * t + b8
                bb = (4 + b8) % NB
                br = b8
                pltpu.make_async_copy(y2_hbm.at[sv.at[j]], rbs[bb], gs[bb]).wait()
                pltpu.async_copy(rbs[bb], acc.at[dv.at[j]], sse[bb], add=True)
                pltpu.make_async_copy(rbs[br], acc.at[dv.at[0]], sse[br]).wait()
                pltpu.async_copy(y2_hbm.at[sv.at[j + 4]], rbs[br], gs[br])
            return carry

        lax.fori_loop(0, (CW - 8) // NB, _body, 0)
        for j in (CW - 4, CW - 3, CW - 2, CW - 1):
            bb = j % NB
            pltpu.make_async_copy(y2_hbm.at[sv.at[j]], rbs[bb], gs[bb]).wait()
            pltpu.async_copy(rbs[bb], acc.at[dv.at[j]], sse[bb], add=True)
        for b in range(NB):
            pltpu.make_async_copy(rbs[b], acc.at[dv.at[0]], sse[b]).wait()

    plsc.subcore_barrier()
    pltpu.sync_copy(acc.at[pl.ds(base, RPT)],
                    p_hbm.at[pl.ds(base, RPT), pl.ds(off, HW)])


def _kc_body(p_ref, y_ref, d0_ref, d1_ref, bg_ref, w2_ref, b2_ref, o_ref):
    dis = _dis_from_views(d0_ref[...], d1_ref[...], RBO)
    h = jnp.maximum((p_ref[...] + y_ref[...]) * dis + bg_ref[...], 0.0)
    o = jnp.dot(h, w2_ref[...], preferred_element_type=jnp.float32)
    o = o + b2_ref[...]
    col = lax.broadcasted_iota(jnp.int32, (RBO, D), 1)
    o_ref[...] = jnp.where(col == 0, jax.nn.sigmoid(o), o)


def _kc(p, y, deg0, deg1, bgr, W2, b2r):
    return pl.pallas_call(
        _kc_body,
        grid=(GRID_O,),
        in_specs=[
            pl.BlockSpec((RBO, D), lambda i: (i, 0)),
            pl.BlockSpec((RBO, D), lambda i: (i, 0)),
            pl.BlockSpec((RBO // 8, D), lambda i: (i, 0)),
            pl.BlockSpec((RBO // 8, D), lambda i: (i, 0)),
            pl.BlockSpec((1, D), lambda i: (0, 0)),
            pl.BlockSpec((D, D), lambda i: (0, 0)),
            pl.BlockSpec((1, D), lambda i: (0, 0)),
        ],
        out_specs=pl.BlockSpec((RBO, D), lambda i: (i, 0)),
        out_shape=jax.ShapeDtypeStruct((N, D), jnp.float32),
    )(p, y, deg0, deg1, bgr, W2, b2r)


@jax.jit
def kernel(z, W1, b1, Wg, bg, W2, b2, edge_index):
    z_p = jnp.pad(z, ((0, NP - N), (0, 0)))
    b1r = b1.reshape(1, D)
    bgr = bg.reshape(1, D)
    b2r = b2.reshape(1, D)

    npad = EP - E
    pad_idx = (N + (jnp.arange(npad, dtype=jnp.int32) % (NP - N))).astype(jnp.int32)
    s_r = jnp.concatenate([edge_index[0], pad_idx]).reshape(NW, CW, CK)
    d_r = jnp.concatenate([edge_index[1], pad_idx]).reshape(NW, CW, CK)

    onehot = jnp.zeros((CK, 16), jnp.float32).at[:, 0].set(1.0)
    zeros16 = jnp.zeros((RPT, 16), jnp.float32)
    zslab = jnp.zeros((RPT, HW), jnp.float32)

    deg0, deg1 = _deg_kernel(d_r, onehot, zeros16)
    deg0v = deg0.reshape(NP // 8, D)
    deg1v = deg1.reshape(NP // 8, D)
    y = _ka(z_p, W1, b1r, Wg, deg0v, deg1v)
    y2 = y.reshape(2 * NP, HW)
    p = _seg_kernel(y2, s_r, d_r, zslab)
    return _kc(p, y, deg0v, deg1v, bgr, W2, b2r)

# --- scband reference (transcript-rebuilt; emitter-appended) ---
"""Pipeline reference for scband-variational-graph-decoder-34497177322135 (READ-ONLY COPY).

The authoritative reference and input builder live on the scoring server;
editing this copy changes nothing except your own understanding.
"""

import jax, jax.numpy as jnp
import numpy as np

N = 10000
E = 320000
D = 128
OUT = 128


def _linear_init(key, fan_in, fan_out):
    s = 1.0 / np.sqrt(fan_in)
    kw, kb = jax.random.split(key)
    W = jax.random.uniform(kw, (fan_in, fan_out), minval=-s, maxval=s, dtype=jnp.float32)
    b = jax.random.uniform(kb, (fan_out,), minval=-s, maxval=s, dtype=jnp.float32)
    return W, b


def setup_inputs(seed: int = 0) -> dict:
    key = jax.random.key(seed)
    k0, k1, k2, k3, k4 = jax.random.split(key, 5)
    z = jax.random.normal(k0, (N, D), dtype=jnp.float32)
    edge_index = jax.random.randint(k1, (2, E), 0, N, dtype=jnp.int32)
    W1, b1 = _linear_init(k2, D, D)
    Wg, bg = _linear_init(k3, D, D)
    W2, b2 = _linear_init(k4, D, OUT)
    return {"z": z, "W1": W1, "b1": b1, "Wg": Wg, "bg": bg, "W2": W2, "b2": b2, "edge_index": edge_index}


def _gcn_conv(x, edge_index, Wg, bg, num_nodes):
    # PyG GCNConv: add self-loops, symmetric normalization, linear transform, scatter-add
    src = edge_index[0]
    dst = edge_index[1]
    loop = jnp.arange(num_nodes, dtype=src.dtype)
    s = jnp.concatenate([src, loop])
    d = jnp.concatenate([dst, loop])
    deg = jnp.zeros((num_nodes,), jnp.float32).at[d].add(1.0)
    deg_inv_sqrt = jnp.where(deg > 0, jax.lax.rsqrt(jnp.maximum(deg, 1e-12)), 0.0)
    norm = deg_inv_sqrt[s] * deg_inv_sqrt[d]
    xw = x @ Wg
    msg = xw[s] * norm[:, None]
    out = jax.ops.segment_sum(msg, d, num_segments=num_nodes)
    return out + bg


def reference(z, W1, b1, Wg, bg, W2, b2, edge_index):
    h = jnp.maximum(z @ W1 + b1, 0.0)
    h = jnp.maximum(_gcn_conv(h, edge_index, Wg, bg, N), 0.0)
    out = h @ W2 + b2
    out = out.at[:, 0].set(jax.nn.sigmoid(out[:, 0]))
    return out

if __name__ == "__main__":
    import jax
    _d = setup_inputs()
    print(jax.jit(kernel)(*tuple(_d.values())))

</pallas_src>

<mosaic_0001>
#map = affine_map<(d0, d1) -> (0, 0, 0)>
#map1 = affine_map<(d0, d1) -> (0, 0)>
module attributes {stable_mosaic.version = 14 : i64} {
  func.func @_deg_kernel(%arg0: i32, %arg1: i32, %arg2: memref<32x80x128xi32, #tpu.memory_space<hbm>>, %arg3: memref<128x16xf32, #tpu.memory_space<hbm>>, %arg4: memref<640x16xf32, #tpu.memory_space<hbm>>, %arg5: memref<10240x16xf32, #tpu.memory_space<hbm>>, %arg6: memref<10240x16xf32, #tpu.memory_space<hbm>>, %arg7: memref<80x128xi32, #tpu.memory_space<vmem>>, %arg8: memref<128x16xf32, #tpu.memory_space<vmem>>, %arg9: memref<640x16xf32, #tpu.memory_space<vmem>>, %arg10: memref<10240x16xf32, #tpu.memory_space<vmem_shared>>, %arg11: memref<!tpu.dma_semaphore, #tpu.memory_space<semaphore_mem>>) attributes {dimension_semantics = [#tpu.dimension_semantics<core_parallel>, #tpu.dimension_semantics<subcore_parallel>], iteration_bounds = array<i64: 2, 16>, scalar_prefetch = 0 : i64, scratch_operands = 5 : i64, tpu.core_type = #tpu.core_type<sc_vector_subcore>, window_params = [{transform_indices = #map}, {transform_indices = #map1}, {transform_indices = #map1}, {transform_indices = #map1}, {transform_indices = #map1}]} {
    %mul3A = arith.constant 2 : i32
    %mul3A_0 = arith.muli %arg1, %mul3A : i32
    %add3A = arith.addi %mul3A_0, %arg0 : i32
    %mul3A_1 = arith.constant 640 : i32
    %mul3A_2 = arith.muli %arg1, %mul3A_1 : i32
    "tpu.region"() ({
      %run_scoped3A = tpu.sem_alloc : memref<!tpu.dma_semaphore, #tpu.memory_space<semaphore_mem>>
      %dma_start3A = arith.constant 0 : i32
      %dma_start3A_27 = arith.constant 0 : i32
      %dma_start3A_28 = tpu.memref_slice %arg2[%add3A, %dma_start3A, %dma_start3A_27] : memref<32x80x128xi32, #tpu.memory_space<hbm>> -> memref<1x80x128xi32, #tpu.memory_space<hbm>>
      %dma_start3A_29 = tpu.memref_squeeze %dma_start3A_28 : memref<1x80x128xi32, #tpu.memory_space<hbm>> -> memref<80x128xi32, #tpu.memory_space<hbm>>
      %dma_start3A_30 = arith.constant 0 : i32
      %dma_start3A_31 = arith.constant 0 : i32
      %dma_start3A_32 = tpu.memref_slice %arg2[%add3A, %dma_start3A_30, %dma_start3A_31] : memref<32x80x128xi32, #tpu.memory_space<hbm>> -> memref<1x80x128xi32, #tpu.memory_space<hbm>>
      %dma_start3A_33 = tpu.memref_squeeze %dma_start3A_32 : memref<1x80x128xi32, #tpu.memory_space<hbm>> -> memref<80x128xi32, #tpu.memory_space<hbm>>
      tpu.enqueue_dma source(%dma_start3A_33 : memref<80x128xi32, #tpu.memory_space<hbm>>) target(%arg7 : memref<80x128xi32, #tpu.memory_space<vmem>>) target_semaphore(%run_scoped3A : memref<!tpu.dma_semaphore, #tpu.memory_space<semaphore_mem>>)
      %dma_wait3A = arith.constant 0 : i32
      %dma_wait3A_34 = arith.constant 0 : i32
      %dma_wait3A_35 = tpu.memref_slice %arg2[%add3A, %dma_wait3A, %dma_wait3A_34] : memref<32x80x128xi32, #tpu.memory_space<hbm>> -> memref<1x80x128xi32, #tpu.memory_space<hbm>>
      %dma_wait3A_36 = tpu.memref_squeeze %dma_wait3A_35 : memref<1x80x128xi32, #tpu.memory_space<hbm>> -> memref<80x128xi32, #tpu.memory_space<hbm>>
      %dma_wait3A_37 = arith.constant 0 : i32
      %dma_wait3A_38 = arith.constant 0 : i32
      %dma_wait3A_39 = tpu.memref_slice %arg2[%add3A, %dma_wait3A_37, %dma_wait3A_38] : memref<32x80x128xi32, #tpu.memory_space<hbm>> -> memref<1x80x128xi32, #tpu.memory_space<hbm>>
      %dma_wait3A_40 = tpu.memref_squeeze %dma_wait3A_39 : memref<1x80x128xi32, #tpu.memory_space<hbm>> -> memref<80x128xi32, #tpu.memory_space<hbm>>
      tpu.wait_dma2 semaphore(%run_scoped3A : memref<!tpu.dma_semaphore, #tpu.memory_space<semaphore_mem>>) src(%dma_wait3A_40 : memref<80x128xi32, #tpu.memory_space<hbm>>) dst(%arg7 : memref<80x128xi32, #tpu.memory_space<vmem>>)
      tpu.yield
    }) : () -> ()
    "tpu.region"() ({
      %run_scoped3A = tpu.sem_alloc : memref<!tpu.dma_semaphore, #tpu.memory_space<semaphore_mem>>
      tpu.enqueue_dma source(%arg3 : memref<128x16xf32, #tpu.memory_space<hbm>>) target(%arg8 : memref<128x16xf32, #tpu.memory_space<vmem>>) target_semaphore(%run_scoped3A : memref<!tpu.dma_semaphore, #tpu.memory_space<semaphore_mem>>)
      tpu.wait_dma2 semaphore(%run_scoped3A : memref<!tpu.dma_semaphore, #tpu.memory_space<semaphore_mem>>) src(%arg3 : memref<128x16xf32, #tpu.memory_space<hbm>>) dst(%arg8 : memref<128x16xf32, #tpu.memory_space<vmem>>)
      tpu.yield
    }) : () -> ()
    "tpu.region"() ({
      %run_scoped3A = tpu.sem_alloc : memref<!tpu.dma_semaphore, #tpu.memory_space<semaphore_mem>>
      tpu.enqueue_dma source(%arg4 : memref<640x16xf32, #tpu.memory_space<hbm>>) target(%arg9 : memref<640x16xf32, #tpu.memory_space<vmem>>) target_semaphore(%run_scoped3A : memref<!tpu.dma_semaphore, #tpu.memory_space<semaphore_mem>>)
      tpu.wait_dma2 semaphore(%run_scoped3A : memref<!tpu.dma_semaphore, #tpu.memory_space<semaphore_mem>>) src(%arg4 : memref<640x16xf32, #tpu.memory_space<hbm>>) dst(%arg9 : memref<640x16xf32, #tpu.memory_space<vmem>>)
      tpu.yield
    }) : () -> ()
    "tpu.region"() ({
      %run_scoped3A = tpu.sem_alloc : memref<!tpu.dma_semaphore, #tpu.memory_space<semaphore_mem>>
      %dma_start3A = arith.constant 0 : i32
      %dma_start3A_27 = tpu.memref_slice %arg10[%mul3A_2, %dma_start3A] : memref<10240x16xf32, #tpu.memory_space<vmem_shared>> -> memref<640x16xf32, #tpu.memory_space<vmem_shared>>
      %dma_start3A_28 = arith.constant 0 : i32
      %dma_start3A_29 = tpu.memref_slice %arg10[%mul3A_2, %dma_start3A_28] : memref<10240x16xf32, #tpu.memory_space<vmem_shared>> -> memref<640x16xf32, #tpu.memory_space<vmem_shared>>
      tpu.enqueue_dma source(%arg9 : memref<640x16xf32, #tpu.memory_space<vmem>>) target(%dma_start3A_29 : memref<640x16xf32, #tpu.memory_space<vmem_shared>>) target_semaphore(%run_scoped3A : memref<!tpu.dma_semaphore, #tpu.memory_space<semaphore_mem>>)
      %dma_wait3A = arith.constant 0 : i32
      %dma_wait3A_30 = tpu.memref_slice %arg10[%mul3A_2, %dma_wait3A] : memref<10240x16xf32, #tpu.memory_space<vmem_shared>> -> memref<640x16xf32, #tpu.memory_space<vmem_shared>>
      %dma_wait3A_31 = arith.constant 0 : i32
      %dma_wait3A_32 = tpu.memref_slice %arg10[%mul3A_2, %dma_wait3A_31] : memref<10240x16xf32, #tpu.memory_space<vmem_shared>> -> memref<640x16xf32, #tpu.memory_space<vmem_shared>>
      tpu.wait_dma2 semaphore(%run_scoped3A : memref<!tpu.dma_semaphore, #tpu.memory_space<semaphore_mem>>) src(%arg9 : memref<640x16xf32, #tpu.memory_space<vmem>>) dst(%dma_wait3A_32 : memref<640x16xf32, #tpu.memory_space<vmem_shared>>)
      tpu.yield
    }) : () -> ()
    %barrier3A = arith.constant 0 : index
    tpu.barrier barrier_id(%barrier3A)
    %scan3A = arith.constant 0 : i32
    %scan3A_3 = arith.constant 0 : i32
    %scan3A_4 = arith.constant 16 : i32
    %scan3A_5 = arith.addi %scan3A_3, %scan3A_4 : i32
    %scan3A_6 = arith.constant 1 : i32
    scf.for %scan3A_27 = %scan3A_3 to %scan3A_5 step %scan3A_6  : i32 {
      %dma_start3A = arith.constant 0 : i32
      %dma_start3A_28 = tpu.memref_slice %arg7[%scan3A_27, %dma_start3A] : memref<80x128xi32, #tpu.memory_space<vmem>> -> memref<1x128xi32, #tpu.memory_space<vmem>>
      %dma_start3A_29 = tpu.memref_squeeze %dma_start3A_28 : memref<1x128xi32, #tpu.memory_space<vmem>> -> memref<128xi32, #tpu.memory_space<vmem>>
      %dma_start3A_30 = arith.constant 0 : i32
      %dma_start3A_31 = arith.constant 0 : i32
      %dma_start3A_32 = tpu.memref_slice %arg10[%dma_start3A_30, %dma_start3A_31] : memref<10240x16xf32, #tpu.memory_space<vmem_shared>> -> memref<10240x16xf32, #tpu.memory_space<vmem_shared>>
      tpu.enqueue_indirect_dma source(%arg8 : memref<128x16xf32, #tpu.memory_space<vmem>>) target(%dma_start3A_32 : memref<10240x16xf32, #tpu.memory_space<vmem_shared>>) offsets(%dma_start3A_29 : memref<128xi32, #tpu.memory_space<vmem>>) semaphore(%arg11 : memref<!tpu.dma_semaphore, #tpu.memory_space<semaphore_mem>>) {add = true}
    }
    %scan3A_7 = arith.constant 16 : i32
    %scan3A_8 = arith.constant 0 : i32
    %scan3A_9 = arith.constant 0 : i32
    %scan3A_10 = arith.constant 64 : i32
    %scan3A_11 = arith.addi %scan3A_9, %scan3A_10 : i32
    %scan3A_12 = arith.constant 1 : i32
    scf.for %scan3A_27 = %scan3A_9 to %scan3A_11 step %scan3A_12  : i32 {
      %dma_wait3A = arith.constant 0 : i32
      %dma_wait3A_28 = arith.constant 0 : i32
      %dma_wait3A_29 = tpu.memref_slice %arg7[%dma_wait3A, %dma_wait3A_28] : memref<80x128xi32, #tpu.memory_space<vmem>> -> memref<1x128xi32, #tpu.memory_space<vmem>>
      %dma_wait3A_30 = tpu.memref_squeeze %dma_wait3A_29 : memref<1x128xi32, #tpu.memory_space<vmem>> -> memref<128xi32, #tpu.memory_space<vmem>>
      %dma_wait3A_31 = arith.constant 0 : i32
      %dma_wait3A_32 = arith.constant 0 : i32
      %dma_wait3A_33 = tpu.memref_slice %arg10[%dma_wait3A_31, %dma_wait3A_32] : memref<10240x16xf32, #tpu.memory_space<vmem_shared>> -> memref<10240x16xf32, #tpu.memory_space<vmem_shared>>
      tpu.wait_indirect_dma semaphore(%arg11 : memref<!tpu.dma_semaphore, #tpu.memory_space<semaphore_mem>>) src(%arg8 : memref<128x16xf32, #tpu.memory_space<vmem>>) dst(%dma_wait3A_33 : memref<10240x16xf32, #tpu.memory_space<vmem_shared>>)
      %add3A_34 = arith.constant 16 : i32
      %add3A_35 = arith.addi %scan3A_27, %add3A_34 : i32
      %dma_start3A = arith.constant 0 : i32
      %dma_start3A_36 = tpu.memref_slice %arg7[%add3A_35, %dma_start3A] : memref<80x128xi32, #tpu.memory_space<vmem>> -> memref<1x128xi32, #tpu.memory_space<vmem>>
      %dma_start3A_37 = tpu.memref_squeeze %dma_start3A_36 : memref<1x128xi32, #tpu.memory_space<vmem>> -> memref<128xi32, #tpu.memory_space<vmem>>
      %dma_start3A_38 = arith.constant 0 : i32
      %dma_start3A_39 = arith.constant 0 : i32
      %dma_start3A_40 = tpu.memref_slice %arg10[%dma_start3A_38, %dma_start3A_39] : memref<10240x16xf32, #tpu.memory_space<vmem_shared>> -> memref<10240x16xf32, #tpu.memory_space<vmem_shared>>
      tpu.enqueue_indirect_dma source(%arg8 : memref<128x16xf32, #tpu.memory_space<vmem>>) target(%dma_start3A_40 : memref<10240x16xf32, #tpu.memory_space<vmem_shared>>) offsets(%dma_start3A_37 : memref<128xi32, #tpu.memory_space<vmem>>) semaphore(%arg11 : memref<!tpu.dma_semaphore, #tpu.memory_space<semaphore_mem>>) {add = true}
    }
    %scan3A_13 = arith.constant 64 : i32
    %scan3A_14 = arith.constant 0 : i32
    %scan3A_15 = arith.constant 0 : i32
    %scan3A_16 = arith.constant 16 : i32
    %scan3A_17 = arith.addi %scan3A_15, %scan3A_16 : i32
    %scan3A_18 = arith.constant 1 : i32
    scf.for %scan3A_27 = %scan3A_15 to %scan3A_17 step %scan3A_18  : i32 {
      %dma_wait3A = arith.constant 0 : i32
      %dma_wait3A_28 = arith.constant 0 : i32
      %dma_wait3A_29 = tpu.memref_slice %arg7[%dma_wait3A, %dma_wait3A_28] : memref<80x128xi32, #tpu.memory_space<vmem>> -> memref<1x128xi32, #tpu.memory_space<vmem>>
      %dma_wait3A_30 = tpu.memref_squeeze %dma_wait3A_29 : memref<1x128xi32, #tpu.memory_space<vmem>> -> memref<128xi32, #tpu.memory_space<vmem>>
      %dma_wait3A_31 = arith.constant 0 : i32
      %dma_wait3A_32 = arith.constant 0 : i32
      %dma_wait3A_33 = tpu.memref_slice %arg10[%dma_wait3A_31, %dma_wait3A_32] : memref<10240x16xf32, #tpu.memory_space<vmem_shared>> -> memref<10240x16xf32, #tpu.memory_space<vmem_shared>>
      tpu.wait_indirect_dma semaphore(%arg11 : memref<!tpu.dma_semaphore, #tpu.memory_space<semaphore_mem>>) src(%arg8 : memref<128x16xf32, #tpu.memory_space<vmem>>) dst(%dma_wait3A_33 : memref<10240x16xf32, #tpu.memory_space<vmem_shared>>)
    }
    %scan3A_19 = arith.constant 16 : i32
    %barrier3A_20 = arith.constant 0 : index
    tpu.barrier barrier_id(%barrier3A_20)
    "tpu.region"() ({
      %run_scoped3A = tpu.sem_alloc : memref<!tpu.dma_semaphore, #tpu.memory_space<semaphore_mem>>
      %dma_start3A = arith.constant 0 : i32
      %dma_start3A_27 = tpu.memref_slice %arg10[%mul3A_2, %dma_start3A] : memref<10240x16xf32, #tpu.memory_space<vmem_shared>> -> memref<640x16xf32, #tpu.memory_space<vmem_shared>>
      %dma_start3A_28 = arith.constant 0 : i32
      %dma_start3A_29 = tpu.memref_slice %arg10[%mul3A_2, %dma_start3A_28] : memref<10240x16xf32, #tpu.memory_space<vmem_shared>> -> memref<640x16xf32, #tpu.memory_space<vmem_shared>>
      tpu.enqueue_dma source(%dma_start3A_29 : memref<640x16xf32, #tpu.memory_space<vmem_shared>>) target(%arg9 : memref<640x16xf32, #tpu.memory_space<vmem>>) target_semaphore(%run_scoped3A : memref<!tpu.dma_semaphore, #tpu.memory_space<semaphore_mem>>)
      %dma_wait3A = arith.constant 0 : i32
      %dma_wait3A_30 = tpu.memref_slice %arg10[%mul3A_2, %dma_wait3A] : memref<10240x16xf32, #tpu.memory_space<vmem_shared>> -> memref<640x16xf32, #tpu.memory_space<vmem_shared>>
      %dma_wait3A_31 = arith.constant 0 : i32
      %dma_wait3A_32 = tpu.memref_slice %arg10[%mul3A_2, %dma_wait3A_31] : memref<10240x16xf32, #tpu.memory_space<vmem_shared>> -> memref<640x16xf32, #tpu.memory_space<vmem_shared>>
      tpu.wait_dma2 semaphore(%run_scoped3A : memref<!tpu.dma_semaphore, #tpu.memory_space<semaphore_mem>>) src(%dma_wait3A_32 : memref<640x16xf32, #tpu.memory_space<vmem_shared>>) dst(%arg9 : memref<640x16xf32, #tpu.memory_space<vmem>>)
      tpu.yield
    }) : () -> ()
    %eq3A = arith.constant 0 : i32
    %eq3A_21 = arith.cmpi eq, %arg0, %eq3A : i32
    %convert_element_type3A = arith.extui %eq3A_21 : i1 to i32
    %cond3A = arith.constant 0 : i32
    %cond3A_22 = arith.cmpi ne, %convert_element_type3A, %cond3A : i32
    scf.if %cond3A_22 {
      "tpu.region"() ({
        %run_scoped3A = tpu.sem_alloc : memref<!tpu.dma_semaphore, #tpu.memory_space<semaphore_mem>>
        %dma_start3A = arith.constant 0 : i32
        %dma_start3A_27 = tpu.memref_slice %arg5[%mul3A_2, %dma_start3A] : memref<10240x16xf32, #tpu.memory_space<hbm>> -> memref<640x16xf32, #tpu.memory_space<hbm>>
        %dma_start3A_28 = arith.constant 0 : i32
        %dma_start3A_29 = tpu.memref_slice %arg5[%mul3A_2, %dma_start3A_28] : memref<10240x16xf32, #tpu.memory_space<hbm>> -> memref<640x16xf32, #tpu.memory_space<hbm>>
        tpu.enqueue_dma source(%arg9 : memref<640x16xf32, #tpu.memory_space<vmem>>) target(%dma_start3A_29 : memref<640x16xf32, #tpu.memory_space<hbm>>) target_semaphore(%run_scoped3A : memref<!tpu.dma_semaphore, #tpu.memory_space<semaphore_mem>>)
        %dma_wait3A = arith.constant 0 : i32
        %dma_wait3A_30 = tpu.memref_slice %arg5[%mul3A_2, %dma_wait3A] : memref<10240x16xf32, #tpu.memory_space<hbm>> -> memref<640x16xf32, #tpu.memory_space<hbm>>
        %dma_wait3A_31 = arith.constant 0 : i32
        %dma_wait3A_32 = tpu.memref_slice %arg5[%mul3A_2, %dma_wait3A_31] : memref<10240x16xf32, #tpu.memory_space<hbm>> -> memref<640x16xf32, #tpu.memory_space<hbm>>
        tpu.wait_dma2 semaphore(%run_scoped3A : memref<!tpu.dma_semaphore, #tpu.memory_space<semaphore_mem>>) src(%arg9 : memref<640x16xf32, #tpu.memory_space<vmem>>) dst(%dma_wait3A_32 : memref<640x16xf32, #tpu.memory_space<hbm>>)
        tpu.yield
      }) : () -> ()
    } else {
    }
    %ne3A = arith.constant 0 : i32
    %ne3A_23 = arith.cmpi ne, %arg0, %ne3A : i32
    %convert_element_type3A_24 = arith.extui %ne3A_23 : i1 to i32
    %cond3A_25 = arith.constant 0 : i32
    %cond3A_26 = arith.cmpi ne, %convert_element_type3A_24, %cond3A_25 : i32
    scf.if %cond3A_26 {
      "tpu.region"() ({
        %run_scoped3A = tpu.sem_alloc : memref<!tpu.dma_semaphore, #tpu.memory_space<semaphore_mem>>
        %dma_start3A = arith.constant 0 : i32
        %dma_start3A_27 = tpu.memref_slice %arg6[%mul3A_2, %dma_start3A] : memref<10240x16xf32, #tpu.memory_space<hbm>> -> memref<640x16xf32, #tpu.memory_space<hbm>>
        %dma_start3A_28 = arith.constant 0 : i32
        %dma_start3A_29 = tpu.memref_slice %arg6[%mul3A_2, %dma_start3A_28] : memref<10240x16xf32, #tpu.memory_space<hbm>> -> memref<640x16xf32, #tpu.memory_space<hbm>>
        tpu.enqueue_dma source(%arg9 : memref<640x16xf32, #tpu.memory_space<vmem>>) target(%dma_start3A_29 : memref<640x16xf32, #tpu.memory_space<hbm>>) target_semaphore(%run_scoped3A : memref<!tpu.dma_semaphore, #tpu.memory_space<semaphore_mem>>)
        %dma_wait3A = arith.constant 0 : i32
        %dma_wait3A_30 = tpu.memref_slice %arg6[%mul3A_2, %dma_wait3A] : memref<10240x16xf32, #tpu.memory_space<hbm>> -> memref<640x16xf32, #tpu.memory_space<hbm>>
        %dma_wait3A_31 = arith.constant 0 : i32
        %dma_wait3A_32 = tpu.memref_slice %arg6[%mul3A_2, %dma_wait3A_31] : memref<10240x16xf32, #tpu.memory_space<hbm>> -> memref<640x16xf32, #tpu.memory_space<hbm>>
        tpu.wait_dma2 semaphore(%run_scoped3A : memref<!tpu.dma_semaphore, #tpu.memory_space<semaphore_mem>>) src(%arg9 : memref<640x16xf32, #tpu.memory_space<vmem>>) dst(%dma_wait3A_32 : memref<640x16xf32, #tpu.memory_space<hbm>>)
        tpu.yield
      }) : () -> ()
    } else {
    }
    return
  }
}

#map = affine_map<(d0, d1) -> (0, 0)>
#map1 = affine_map<(d0, d1) -> (0, 0, 0)>
module attributes {stable_mosaic.version = 14 : i64} {
  func.func @_seg_kernel(%arg0: i32, %arg1: i32, %arg2: memref<20480x64xf32, #tpu.memory_space<hbm>>, %arg3: memref<32x80x128xi32, #tpu.memory_space<hbm>>, %arg4: memref<32x80x128xi32, #tpu.memory_space<hbm>>, %arg5: memref<640x64xf32, #tpu.memory_space<hbm>>, %arg6: memref<10240x128xf32, #tpu.memory_space<hbm>>, %arg7: memref<80x128xi32, #tpu.memory_space<vmem>>, %arg8: memref<80x128xi32, #tpu.memory_space<vmem>>, %arg9: memref<128x64xf32, #tpu.memory_space<vmem>>, %arg10: memref<128x64xf32, #tpu.memory_space<vmem>>, %arg11: memref<128x64xf32, #tpu.memory_space<vmem>>, %arg12: memref<128x64xf32, #tpu.memory_space<vmem>>, %arg13: memref<128x64xf32, #tpu.memory_space<vmem>>, %arg14: memref<128x64xf32, #tpu.memory_space<vmem>>, %arg15: memref<128x64xf32, #tpu.memory_space<vmem>>, %arg16: memref<128x64xf32, #tpu.memory_space<vmem>>, %arg17: memref<10240x64xf32, #tpu.memory_space<vmem_shared>>, %arg18: memref<!tpu.dma_semaphore, #tpu.memory_space<semaphore_mem>>, %arg19: memref<!tpu.dma_semaphore, #tpu.memory_space<semaphore_mem>>, %arg20: memref<!tpu.dma_semaphore, #tpu.memory_space<semaphore_mem>>, %arg21: memref<!tpu.dma_semaphore, #tpu.memory_space<semaphore_mem>>, %arg22: memref<!tpu.dma_semaphore, #tpu.memory_space<semaphore_mem>>, %arg23: memref<!tpu.dma_semaphore, #tpu.memory_space<semaphore_mem>>, %arg24: memref<!tpu.dma_semaphore, #tpu.memory_space<semaphore_mem>>, %arg25: memref<!tpu.dma_semaphore, #tpu.memory_space<semaphore_mem>>, %arg26: memref<!tpu.dma_semaphore, #tpu.memory_space<semaphore_mem>>, %arg27: memref<!tpu.dma_semaphore, #tpu.memory_space<semaphore_mem>>, %arg28: memref<!tpu.dma_semaphore, #tpu.memory_space<semaphore_mem>>, %arg29: memref<!tpu.dma_semaphore, #tpu.memory_space<semaphore_mem>>, %arg30: memref<!tpu.dma_semaphore, #tpu.memory_space<semaphore_mem>>, %arg31: memref<!tpu.dma_semaphore, #tpu.memory_space<semaphore_mem>>, %arg32: memref<!tpu.dma_semaphore, #tpu.memory_space<semaphore_mem>>, %arg33: memref<!tpu.dma_semaphore, #tpu.memory_space<semaphore_mem>>) attributes {dimension_semantics = [#tpu.dimension_semantics<core_parallel>, #tpu.dimension_semantics<subcore_parallel>], iteration_bounds = array<i64: 2, 16>, scalar_prefetch = 0 : i64, scratch_operands = 27 : i64, tpu.core_type = #tpu.core_type<sc_vector_subcore>, window_params = [{transform_indices = #map}, {transform_indices = #map1}, {transform_indices = #map1}, {transform_indices = #map}, {transform_indices = #map}]} {
    %mul3A = arith.constant 640 : i32
    %mul3A_0 = arith.muli %arg1, %mul3A : i32
    %mul3A_1 = arith.constant 64 : i32
    %mul3A_2 = arith.muli %arg0, %mul3A_1 : i32
    "tpu.region"() ({
      %run_scoped3A = tpu.sem_alloc : memref<!tpu.dma_semaphore, #tpu.memory_space<semaphore_mem>>
      %dma_start3A_480 = arith.constant 0 : i32
      %dma_start3A_481 = tpu.memref_slice %arg17[%mul3A_0, %dma_start3A_480] : memref<10240x64xf32, #tpu.memory_space<vmem_shared>> -> memref<640x64xf32, #tpu.memory_space<vmem_shared>>
      tpu.enqueue_dma source(%arg5 : memref<640x64xf32, #tpu.memory_space<hbm>>) target(%dma_start3A_481 : memref<640x64xf32, #tpu.memory_space<vmem_shared>>) target_semaphore(%run_scoped3A : memref<!tpu.dma_semaphore, #tpu.memory_space<semaphore_mem>>)
      %dma_wait3A_482 = arith.constant 0 : i32
      %dma_wait3A_483 = tpu.memref_slice %arg17[%mul3A_0, %dma_wait3A_482] : memref<10240x64xf32, #tpu.memory_space<vmem_shared>> -> memref<640x64xf32, #tpu.memory_space<vmem_shared>>
      tpu.wait_dma2 semaphore(%run_scoped3A : memref<!tpu.dma_semaphore, #tpu.memory_space<semaphore_mem>>) src(%arg5 : memref<640x64xf32, #tpu.memory_space<hbm>>) dst(%dma_wait3A_483 : memref<640x64xf32, #tpu.memory_space<vmem_shared>>)
      tpu.yield
    }) : () -> ()
    %barrier3A = arith.constant 0 : index
    tpu.barrier barrier_id(%barrier3A)
    %mul3A_3 = arith.constant 2 : i32
    %mul3A_4 = arith.muli %arg1, %mul3A_3 : i32
    %add3A = arith.constant 0 : i32
    %add3A_5 = arith.addi %mul3A_4, %add3A : i32
    "tpu.region"() ({
      %run_scoped3A = tpu.sem_alloc : memref<!tpu.dma_semaphore, #tpu.memory_space<semaphore_mem>>
      %dma_start3A_480 = arith.constant 0 : i32
      %dma_start3A_481 = arith.constant 0 : i32
      %dma_start3A_482 = tpu.memref_slice %arg3[%add3A_5, %dma_start3A_480, %dma_start3A_481] : memref<32x80x128xi32, #tpu.memory_space<hbm>> -> memref<1x80x128xi32, #tpu.memory_space<hbm>>
      %dma_start3A_483 = tpu.memref_squeeze %dma_start3A_482 : memref<1x80x128xi32, #tpu.memory_space<hbm>> -> memref<80x128xi32, #tpu.memory_space<hbm>>
      %dma_start3A_484 = arith.constant 0 : i32
      %dma_start3A_485 = arith.constant 0 : i32
      %dma_start3A_486 = tpu.memref_slice %arg3[%add3A_5, %dma_start3A_484, %dma_start3A_485] : memref<32x80x128xi32, #tpu.memory_space<hbm>> -> memref<1x80x128xi32, #tpu.memory_space<hbm>>
      %dma_start3A_487 = tpu.memref_squeeze %dma_start3A_486 : memref<1x80x128xi32, #tpu.memory_space<hbm>> -> memref<80x128xi32, #tpu.memory_space<hbm>>
      tpu.enqueue_dma source(%dma_start3A_487 : memref<80x128xi32, #tpu.memory_space<hbm>>) target(%arg7 : memref<80x128xi32, #tpu.memory_space<vmem>>) target_semaphore(%run_scoped3A : memref<!tpu.dma_semaphore, #tpu.memory_space<semaphore_mem>>)
      %dma_wait3A_488 = arith.constant 0 : i32
      %dma_wait3A_489 = arith.constant 0 : i32
      %dma_wait3A_490 = tpu.memref_slice %arg3[%add3A_5, %dma_wait3A_488, %dma_wait3A_489] : memref<32x80x128xi32, #tpu.memory_space<hbm>> -> memref<1x80x128xi32, #tpu.memory_space<hbm>>
      %dma_wait3A_491 = tpu.memref_squeeze %dma_wait3A_490 : memref<1x80x128xi32, #tpu.memory_space<hbm>> -> memref<80x128xi32, #tpu.memory_space<hbm>>
      %dma_wait3A_492 = arith.constant 0 : i32
      %dma_wait3A_493 = arith.constant 0 : i32
      %dma_wait3A_494 = tpu.memref_slice %arg3[%add3A_5, %dma_wait3A_492, %dma_wait3A_493] : memref<32x80x128xi32, #tpu.memory_space<hbm>> -> memref<1x80x128xi32, #tpu.memory_space<hbm>>
      %dma_wait3A_495 = tpu.memref_squeeze %dma_wait3A_494 : memref<1x80x128xi32, #tpu.memory_space<hbm>> -> memref<80x128xi32, #tpu.memory_space<hbm>>
      tpu.wait_dma2 semaphore(%run_scoped3A : memref<!tpu.dma_semaphore, #tpu.memory_space<semaphore_mem>>) src(%dma_wait3A_495 : memref<80x128xi32, #tpu.memory_space<hbm>>) dst(%arg7 : memref<80x128xi32, #tpu.memory_space<vmem>>)
      tpu.yield
    }) : () -> ()
    "tpu.region"() ({
      %run_scoped3A = tpu.sem_alloc : memref<!tpu.dma_semaphore, #tpu.memory_space<semaphore_mem>>
      %dma_start3A_480 = arith.constant 0 : i32
      %dma_start3A_481 = arith.constant 0 : i32
      %dma_start3A_482 = tpu.memref_slice %arg4[%add3A_5, %dma_start3A_480, %dma_start3A_481] : memref<32x80x128xi32, #tpu.memory_space<hbm>> -> memref<1x80x128xi32, #tpu.memory_space<hbm>>
      %dma_start3A_483 = tpu.memref_squeeze %dma_start3A_482 : memref<1x80x128xi32, #tpu.memory_space<hbm>> -> memref<80x128xi32, #tpu.memory_space<hbm>>
      %dma_start3A_484 = arith.constant 0 : i32
      %dma_start3A_485 = arith.constant 0 : i32
      %dma_start3A_486 = tpu.memref_slice %arg4[%add3A_5, %dma_start3A_484, %dma_start3A_485] : memref<32x80x128xi32, #tpu.memory_space<hbm>> -> memref<1x80x128xi32, #tpu.memory_space<hbm>>
      %dma_start3A_487 = tpu.memref_squeeze %dma_start3A_486 : memref<1x80x128xi32, #tpu.memory_space<hbm>> -> memref<80x128xi32, #tpu.memory_space<hbm>>
      tpu.enqueue_dma source(%dma_start3A_487 : memref<80x128xi32, #tpu.memory_space<hbm>>) target(%arg8 : memref<80x128xi32, #tpu.memory_space<vmem>>) target_semaphore(%run_scoped3A : memref<!tpu.dma_semaphore, #tpu.memory_space<semaphore_mem>>)
      %dma_wait3A_488 = arith.constant 0 : i32
      %dma_wait3A_489 = arith.constant 0 : i32
      %dma_wait3A_490 = tpu.memref_slice %arg4[%add3A_5, %dma_wait3A_488, %dma_wait3A_489] : memref<32x80x128xi32, #tpu.memory_space<hbm>> -> memref<1x80x128xi32, #tpu.memory_space<hbm>>
      %dma_wait3A_491 = tpu.memref_squeeze %dma_wait3A_490 : memref<1x80x128xi32, #tpu.memory_space<hbm>> -> memref<80x128xi32, #tpu.memory_space<hbm>>
      %dma_wait3A_492 = arith.constant 0 : i32
      %dma_wait3A_493 = arith.constant 0 : i32
      %dma_wait3A_494 = tpu.memref_slice %arg4[%add3A_5, %dma_wait3A_492, %dma_wait3A_493] : memref<32x80x128xi32, #tpu.memory_space<hbm>> -> memref<1x80x128xi32, #tpu.memory_space<hbm>>
      %dma_wait3A_495 = tpu.memref_squeeze %dma_wait3A_494 : memref<1x80x128xi32, #tpu.memory_space<hbm>> -> memref<80x128xi32, #tpu.memory_space<hbm>>
      tpu.wait_dma2 semaphore(%run_scoped3A : memref<!tpu.dma_semaphore, #tpu.memory_space<semaphore_mem>>) src(%dma_wait3A_495 : memref<80x128xi32, #tpu.memory_space<hbm>>) dst(%arg8 : memref<80x128xi32, #tpu.memory_space<vmem>>)
      tpu.yield
    }) : () -> ()
    %scan3A = arith.constant 0 : i32
    %scan3A_6 = arith.constant 0 : i32
    %scan3A_7 = arith.constant 80 : i32
    %scan3A_8 = arith.addi %scan3A_6, %scan3A_7 : i32
    %scan3A_9 = arith.constant 1 : i32
    scf.for %scan3A_480 = %scan3A_6 to %scan3A_8 step %scan3A_9  : i32 {
      %get3A = arith.index_cast %scan3A_480 : i32 to index
      %get3A_481 = arith.constant 0 : index
      %get3A_482 = tpu.vector_load %arg7[%get3A, %get3A_481] {strides = array<i32>} : memref<80x128xi32, #tpu.memory_space<vmem>>, vector<1x16xi32>,
      %get3A_483 = vector.shape_cast %get3A_482 : vector<1x16xi32> to vector<16xi32>
      %mul3A_484 = arith.constant 2 : i32
      %mul3A_485 = vector.broadcast %mul3A_484 : i32 to vector<16xi32>
      %mul3A_486 = arith.muli %get3A_483, %mul3A_485 : vector<16xi32>
      %add3A_487 = vector.broadcast %arg0 : i32 to vector<16xi32>
      %add3A_488 = arith.addi %mul3A_486, %add3A_487 : vector<16xi32>
      %swap3A = arith.index_cast %scan3A_480 : i32 to index
      %swap3A_489 = arith.constant 0 : index
      %swap3A_490 = tpu.vector_load %arg7[%swap3A, %swap3A_489] {strides = array<i32>} : memref<80x128xi32, #tpu.memory_space<vmem>>, vector<1x16xi32>,
      %swap3A_491 = vector.shape_cast %swap3A_490 : vector<1x16xi32> to vector<16xi32>
      %swap3A_492 = vector.shape_cast %add3A_488 : vector<16xi32> to vector<1x16xi32>
      tpu.vector_store %arg7[%swap3A, %swap3A_489], %swap3A_492 {strides = array<i32>} : memref<80x128xi32, #tpu.memory_space<vmem>>, vector<1x16xi32>,
      %get3A_493 = arith.index_cast %scan3A_480 : i32 to index
      %get3A_494 = arith.constant 16 : index
      %get3A_495 = tpu.vector_load %arg7[%get3A_493, %get3A_494] {strides = array<i32>} : memref<80x128xi32, #tpu.memory_space<vmem>>, vector<1x16xi32>,
      %get3A_496 = vector.shape_cast %get3A_495 : vector<1x16xi32> to vector<16xi32>
      %mul3A_497 = arith.constant 2 : i32
      %mul3A_498 = vector.broadcast %mul3A_497 : i32 to vector<16xi32>
      %mul3A_499 = arith.muli %get3A_496, %mul3A_498 : vector<16xi32>
      %add3A_500 = vector.broadcast %arg0 : i32 to vector<16xi32>
      %add3A_501 = arith.addi %mul3A_499, %add3A_500 : vector<16xi32>
      %swap3A_502 = arith.index_cast %scan3A_480 : i32 to index
      %swap3A_503 = arith.constant 16 : index
      %swap3A_504 = tpu.vector_load %arg7[%swap3A_502, %swap3A_503] {strides = array<i32>} : memref<80x128xi32, #tpu.memory_space<vmem>>, vector<1x16xi32>,
      %swap3A_505 = vector.shape_cast %swap3A_504 : vector<1x16xi32> to vector<16xi32>
      %swap3A_506 = vector.shape_cast %add3A_501 : vector<16xi32> to vector<1x16xi32>
      tpu.vector_store %arg7[%swap3A_502, %swap3A_503], %swap3A_506 {strides = array<i32>} : memref<80x128xi32, #tpu.memory_space<vmem>>, vector<1x16xi32>,
      %get3A_507 = arith.index_cast %scan3A_480 : i32 to index
      %get3A_508 = arith.constant 32 : index
      %get3A_509 = tpu.vector_load %arg7[%get3A_507, %get3A_508] {strides = array<i32>} : memref<80x128xi32, #tpu.memory_space<vmem>>, vector<1x16xi32>,
      %get3A_510 = vector.shape_cast %get3A_509 : vector<1x16xi32> to vector<16xi32>
      %mul3A_511 = arith.constant 2 : i32
      %mul3A_512 = vector.broadcast %mul3A_511 : i32 to vector<16xi32>
      %mul3A_513 = arith.muli %get3A_510, %mul3A_512 : vector<16xi32>
      %add3A_514 = vector.broadcast %arg0 : i32 to vector<16xi32>
      %add3A_515 = arith.addi %mul3A_513, %add3A_514 : vector<16xi32>
      %swap3A_516 = arith.index_cast %scan3A_480 : i32 to index
      %swap3A_517 = arith.constant 32 : index
      %swap3A_518 = tpu.vector_load %arg7[%swap3A_516, %swap3A_517] {strides = array<i32>} : memref<80x128xi32, #tpu.memory_space<vmem>>, vector<1x16xi32>,
      %swap3A_519 = vector.shape_cast %swap3A_518 : vector<1x16xi32> to vector<16xi32>
      %swap3A_520 = vector.shape_cast %add3A_515 : vector<16xi32> to vector<1x16xi32>
      tpu.vector_store %arg7[%swap3A_516, %swap3A_517], %swap3A_520 {strides = array<i32>} : memref<80x128xi32, #tpu.memory_space<vmem>>, vector<1x16xi32>,
      %get3A_521 = arith.index_cast %scan3A_480 : i32 to index
      %get3A_522 = arith.constant 48 : index
      %get3A_523 = tpu.vector_load %arg7[%get3A_521, %get3A_522] {strides = array<i32>} : memref<80x128xi32, #tpu.memory_space<vmem>>, vector<1x16xi32>,
      %get3A_524 = vector.shape_cast %get3A_523 : vector<1x16xi32> to vector<16xi32>
      %mul3A_525 = arith.constant 2 : i32
      %mul3A_526 = vector.broadcast %mul3A_525 : i32 to vector<16xi32>
      %mul3A_527 = arith.muli %get3A_524, %mul3A_526 : vector<16xi32>
      %add3A_528 = vector.broadcast %arg0 : i32 to vector<16xi32>
      %add3A_529 = arith.addi %mul3A_527, %add3A_528 : vector<16xi32>
      %swap3A_530 = arith.index_cast %scan3A_480 : i32 to index
      %swap3A_531 = arith.constant 48 : index
      %swap3A_532 = tpu.vector_load %arg7[%swap3A_530, %swap3A_531] {strides = array<i32>} : memref<80x128xi32, #tpu.memory_space<vmem>>, vector<1x16xi32>,
      %swap3A_533 = vector.shape_cast %swap3A_532 : vector<1x16xi32> to vector<16xi32>
      %swap3A_534 = vector.shape_cast %add3A_529 : vector<16xi32> to vector<1x16xi32>
      tpu.vector_store %arg7[%swap3A_530, %swap3A_531], %swap3A_534 {strides = array<i32>} : memref<80x128xi32, #tpu.memory_space<vmem>>, vector<1x16xi32>,
      %get3A_535 = arith.index_cast %scan3A_480 : i32 to index
      %get3A_536 = arith.constant 64 : index
      %get3A_537 = tpu.vector_load %arg7[%get3A_535, %get3A_536] {strides = array<i32>} : memref<80x128xi32, #tpu.memory_space<vmem>>, vector<1x16xi32>,
      %get3A_538 = vector.shape_cast %get3A_537 : vector<1x16xi32> to vector<16xi32>
      %mul3A_539 = arith.constant 2 : i32
      %mul3A_540 = vector.broadcast %mul3A_539 : i32 to vector<16xi32>
      %mul3A_541 = arith.muli %get3A_538, %mul3A_540 : vector<16xi32>
      %add3A_542 = vector.broadcast %arg0 : i32 to vector<16xi32>
      %add3A_543 = arith.addi %mul3A_541, %add3A_542 : vector<16xi32>
      %swap3A_544 = arith.index_cast %scan3A_480 : i32 to index
      %swap3A_545 = arith.constant 64 : index
      %swap3A_546 = tpu.vector_load %arg7[%swap3A_544, %swap3A_545] {strides = array<i32>} : memref<80x128xi32, #tpu.memory_space<vmem>>, vector<1x16xi32>,
      %swap3A_547 = vector.shape_cast %swap3A_546 : vector<1x16xi32> to vector<16xi32>
      %swap3A_548 = vector.shape_cast %add3A_543 : vector<16xi32> to vector<1x16xi32>
      tpu.vector_store %arg7[%swap3A_544, %swap3A_545], %swap3A_548 {strides = array<i32>} : memref<80x128xi32, #tpu.memory_space<vmem>>, vector<1x16xi32>,
      %get3A_549 = arith.index_cast %scan3A_480 : i32 to index
      %get3A_550 = arith.constant 80 : index
      %get3A_551 = tpu.vector_load %arg7[%get3A_549, %get3A_550] {strides = array<i32>} : memref<80x128xi32, #tpu.memory_space<vmem>>, vector<1x16xi32>,
      %get3A_552 = vector.shape_cast %get3A_551 : vector<1x16xi32> to vector<16xi32>
      %mul3A_553 = arith.constant 2 : i32
      %mul3A_554 = vector.broadcast %mul3A_553 : i32 to vector<16xi32>
      %mul3A_555 = arith.muli %get3A_552, %mul3A_554 : vector<16xi32>
      %add3A_556 = vector.broadcast %arg0 : i32 to vector<16xi32>
      %add3A_557 = arith.addi %mul3A_555, %add3A_556 : vector<16xi32>
      %swap3A_558 = arith.index_cast %scan3A_480 : i32 to index
      %swap3A_559 = arith.constant 80 : index
      %swap3A_560 = tpu.vector_load %arg7[%swap3A_558, %swap3A_559] {strides = array<i32>} : memref<80x128xi32, #tpu.memory_space<vmem>>, vector<1x16xi32>,
      %swap3A_561 = vector.shape_cast %swap3A_560 : vector<1x16xi32> to vector<16xi32>
      %swap3A_562 = vector.shape_cast %add3A_557 : vector<16xi32> to vector<1x16xi32>
      tpu.vector_store %arg7[%swap3A_558, %swap3A_559], %swap3A_562 {strides = array<i32>} : memref<80x128xi32, #tpu.memory_space<vmem>>, vector<1x16xi32>,
      %get3A_563 = arith.index_cast %scan3A_480 : i32 to index
      %get3A_564 = arith.constant 96 : index
      %get3A_565 = tpu.vector_load %arg7[%get3A_563, %get3A_564] {strides = array<i32>} : memref<80x128xi32, #tpu.memory_space<vmem>>, vector<1x16xi32>,
      %get3A_566 = vector.shape_cast %get3A_565 : vector<1x16xi32> to vector<16xi32>
      %mul3A_567 = arith.constant 2 : i32
      %mul3A_568 = vector.broadcast %mul3A_567 : i32 to vector<16xi32>
      %mul3A_569 = arith.muli %get3A_566, %mul3A_568 : vector<16xi32>
      %add3A_570 = vector.broadcast %arg0 : i32 to vector<16xi32>
      %add3A_571 = arith.addi %mul3A_569, %add3A_570 : vector<16xi32>
      %swap3A_572 = arith.index_cast %scan3A_480 : i32 to index
      %swap3A_573 = arith.constant 96 : index
      %swap3A_574 = tpu.vector_load %arg7[%swap3A_572, %swap3A_573] {strides = array<i32>} : memref<80x128xi32, #tpu.memory_space<vmem>>, vector<1x16xi32>,
      %swap3A_575 = vector.shape_cast %swap3A_574 : vector<1x16xi32> to vector<16xi32>
      %swap3A_576 = vector.shape_cast %add3A_571 : vector<16xi32> to vector<1x16xi32>
      tpu.vector_store %arg7[%swap3A_572, %swap3A_573], %swap3A_576 {strides = array<i32>} : memref<80x128xi32, #tpu.memory_space<vmem>>, vector<1x16xi32>,
      %get3A_577 = arith.index_cast %scan3A_480 : i32 to index
      %get3A_578 = arith.constant 112 : index
      %get3A_579 = tpu.vector_load %arg7[%get3A_577, %get3A_578] {strides = array<i32>} : memref<80x128xi32, #tpu.memory_space<vmem>>, vector<1x16xi32>,
      %get3A_580 = vector.shape_cast %get3A_579 : vector<1x16xi32> to vector<16xi32>
      %mul3A_581 = arith.constant 2 : i32
      %mul3A_582 = vector.broadcast %mul3A_581 : i32 to vector<16xi32>
      %mul3A_583 = arith.muli %get3A_580, %mul3A_582 : vector<16xi32>
      %add3A_584 = vector.broadcast %arg0 : i32 to vector<16xi32>
      %add3A_585 = arith.addi %mul3A_583, %add3A_584 : vector<16xi32>
      %swap3A_586 = arith.index_cast %scan3A_480 : i32 to index
      %swap3A_587 = arith.constant 112 : index
      %swap3A_588 = tpu.vector_load %arg7[%swap3A_586, %swap3A_587] {strides = array<i32>} : memref<80x128xi32, #tpu.memory_space<vmem>>, vector<1x16xi32>,
      %swap3A_589 = vector.shape_cast %swap3A_588 : vector<1x16xi32> to vector<16xi32>
      %swap3A_590 = vector.shape_cast %add3A_585 : vector<16xi32> to vector<1x16xi32>
      tpu.vector_store %arg7[%swap3A_586, %swap3A_587], %swap3A_590 {strides = array<i32>} : memref<80x128xi32, #tpu.memory_space<vmem>>, vector<1x16xi32>,
    }
    %scan3A_10 = arith.constant 80 : i32
    %dma_start3A = arith.constant 0 : i32
    %dma_start3A_11 = arith.constant 0 : i32
    %dma_start3A_12 = tpu.memref_slice %arg7[%dma_start3A, %dma_start3A_11] : memref<80x128xi32, #tpu.memory_space<vmem>> -> memref<1x128xi32, #tpu.memory_space<vmem>>
    %dma_start3A_13 = tpu.memref_squeeze %dma_start3A_12 : memref<1x128xi32, #tpu.memory_space<vmem>> -> memref<128xi32, #tpu.memory_space<vmem>>
    %dma_start3A_14 = arith.constant 0 : i32
    %dma_start3A_15 = arith.constant 0 : i32
    %dma_start3A_16 = tpu.memref_slice %arg2[%dma_start3A_14, %dma_start3A_15] : memref<20480x64xf32, #tpu.memory_space<hbm>> -> memref<20480x64xf32, #tpu.memory_space<hbm>>
    tpu.enqueue_indirect_dma source(%dma_start3A_16 : memref<20480x64xf32, #tpu.memory_space<hbm>>) target(%arg9 : memref<128x64xf32, #tpu.memory_space<vmem>>) offsets(%dma_start3A_13 : memref<128xi32, #tpu.memory_space<vmem>>) semaphore(%arg18 : memref<!tpu.dma_semaphore, #tpu.memory_space<semaphore_mem>>)
    %dma_start3A_17 = arith.constant 1 : i32
    %dma_start3A_18 = arith.constant 0 : i32
    %dma_start3A_19 = tpu.memref_slice %arg7[%dma_start3A_17, %dma_start3A_18] : memref<80x128xi32, #tpu.memory_space<vmem>> -> memref<1x128xi32, #tpu.memory_space<vmem>>
    %dma_start3A_20 = tpu.memref_squeeze %dma_start3A_19 : memref<1x128xi32, #tpu.memory_space<vmem>> -> memref<128xi32, #tpu.memory_space<vmem>>
    %dma_start3A_21 = arith.constant 0 : i32
    %dma_start3A_22 = arith.constant 0 : i32
    %dma_start3A_23 = tpu.memref_slice %arg2[%dma_start3A_21, %dma_start3A_22] : memref<20480x64xf32, #tpu.memory_space<hbm>> -> memref<20480x64xf32, #tpu.memory_space<hbm>>
    tpu.enqueue_indirect_dma source(%dma_start3A_23 : memref<20480x64xf32, #tpu.memory_space<hbm>>) target(%arg10 : memref<128x64xf32, #tpu.memory_space<vmem>>) offsets(%dma_start3A_20 : memref<128xi32, #tpu.memory_space<vmem>>) semaphore(%arg19 : memref<!tpu.dma_semaphore, #tpu.memory_space<semaphore_mem>>)
    %dma_start3A_24 = arith.constant 2 : i32
    %dma_start3A_25 = arith.constant 0 : i32
    %dma_start3A_26 = tpu.memref_slice %arg7[%dma_start3A_24, %dma_start3A_25] : memref<80x128xi32, #tpu.memory_space<vmem>> -> memref<1x128xi32, #tpu.memory_space<vmem>>
    %dma_start3A_27 = tpu.memref_squeeze %dma_start3A_26 : memref<1x128xi32, #tpu.memory_space<vmem>> -> memref<128xi32, #tpu.memory_space<vmem>>
    %dma_start3A_28 = arith.constant 0 : i32
    %dma_start3A_29 = arith.constant 0 : i32
    %dma_start3A_30 = tpu.memref_slice %arg2[%dma_start3A_28, %dma_start3A_29] : memref<20480x64xf32, #tpu.memory_space<hbm>> -> memref<20480x64xf32, #tpu.memory_space<hbm>>
    tpu.enqueue_indirect_dma source(%dma_start3A_30 : memref<20480x64xf32, #tpu.memory_space<hbm>>) target(%arg11 : memref<128x64xf32, #tpu.memory_space<vmem>>) offsets(%dma_start3A_27 : memref<128xi32, #tpu.memory_space<vmem>>) semaphore(%arg20 : memref<!tpu.dma_semaphore, #tpu.memory_space<semaphore_mem>>)
    %dma_start3A_31 = arith.constant 3 : i32
    %dma_start3A_32 = arith.constant 0 : i32
    %dma_start3A_33 = tpu.memref_slice %arg7[%dma_start3A_31, %dma_start3A_32] : memref<80x128xi32, #tpu.memory_space<vmem>> -> memref<1x128xi32, #tpu.memory_space<vmem>>
    %dma_start3A_34 = tpu.memref_squeeze %dma_start3A_33 : memref<1x128xi32, #tpu.memory_space<vmem>> -> memref<128xi32, #tpu.memory_space<vmem>>
    %dma_start3A_35 = arith.constant 0 : i32
    %dma_start3A_36 = arith.constant 0 : i32
    %dma_start3A_37 = tpu.memref_slice %arg2[%dma_start3A_35, %dma_start3A_36] : memref<20480x64xf32, #tpu.memory_space<hbm>> -> memref<20480x64xf32, #tpu.memory_space<hbm>>
    tpu.enqueue_indirect_dma source(%dma_start3A_37 : memref<20480x64xf32, #tpu.memory_space<hbm>>) target(%arg12 : memref<128x64xf32, #tpu.memory_space<vmem>>) offsets(%dma_start3A_34 : memref<128xi32, #tpu.memory_space<vmem>>) semaphore(%arg21 : memref<!tpu.dma_semaphore, #tpu.memory_space<semaphore_mem>>)
    %dma_wait3A = arith.constant 0 : i32
    %dma_wait3A_38 = arith.constant 0 : i32
    %dma_wait3A_39 = tpu.memref_slice %arg7[%dma_wait3A, %dma_wait3A_38] : memref<80x128xi32, #tpu.memory_space<vmem>> -> memref<1x128xi32, #tpu.memory_space<vmem>>
    %dma_wait3A_40 = tpu.memref_squeeze %dma_wait3A_39 : memref<1x128xi32, #tpu.memory_space<vmem>> -> memref<128xi32, #tpu.memory_space<vmem>>
    %dma_wait3A_41 = arith.constant 0 : i32
    %dma_wait3A_42 = arith.constant 0 : i32
    %dma_wait3A_43 = tpu.memref_slice %arg2[%dma_wait3A_41, %dma_wait3A_42] : memref<20480x64xf32, #tpu.memory_space<hbm>> -> memref<20480x64xf32, #tpu.memory_space<hbm>>
    tpu.wait_indirect_dma semaphore(%arg18 : memref<!tpu.dma_semaphore, #tpu.memory_space<semaphore_mem>>) src(%dma_wait3A_43 : memref<20480x64xf32, #tpu.memory_space<hbm>>) dst(%arg9 : memref<128x64xf32, #tpu.memory_space<vmem>>)
    %dma_start3A_44 = arith.constant 0 : i32
    %dma_start3A_45 = arith.constant 0 : i32
    %dma_start3A_46 = tpu.memref_slice %arg8[%dma_start3A_44, %dma_start3A_45] : memref<80x128xi32, #tpu.memory_space<vmem>> -> memref<1x128xi32, #tpu.memory_space<vmem>>
    %dma_start3A_47 = tpu.memref_squeeze %dma_start3A_46 : memref<1x128xi32, #tpu.memory_space<vmem>> -> memref<128xi32, #tpu.memory_space<vmem>>
    %dma_start3A_48 = arith.constant 0 : i32
    %dma_start3A_49 = arith.constant 0 : i32
    %dma_start3A_50 = tpu.memref_slice %arg17[%dma_start3A_48, %dma_start3A_49] : memref<10240x64xf32, #tpu.memory_space<vmem_shared>> -> memref<10240x64xf32, #tpu.memory_space<vmem_shared>>
    tpu.enqueue_indirect_dma source(%arg9 : memref<128x64xf32, #tpu.memory_space<vmem>>) target(%dma_start3A_50 : memref<10240x64xf32, #tpu.memory_space<vmem_shared>>) offsets(%dma_start3A_47 : memref<128xi32, #tpu.memory_space<vmem>>) semaphore(%arg26 : memref<!tpu.dma_semaphore, #tpu.memory_space<semaphore_mem>>) {add = true}
    %dma_start3A_51 = arith.constant 4 : i32
    %dma_start3A_52 = arith.constant 0 : i32
    %dma_start3A_53 = tpu.memref_slice %arg7[%dma_start3A_51, %dma_start3A_52] : memref<80x128xi32, #tpu.memory_space<vmem>> -> memref<1x128xi32, #tpu.memory_space<vmem>>
    %dma_start3A_54 = tpu.memref_squeeze %dma_start3A_53 : memref<1x128xi32, #tpu.memory_space<vmem>> -> memref<128xi32, #tpu.memory_space<vmem>>
    %dma_start3A_55 = arith.constant 0 : i32
    %dma_start3A_56 = arith.constant 0 : i32
    %dma_start3A_57 = tpu.memref_slice %arg2[%dma_start3A_55, %dma_start3A_56] : memref<20480x64xf32, #tpu.memory_space<hbm>> -> memref<20480x64xf32, #tpu.memory_space<hbm>>
    tpu.enqueue_indirect_dma source(%dma_start3A_57 : memref<20480x64xf32, #tpu.memory_space<hbm>>) target(%arg13 : memref<128x64xf32, #tpu.memory_space<vmem>>) offsets(%dma_start3A_54 : memref<128xi32, #tpu.memory_space<vmem>>) semaphore(%arg22 : memref<!tpu.dma_semaphore, #tpu.memory_space<semaphore_mem>>)
    %dma_wait3A_58 = arith.constant 1 : i32
    %dma_wait3A_59 = arith.constant 0 : i32
    %dma_wait3A_60 = tpu.memref_slice %arg7[%dma_wait3A_58, %dma_wait3A_59] : memref<80x128xi32, #tpu.memory_space<vmem>> -> memref<1x128xi32, #tpu.memory_space<vmem>>
    %dma_wait3A_61 = tpu.memref_squeeze %dma_wait3A_60 : memref<1x128xi32, #tpu.memory_space<vmem>> -> memref<128xi32, #tpu.memory_space<vmem>>
    %dma_wait3A_62 = arith.constant 0 : i32
    %dma_wait3A_63 = arith.constant 0 : i32
    %dma_wait3A_64 = tpu.memref_slice %arg2[%dma_wait3A_62, %dma_wait3A_63] : memref<20480x64xf32, #tpu.memory_space<hbm>> -> memref<20480x64xf32, #tpu.memory_space<hbm>>
    tpu.wait_indirect_dma semaphore(%arg19 : memref<!tpu.dma_semaphore, #tpu.memory_space<semaphore_mem>>) src(%dma_wait3A_64 : memref<20480x64xf32, #tpu.memory_space<hbm>>) dst(%arg10 : memref<128x64xf32, #tpu.memory_space<vmem>>)
    %dma_start3A_65 = arith.constant 1 : i32
    %dma_start3A_66 = arith.constant 0 : i32
    %dma_start3A_67 = tpu.memref_slice %arg8[%dma_start3A_65, %dma_start3A_66] : memref<80x128xi32, #tpu.memory_space<vmem>> -> memref<1x128xi32, #tpu.memory_space<vmem>>
    %dma_start3A_68 = tpu.memref_squeeze %dma_start3A_67 : memref<1x128xi32, #tpu.memory_space<vmem>> -> memref<128xi32, #tpu.memory_space<vmem>>
    %dma_start3A_69 = arith.constant 0 : i32
    %dma_start3A_70 = arith.constant 0 : i32
    %dma_start3A_71 = tpu.memref_slice %arg17[%dma_start3A_69, %dma_start3A_70] : memref<10240x64xf32, #tpu.memory_space<vmem_shared>> -> memref<10240x64xf32, #tpu.memory_space<vmem_shared>>
    tpu.enqueue_indirect_dma source(%arg10 : memref<128x64xf32, #tpu.memory_space<vmem>>) target(%dma_start3A_71 : memref<10240x64xf32, #tpu.memory_space<vmem_shared>>) offsets(%dma_start3A_68 : memref<128xi32, #tpu.memory_space<vmem>>) semaphore(%arg27 : memref<!tpu.dma_semaphore, #tpu.memory_space<semaphore_mem>>) {add = true}
    %dma_start3A_72 = arith.constant 5 : i32
    %dma_start3A_73 = arith.constant 0 : i32
    %dma_start3A_74 = tpu.memref_slice %arg7[%dma_start3A_72, %dma_start3A_73] : memref<80x128xi32, #tpu.memory_space<vmem>> -> memref<1x128xi32, #tpu.memory_space<vmem>>
    %dma_start3A_75 = tpu.memref_squeeze %dma_start3A_74 : memref<1x128xi32, #tpu.memory_space<vmem>> -> memref<128xi32, #tpu.memory_space<vmem>>
    %dma_start3A_76 = arith.constant 0 : i32
    %dma_start3A_77 = arith.constant 0 : i32
    %dma_start3A_78 = tpu.memref_slice %arg2[%dma_start3A_76, %dma_start3A_77] : memref<20480x64xf32, #tpu.memory_space<hbm>> -> memref<20480x64xf32, #tpu.memory_space<hbm>>
    tpu.enqueue_indirect_dma source(%dma_start3A_78 : memref<20480x64xf32, #tpu.memory_space<hbm>>) target(%arg14 : memref<128x64xf32, #tpu.memory_space<vmem>>) offsets(%dma_start3A_75 : memref<128xi32, #tpu.memory_space<vmem>>) semaphore(%arg23 : memref<!tpu.dma_semaphore, #tpu.memory_space<semaphore_mem>>)
    %dma_wait3A_79 = arith.constant 2 : i32
    %dma_wait3A_80 = arith.constant 0 : i32
    %dma_wait3A_81 = tpu.memref_slice %arg7[%dma_wait3A_79, %dma_wait3A_80] : memref<80x128xi32, #tpu.memory_space<vmem>> -> memref<1x128xi32, #tpu.memory_space<vmem>>
    %dma_wait3A_82 = tpu.memref_squeeze %dma_wait3A_81 : memref<1x128xi32, #tpu.memory_space<vmem>> -> memref<128xi32, #tpu.memory_space<vmem>>
    %dma_wait3A_83 = arith.constant 0 : i32
    %dma_wait3A_84 = arith.constant 0 : i32
    %dma_wait3A_85 = tpu.memref_slice %arg2[%dma_wait3A_83, %dma_wait3A_84] : memref<20480x64xf32, #tpu.memory_space<hbm>> -> memref<20480x64xf32, #tpu.memory_space<hbm>>
    tpu.wait_indirect_dma semaphore(%arg20 : memref<!tpu.dma_semaphore, #tpu.memory_space<semaphore_mem>>) src(%dma_wait3A_85 : memref<20480x64xf32, #tpu.memory_space<hbm>>) dst(%arg11 : memref<128x64xf32, #tpu.memory_space<vmem>>)
    %dma_start3A_86 = arith.constant 2 : i32
    %dma_start3A_87 = arith.constant 0 : i32
    %dma_start3A_88 = tpu.memref_slice %arg8[%dma_start3A_86, %dma_start3A_87] : memref<80x128xi32, #tpu.memory_space<vmem>> -> memref<1x128xi32, #tpu.memory_space<vmem>>
    %dma_start3A_89 = tpu.memref_squeeze %dma_start3A_88 : memref<1x128xi32, #tpu.memory_space<vmem>> -> memref<128xi32, #tpu.memory_space<vmem>>
    %dma_start3A_90 = arith.constant 0 : i32
    %dma_start3A_91 = arith.constant 0 : i32
    %dma_start3A_92 = tpu.memref_slice %arg17[%dma_start3A_90, %dma_start3A_91] : memref<10240x64xf32, #tpu.memory_space<vmem_shared>> -> memref<10240x64xf32, #tpu.memory_space<vmem_shared>>
    tpu.enqueue_indirect_dma source(%arg11 : memref<128x64xf32, #tpu.memory_space<vmem>>) target(%dma_start3A_92 : memref<10240x64xf32, #tpu.memory_space<vmem_shared>>) offsets(%dma_start3A_89 : memref<128xi32, #tpu.memory_space<vmem>>) semaphore(%arg28 : memref<!tpu.dma_semaphore, #tpu.memory_space<semaphore_mem>>) {add = true}
    %dma_start3A_93 = arith.constant 6 : i32
    %dma_start3A_94 = arith.constant 0 : i32
    %dma_start3A_95 = tpu.memref_slice %arg7[%dma_start3A_93, %dma_start3A_94] : memref<80x128xi32, #tpu.memory_space<vmem>> -> memref<1x128xi32, #tpu.memory_space<vmem>>
    %dma_start3A_96 = tpu.memref_squeeze %dma_start3A_95 : memref<1x128xi32, #tpu.memory_space<vmem>> -> memref<128xi32, #tpu.memory_space<vmem>>
    %dma_start3A_97 = arith.constant 0 : i32
    %dma_start3A_98 = arith.constant 0 : i32
    %dma_start3A_99 = tpu.memref_slice %arg2[%dma_start3A_97, %dma_start3A_98] : memref<20480x64xf32, #tpu.memory_space<hbm>> -> memref<20480x64xf32, #tpu.memory_space<hbm>>
    tpu.enqueue_indirect_dma source(%dma_start3A_99 : memref<20480x64xf32, #tpu.memory_space<hbm>>) target(%arg15 : memref<128x64xf32, #tpu.memory_space<vmem>>) offsets(%dma_start3A_96 : memref<128xi32, #tpu.memory_space<vmem>>) semaphore(%arg24 : memref<!tpu.dma_semaphore, #tpu.memory_space<semaphore_mem>>)
    %dma_wait3A_100 = arith.constant 3 : i32
    %dma_wait3A_101 = arith.constant 0 : i32
    %dma_wait3A_102 = tpu.memref_slice %arg7[%dma_wait3A_100, %dma_wait3A_101] : memref<80x128xi32, #tpu.memory_space<vmem>> -> memref<1x128xi32, #tpu.memory_space<vmem>>
    %dma_wait3A_103 = tpu.memref_squeeze %dma_wait3A_102 : memref<1x128xi32, #tpu.memory_space<vmem>> -> memref<128xi32, #tpu.memory_space<vmem>>
    %dma_wait3A_104 = arith.constant 0 : i32
    %dma_wait3A_105 = arith.constant 0 : i32
    %dma_wait3A_106 = tpu.memref_slice %arg2[%dma_wait3A_104, %dma_wait3A_105] : memref<20480x64xf32, #tpu.memory_space<hbm>> -> memref<20480x64xf32, #tpu.memory_space<hbm>>
    tpu.wait_indirect_dma semaphore(%arg21 : memref<!tpu.dma_semaphore, #tpu.memory_space<semaphore_mem>>) src(%dma_wait3A_106 : memref<20480x64xf32, #tpu.memory_space<hbm>>) dst(%arg12 : memref<128x64xf32, #tpu.memory_space<vmem>>)
    %dma_start3A_107 = arith.constant 3 : i32
    %dma_start3A_108 = arith.constant 0 : i32
    %dma_start3A_109 = tpu.memref_slice %arg8[%dma_start3A_107, %dma_start3A_108] : memref<80x128xi32, #tpu.memory_space<vmem>> -> memref<1x128xi32, #tpu.memory_space<vmem>>
    %dma_start3A_110 = tpu.memref_squeeze %dma_start3A_109 : memref<1x128xi32, #tpu.memory_space<vmem>> -> memref<128xi32, #tpu.memory_space<vmem>>
    %dma_start3A_111 = arith.constant 0 : i32
    %dma_start3A_112 = arith.constant 0 : i32
    %dma_start3A_113 = tpu.memref_slice %arg17[%dma_start3A_111, %dma_start3A_112] : memref<10240x64xf32, #tpu.memory_space<vmem_shared>> -> memref<10240x64xf32, #tpu.memory_space<vmem_shared>>
    tpu.enqueue_indirect_dma source(%arg12 : memref<128x64xf32, #tpu.memory_space<vmem>>) target(%dma_start3A_113 : memref<10240x64xf32, #tpu.memory_space<vmem_shared>>) offsets(%dma_start3A_110 : memref<128xi32, #tpu.memory_space<vmem>>) semaphore(%arg29 : memref<!tpu.dma_semaphore, #tpu.memory_space<semaphore_mem>>) {add = true}
    %dma_start3A_114 = arith.constant 7 : i32
    %dma_start3A_115 = arith.constant 0 : i32
    %dma_start3A_116 = tpu.memref_slice %arg7[%dma_start3A_114, %dma_start3A_115] : memref<80x128xi32, #tpu.memory_space<vmem>> -> memref<1x128xi32, #tpu.memory_space<vmem>>
    %dma_start3A_117 = tpu.memref_squeeze %dma_start3A_116 : memref<1x128xi32, #tpu.memory_space<vmem>> -> memref<128xi32, #tpu.memory_space<vmem>>
    %dma_start3A_118 = arith.constant 0 : i32
    %dma_start3A_119 = arith.constant 0 : i32
    %dma_start3A_120 = tpu.memref_slice %arg2[%dma_start3A_118, %dma_start3A_119] : memref<20480x64xf32, #tpu.memory_space<hbm>> -> memref<20480x64xf32, #tpu.memory_space<hbm>>
    tpu.enqueue_indirect_dma source(%dma_start3A_120 : memref<20480x64xf32, #tpu.memory_space<hbm>>) target(%arg16 : memref<128x64xf32, #tpu.memory_space<vmem>>) offsets(%dma_start3A_117 : memref<128xi32, #tpu.memory_space<vmem>>) semaphore(%arg25 : memref<!tpu.dma_semaphore, #tpu.memory_space<semaphore_mem>>)
    %scan3A_121 = arith.constant 0 : i32
    %scan3A_122 = arith.constant 0 : i32
    %scan3A_123 = arith.constant 9 : i32
    %scan3A_124 = arith.addi %scan3A_122, %scan3A_123 : i32
    %scan3A_125 = arith.constant 1 : i32
    scf.for %scan3A_480 = %scan3A_122 to %scan3A_124 step %scan3A_125  : i32 {
      %mul3A_481 = arith.constant 8 : i32
      %mul3A_482 = arith.muli %mul3A_481, %scan3A_480 : i32
      %add3A_483 = arith.constant 4 : i32
      %add3A_484 = arith.addi %add3A_483, %mul3A_482 : i32
      %add3A_485 = arith.constant 0 : i32
      %add3A_486 = arith.addi %add3A_484, %add3A_485 : i32
      %dma_wait3A_487 = arith.constant 0 : i32
      %dma_wait3A_488 = tpu.memref_slice %arg7[%add3A_486, %dma_wait3A_487] : memref<80x128xi32, #tpu.memory_space<vmem>> -> memref<1x128xi32, #tpu.memory_space<vmem>>
      %dma_wait3A_489 = tpu.memref_squeeze %dma_wait3A_488 : memref<1x128xi32, #tpu.memory_space<vmem>> -> memref<128xi32, #tpu.memory_space<vmem>>
      %dma_wait3A_490 = arith.constant 0 : i32
      %dma_wait3A_491 = arith.constant 0 : i32
      %dma_wait3A_492 = tpu.memref_slice %arg2[%dma_wait3A_490, %dma_wait3A_491] : memref<20480x64xf32, #tpu.memory_space<hbm>> -> memref<20480x64xf32, #tpu.memory_space<hbm>>
      tpu.wait_indirect_dma semaphore(%arg22 : memref<!tpu.dma_semaphore, #tpu.memory_space<semaphore_mem>>) src(%dma_wait3A_492 : memref<20480x64xf32, #tpu.memory_space<hbm>>) dst(%arg13 : memref<128x64xf32, #tpu.memory_space<vmem>>)
      %dma_start3A_493 = arith.constant 0 : i32
      %dma_start3A_494 = tpu.memref_slice %arg8[%add3A_486, %dma_start3A_493] : memref<80x128xi32, #tpu.memory_space<vmem>> -> memref<1x128xi32, #tpu.memory_space<vmem>>
      %dma_start3A_495 = tpu.memref_squeeze %dma_start3A_494 : memref<1x128xi32, #tpu.memory_space<vmem>> -> memref<128xi32, #tpu.memory_space<vmem>>
      %dma_start3A_496 = arith.constant 0 : i32
      %dma_start3A_497 = arith.constant 0 : i32
      %dma_start3A_498 = tpu.memref_slice %arg17[%dma_start3A_496, %dma_start3A_497] : memref<10240x64xf32, #tpu.memory_space<vmem_shared>> -> memref<10240x64xf32, #tpu.memory_space<vmem_shared>>
      tpu.enqueue_indirect_dma source(%arg13 : memref<128x64xf32, #tpu.memory_space<vmem>>) target(%dma_start3A_498 : memref<10240x64xf32, #tpu.memory_space<vmem_shared>>) offsets(%dma_start3A_495 : memref<128xi32, #tpu.memory_space<vmem>>) semaphore(%arg30 : memref<!tpu.dma_semaphore, #tpu.memory_space<semaphore_mem>>) {add = true}
      %dma_wait3A_499 = arith.constant 0 : i32
      %dma_wait3A_500 = arith.constant 0 : i32
      %dma_wait3A_501 = tpu.memref_slice %arg8[%dma_wait3A_499, %dma_wait3A_500] : memref<80x128xi32, #tpu.memory_space<vmem>> -> memref<1x128xi32, #tpu.memory_space<vmem>>
      %dma_wait3A_502 = tpu.memref_squeeze %dma_wait3A_501 : memref<1x128xi32, #tpu.memory_space<vmem>> -> memref<128xi32, #tpu.memory_space<vmem>>
      %dma_wait3A_503 = arith.constant 0 : i32
      %dma_wait3A_504 = arith.constant 0 : i32
      %dma_wait3A_505 = tpu.memref_slice %arg17[%dma_wait3A_503, %dma_wait3A_504] : memref<10240x64xf32, #tpu.memory_space<vmem_shared>> -> memref<10240x64xf32, #tpu.memory_space<vmem_shared>>
      tpu.wait_indirect_dma semaphore(%arg26 : memref<!tpu.dma_semaphore, #tpu.memory_space<semaphore_mem>>) src(%arg9 : memref<128x64xf32, #tpu.memory_space<vmem>>) dst(%dma_wait3A_505 : memref<10240x64xf32, #tpu.memory_space<vmem_shared>>)
      %add3A_506 = arith.constant 4 : i32
      %add3A_507 = arith.addi %add3A_486, %add3A_506 : i32
      %dma_start3A_508 = arith.constant 0 : i32
      %dma_start3A_509 = tpu.memref_slice %arg7[%add3A_507, %dma_start3A_508] : memref<80x128xi32, #tpu.memory_space<vmem>> -> memref<1x128xi32, #tpu.memory_space<vmem>>
      %dma_start3A_510 = tpu.memref_squeeze %dma_start3A_509 : memref<1x128xi32, #tpu.memory_space<vmem>> -> memref<128xi32, #tpu.memory_space<vmem>>
      %dma_start3A_511 = arith.constant 0 : i32
      %dma_start3A_512 = arith.constant 0 : i32
      %dma_start3A_513 = tpu.memref_slice %arg2[%dma_start3A_511, %dma_start3A_512] : memref<20480x64xf32, #tpu.memory_space<hbm>> -> memref<20480x64xf32, #tpu.memory_space<hbm>>
      tpu.enqueue_indirect_dma source(%dma_start3A_513 : memref<20480x64xf32, #tpu.memory_space<hbm>>) target(%arg9 : memref<128x64xf32, #tpu.memory_space<vmem>>) offsets(%dma_start3A_510 : memref<128xi32, #tpu.memory_space<vmem>>) semaphore(%arg18 : memref<!tpu.dma_semaphore, #tpu.memory_space<semaphore_mem>>)
      %mul3A_514 = arith.constant 8 : i32
      %mul3A_515 = arith.muli %mul3A_514, %scan3A_480 : i32
      %add3A_516 = arith.constant 4 : i32
      %add3A_517 = arith.addi %add3A_516, %mul3A_515 : i32
      %add3A_518 = arith.constant 1 : i32
      %add3A_519 = arith.addi %add3A_517, %add3A_518 : i32
      %dma_wait3A_520 = arith.constant 0 : i32
      %dma_wait3A_521 = tpu.memref_slice %arg7[%add3A_519, %dma_wait3A_520] : memref<80x128xi32, #tpu.memory_space<vmem>> -> memref<1x128xi32, #tpu.memory_space<vmem>>
      %dma_wait3A_522 = tpu.memref_squeeze %dma_wait3A_521 : memref<1x128xi32, #tpu.memory_space<vmem>> -> memref<128xi32, #tpu.memory_space<vmem>>
      %dma_wait3A_523 = arith.constant 0 : i32
      %dma_wait3A_524 = arith.constant 0 : i32
      %dma_wait3A_525 = tpu.memref_slice %arg2[%dma_wait3A_523, %dma_wait3A_524] : memref<20480x64xf32, #tpu.memory_space<hbm>> -> memref<20480x64xf32, #tpu.memory_space<hbm>>
      tpu.wait_indirect_dma semaphore(%arg23 : memref<!tpu.dma_semaphore, #tpu.memory_space<semaphore_mem>>) src(%dma_wait3A_525 : memref<20480x64xf32, #tpu.memory_space<hbm>>) dst(%arg14 : memref<128x64xf32, #tpu.memory_space<vmem>>)
      %dma_start3A_526 = arith.constant 0 : i32
      %dma_start3A_527 = tpu.memref_slice %arg8[%add3A_519, %dma_start3A_526] : memref<80x128xi32, #tpu.memory_space<vmem>> -> memref<1x128xi32, #tpu.memory_space<vmem>>
      %dma_start3A_528 = tpu.memref_squeeze %dma_start3A_527 : memref<1x128xi32, #tpu.memory_space<vmem>> -> memref<128xi32, #tpu.memory_space<vmem>>
      %dma_start3A_529 = arith.constant 0 : i32
      %dma_start3A_530 = arith.constant 0 : i32
      %dma_start3A_531 = tpu.memref_slice %arg17[%dma_start3A_529, %dma_start3A_530] : memref<10240x64xf32, #tpu.memory_space<vmem_shared>> -> memref<10240x64xf32, #tpu.memory_space<vmem_shared>>
      tpu.enqueue_indirect_dma source(%arg14 : memref<128x64xf32, #tpu.memory_space<vmem>>) target(%dma_start3A_531 : memref<10240x64xf32, #tpu.memory_space<vmem_shared>>) offsets(%dma_start3A_528 : memref<128xi32, #tpu.memory_space<vmem>>) semaphore(%arg31 : memref<!tpu.dma_semaphore, #tpu.memory_space<semaphore_mem>>) {add = true}
      %dma_wait3A_532 = arith.constant 0 : i32
      %dma_wait3A_533 = arith.constant 0 : i32
      %dma_wait3A_534 = tpu.memref_slice %arg8[%dma_wait3A_532, %dma_wait3A_533] : memref<80x128xi32, #tpu.memory_space<vmem>> -> memref<1x128xi32, #tpu.memory_space<vmem>>
      %dma_wait3A_535 = tpu.memref_squeeze %dma_wait3A_534 : memref<1x128xi32, #tpu.memory_space<vmem>> -> memref<128xi32, #tpu.memory_space<vmem>>
      %dma_wait3A_536 = arith.constant 0 : i32
      %dma_wait3A_537 = arith.constant 0 : i32
      %dma_wait3A_538 = tpu.memref_slice %arg17[%dma_wait3A_536, %dma_wait3A_537] : memref<10240x64xf32, #tpu.memory_space<vmem_shared>> -> memref<10240x64xf32, #tpu.memory_space<vmem_shared>>
      tpu.wait_indirect_dma semaphore(%arg27 : memref<!tpu.dma_semaphore, #tpu.memory_space<semaphore_mem>>) src(%arg10 : memref<128x64xf32, #tpu.memory_space<vmem>>) dst(%dma_wait3A_538 : memref<10240x64xf32, #tpu.memory_space<vmem_shared>>)
      %add3A_539 = arith.constant 4 : i32
      %add3A_540 = arith.addi %add3A_519, %add3A_539 : i32
      %dma_start3A_541 = arith.constant 0 : i32
      %dma_start3A_542 = tpu.memref_slice %arg7[%add3A_540, %dma_start3A_541] : memref<80x128xi32, #tpu.memory_space<vmem>> -> memref<1x128xi32, #tpu.memory_space<vmem>>
      %dma_start3A_543 = tpu.memref_squeeze %dma_start3A_542 : memref<1x128xi32, #tpu.memory_space<vmem>> -> memref<128xi32, #tpu.memory_space<vmem>>
      %dma_start3A_544 = arith.constant 0 : i32
      %dma_start3A_545 = arith.constant 0 : i32
      %dma_start3A_546 = tpu.memref_slice %arg2[%dma_start3A_544, %dma_start3A_545] : memref<20480x64xf32, #tpu.memory_space<hbm>> -> memref<20480x64xf32, #tpu.memory_space<hbm>>
      tpu.enqueue_indirect_dma source(%dma_start3A_546 : memref<20480x64xf32, #tpu.memory_space<hbm>>) target(%arg10 : memref<128x64xf32, #tpu.memory_space<vmem>>) offsets(%dma_start3A_543 : memref<128xi32, #tpu.memory_space<vmem>>) semaphore(%arg19 : memref<!tpu.dma_semaphore, #tpu.memory_space<semaphore_mem>>)
      %mul3A_547 = arith.constant 8 : i32
      %mul3A_548 = arith.muli %mul3A_547, %scan3A_480 : i32
      %add3A_549 = arith.constant 4 : i32
      %add3A_550 = arith.addi %add3A_549, %mul3A_548 : i32
      %add3A_551 = arith.constant 2 : i32
      %add3A_552 = arith.addi %add3A_550, %add3A_551 : i32
      %dma_wait3A_553 = arith.constant 0 : i32
      %dma_wait3A_554 = tpu.memref_slice %arg7[%add3A_552, %dma_wait3A_553] : memref<80x128xi32, #tpu.memory_space<vmem>> -> memref<1x128xi32, #tpu.memory_space<vmem>>
      %dma_wait3A_555 = tpu.memref_squeeze %dma_wait3A_554 : memref<1x128xi32, #tpu.memory_space<vmem>> -> memref<128xi32, #tpu.memory_space<vmem>>
      %dma_wait3A_556 = arith.constant 0 : i32
      %dma_wait3A_557 = arith.constant 0 : i32
      %dma_wait3A_558 = tpu.memref_slice %arg2[%dma_wait3A_556, %dma_wait3A_557] : memref<20480x64xf32, #tpu.memory_space<hbm>> -> memref<20480x64xf32, #tpu.memory_space<hbm>>
      tpu.wait_indirect_dma semaphore(%arg24 : memref<!tpu.dma_semaphore, #tpu.memory_space<semaphore_mem>>) src(%dma_wait3A_558 : memref<20480x64xf32, #tpu.memory_space<hbm>>) dst(%arg15 : memref<128x64xf32, #tpu.memory_space<vmem>>)
      %dma_start3A_559 = arith.constant 0 : i32
      %dma_start3A_560 = tpu.memref_slice %arg8[%add3A_552, %dma_start3A_559] : memref<80x128xi32, #tpu.memory_space<vmem>> -> memref<1x128xi32, #tpu.memory_space<vmem>>
      %dma_start3A_561 = tpu.memref_squeeze %dma_start3A_560 : memref<1x128xi32, #tpu.memory_space<vmem>> -> memref<128xi32, #tpu.memory_space<vmem>>
      %dma_start3A_562 = arith.constant 0 : i32
      %dma_start3A_563 = arith.constant 0 : i32
      %dma_start3A_564 = tpu.memref_slice %arg17[%dma_start3A_562, %dma_start3A_563] : memref<10240x64xf32, #tpu.memory_space<vmem_shared>> -> memref<10240x64xf32, #tpu.memory_space<vmem_shared>>
      tpu.enqueue_indirect_dma source(%arg15 : memref<128x64xf32, #tpu.memory_space<vmem>>) target(%dma_start3A_564 : memref<10240x64xf32, #tpu.memory_space<vmem_shared>>) offsets(%dma_start3A_561 : memref<128xi32, #tpu.memory_space<vmem>>) semaphore(%arg32 : memref<!tpu.dma_semaphore, #tpu.memory_space<semaphore_mem>>) {add = true}
      %dma_wait3A_565 = arith.constant 0 : i32
      %dma_wait3A_566 = arith.constant 0 : i32
      %dma_wait3A_567 = tpu.memref_slice %arg8[%dma_wait3A_565, %dma_wait3A_566] : memref<80x128xi32, #tpu.memory_space<vmem>> -> memref<1x128xi32, #tpu.memory_space<vmem>>
      %dma_wait3A_568 = tpu.memref_squeeze %dma_wait3A_567 : memref<1x128xi32, #tpu.memory_space<vmem>> -> memref<128xi32, #tpu.memory_space<vmem>>
      %dma_wait3A_569 = arith.constant 0 : i32
      %dma_wait3A_570 = arith.constant 0 : i32
      %dma_wait3A_571 = tpu.memref_slice %arg17[%dma_wait3A_569, %dma_wait3A_570] : memref<10240x64xf32, #tpu.memory_space<vmem_shared>> -> memref<10240x64xf32, #tpu.memory_space<vmem_shared>>
      tpu.wait_indirect_dma semaphore(%arg28 : memref<!tpu.dma_semaphore, #tpu.memory_space<semaphore_mem>>) src(%arg11 : memref<128x64xf32, #tpu.memory_space<vmem>>) dst(%dma_wait3A_571 : memref<10240x64xf32, #tpu.memory_space<vmem_shared>>)
      %add3A_572 = arith.constant 4 : i32
      %add3A_573 = arith.addi %add3A_552, %add3A_572 : i32
      %dma_start3A_574 = arith.constant 0 : i32
      %dma_start3A_575 = tpu.memref_slice %arg7[%add3A_573, %dma_start3A_574] : memref<80x128xi32, #tpu.memory_space<vmem>> -> memref<1x128xi32, #tpu.memory_space<vmem>>
      %dma_start3A_576 = tpu.memref_squeeze %dma_start3A_575 : memref<1x128xi32, #tpu.memory_space<vmem>> -> memref<128xi32, #tpu.memory_space<vmem>>
      %dma_start3A_577 = arith.constant 0 : i32
      %dma_start3A_578 = arith.constant 0 : i32
      %dma_start3A_579 = tpu.memref_slice %arg2[%dma_start3A_577, %dma_start3A_578] : memref<20480x64xf32, #tpu.memory_space<hbm>> -> memref<20480x64xf32, #tpu.memory_space<hbm>>
      tpu.enqueue_indirect_dma source(%dma_start3A_579 : memref<20480x64xf32, #tpu.memory_space<hbm>>) target(%arg11 : memref<128x64xf32, #tpu.memory_space<vmem>>) offsets(%dma_start3A_576 : memref<128xi32, #tpu.memory_space<vmem>>) semaphore(%arg20 : memref<!tpu.dma_semaphore, #tpu.memory_space<semaphore_mem>>)
      %mul3A_580 = arith.constant 8 : i32
      %mul3A_581 = arith.muli %mul3A_580, %scan3A_480 : i32
      %add3A_582 = arith.constant 4 : i32
      %add3A_583 = arith.addi %add3A_582, %mul3A_581 : i32
      %add3A_584 = arith.constant 3 : i32
      %add3A_585 = arith.addi %add3A_583, %add3A_584 : i32
      %dma_wait3A_586 = arith.constant 0 : i32
      %dma_wait3A_587 = tpu.memref_slice %arg7[%add3A_585, %dma_wait3A_586] : memref<80x128xi32, #tpu.memory_space<vmem>> -> memref<1x128xi32, #tpu.memory_space<vmem>>
      %dma_wait3A_588 = tpu.memref_squeeze %dma_wait3A_587 : memref<1x128xi32, #tpu.memory_space<vmem>> -> memref<128xi32, #tpu.memory_space<vmem>>
      %dma_wait3A_589 = arith.constant 0 : i32
      %dma_wait3A_590 = arith.constant 0 : i32
      %dma_wait3A_591 = tpu.memref_slice %arg2[%dma_wait3A_589, %dma_wait3A_590] : memref<20480x64xf32, #tpu.memory_space<hbm>> -> memref<20480x64xf32, #tpu.memory_space<hbm>>
      tpu.wait_indirect_dma semaphore(%arg25 : memref<!tpu.dma_semaphore, #tpu.memory_space<semaphore_mem>>) src(%dma_wait3A_591 : memref<20480x64xf32, #tpu.memory_space<hbm>>) dst(%arg16 : memref<128x64xf32, #tpu.memory_space<vmem>>)
      %dma_start3A_592 = arith.constant 0 : i32
      %dma_start3A_593 = tpu.memref_slice %arg8[%add3A_585, %dma_start3A_592] : memref<80x128xi32, #tpu.memory_space<vmem>> -> memref<1x128xi32, #tpu.memory_space<vmem>>
      %dma_start3A_594 = tpu.memref_squeeze %dma_start3A_593 : memref<1x128xi32, #tpu.memory_space<vmem>> -> memref<128xi32, #tpu.memory_space<vmem>>
      %dma_start3A_595 = arith.constant 0 : i32
      %dma_start3A_596 = arith.constant 0 : i32
      %dma_start3A_597 = tpu.memref_slice %arg17[%dma_start3A_595, %dma_start3A_596] : memref<10240x64xf32, #tpu.memory_space<vmem_shared>> -> memref<10240x64xf32, #tpu.memory_space<vmem_shared>>
      tpu.enqueue_indirect_dma source(%arg16 : memref<128x64xf32, #tpu.memory_space<vmem>>) target(%dma_start3A_597 : memref<10240x64xf32, #tpu.memory_space<vmem_shared>>) offsets(%dma_start3A_594 : memref<128xi32, #tpu.memory_space<vmem>>) semaphore(%arg33 : memref<!tpu.dma_semaphore, #tpu.memory_space<semaphore_mem>>) {add = true}
      %dma_wait3A_598 = arith.constant 0 : i32
      %dma_wait3A_599 = arith.constant 0 : i32
      %dma_wait3A_600 = tpu.memref_slice %arg8[%dma_wait3A_598, %dma_wait3A_599] : memref<80x128xi32, #tpu.memory_space<vmem>> -> memref<1x128xi32, #tpu.memory_space<vmem>>
      %dma_wait3A_601 = tpu.memref_squeeze %dma_wait3A_600 : memref<1x128xi32, #tpu.memory_space<vmem>> -> memref<128xi32, #tpu.memory_space<vmem>>
      %dma_wait3A_602 = arith.constant 0 : i32
      %dma_wait3A_603 = arith.constant 0 : i32
      %dma_wait3A_604 = tpu.memref_slice %arg17[%dma_wait3A_602, %dma_wait3A_603] : memref<10240x64xf32, #tpu.memory_space<vmem_shared>> -> memref<10240x64xf32, #tpu.memory_space<vmem_shared>>
      tpu.wait_indirect_dma semaphore(%arg29 : memref<!tpu.dma_semaphore, #tpu.memory_space<semaphore_mem>>) src(%arg12 : memref<128x64xf32, #tpu.memory_space<vmem>>) dst(%dma_wait3A_604 : memref<10240x64xf32, #tpu.memory_space<vmem_shared>>)
      %add3A_605 = arith.constant 4 : i32
      %add3A_606 = arith.addi %add3A_585, %add3A_605 : i32
      %dma_start3A_607 = arith.constant 0 : i32
      %dma_start3A_608 = tpu.memref_slice %arg7[%add3A_606, %dma_start3A_607] : memref<80x128xi32, #tpu.memory_space<vmem>> -> memref<1x128xi32, #tpu.memory_space<vmem>>
      %dma_start3A_609 = tpu.memref_squeeze %dma_start3A_608 : memref<1x128xi32, #tpu.memory_space<vmem>> -> memref<128xi32, #tpu.memory_space<vmem>>
      %dma_start3A_610 = arith.constant 0 : i32
      %dma_start3A_611 = arith.constant 0 : i32
      %dma_start3A_612 = tpu.memref_slice %arg2[%dma_start3A_610, %dma_start3A_611] : memref<20480x64xf32, #tpu.memory_space<hbm>> -> memref<20480x64xf32, #tpu.memory_space<hbm>>
      tpu.enqueue_indirect_dma source(%dma_start3A_612 : memref<20480x64xf32, #tpu.memory_space<hbm>>) target(%arg12 : memref<128x64xf32, #tpu.memory_space<vmem>>) offsets(%dma_start3A_609 : memref<128xi32, #tpu.memory_space<vmem>>) semaphore(%arg21 : memref<!tpu.dma_semaphore, #tpu.memory_space<semaphore_mem>>)
      %mul3A_613 = arith.constant 8 : i32
      %mul3A_614 = arith.muli %mul3A_613, %scan3A_480 : i32
      %add3A_615 = arith.constant 4 : i32
      %add3A_616 = arith.addi %add3A_615, %mul3A_614 : i32
      %add3A_617 = arith.constant 4 : i32
      %add3A_618 = arith.addi %add3A_616, %add3A_617 : i32
      %dma_wait3A_619 = arith.constant 0 : i32
      %dma_wait3A_620 = tpu.memref_slice %arg7[%add3A_618, %dma_wait3A_619] : memref<80x128xi32, #tpu.memory_space<vmem>> -> memref<1x128xi32, #tpu.memory_space<vmem>>
      %dma_wait3A_621 = tpu.memref_squeeze %dma_wait3A_620 : memref<1x128xi32, #tpu.memory_space<vmem>> -> memref<128xi32, #tpu.memory_space<vmem>>
      %dma_wait3A_622 = arith.constant 0 : i32
      %dma_wait3A_623 = arith.constant 0 : i32
      %dma_wait3A_624 = tpu.memref_slice %arg2[%dma_wait3A_622, %dma_wait3A_623] : memref<20480x64xf32, #tpu.memory_space<hbm>> -> memref<20480x64xf32, #tpu.memory_space<hbm>>
      tpu.wait_indirect_dma semaphore(%arg18 : memref<!tpu.dma_semaphore, #tpu.memory_space<semaphore_mem>>) src(%dma_wait3A_624 : memref<20480x64xf32, #tpu.memory_space<hbm>>) dst(%arg9 : memref<128x64xf32, #tpu.memory_space<vmem>>)
      %dma_start3A_625 = arith.constant 0 : i32
      %dma_start3A_626 = tpu.memref_slice %arg8[%add3A_618, %dma_start3A_625] : memref<80x128xi32, #tpu.memory_space<vmem>> -> memref<1x128xi32, #tpu.memory_space<vmem>>
      %dma_start3A_627 = tpu.memref_squeeze %dma_start3A_626 : memref<1x128xi32, #tpu.memory_space<vmem>> -> memref<128xi32, #tpu.memory_space<vmem>>
      %dma_start3A_628 = arith.constant 0 : i32
      %dma_start3A_629 = arith.constant 0 : i32
      %dma_start3A_630 = tpu.memref_slice %arg17[%dma_start3A_628, %dma_start3A_629] : memref<10240x64xf32, #tpu.memory_space<vmem_shared>> -> memref<10240x64xf32, #tpu.memory_space<vmem_shared>>
      tpu.enqueue_indirect_dma source(%arg9 : memref<128x64xf32, #tpu.memory_space<vmem>>) target(%dma_start3A_630 : memref<10240x64xf32, #tpu.memory_space<vmem_shared>>) offsets(%dma_start3A_627 : memref<128xi32, #tpu.memory_space<vmem>>) semaphore(%arg26 : memref<!tpu.dma_semaphore, #tpu.memory_space<semaphore_mem>>) {add = true}
      %dma_wait3A_631 = arith.constant 0 : i32
      %dma_wait3A_632 = arith.constant 0 : i32
      %dma_wait3A_633 = tpu.memref_slice %arg8[%dma_wait3A_631, %dma_wait3A_632] : memref<80x128xi32, #tpu.memory_space<vmem>> -> memref<1x128xi32, #tpu.memory_space<vmem>>
      %dma_wait3A_634 = tpu.memref_squeeze %dma_wait3A_633 : memref<1x128xi32, #tpu.memory_space<vmem>> -> memref<128xi32, #tpu.memory_space<vmem>>
      %dma_wait3A_635 = arith.constant 0 : i32
      %dma_wait3A_636 = arith.constant 0 : i32
      %dma_wait3A_637 = tpu.memref_slice %arg17[%dma_wait3A_635, %dma_wait3A_636] : memref<10240x64xf32, #tpu.memory_space<vmem_shared>> -> memref<10240x64xf32, #tpu.memory_space<vmem_shared>>
      tpu.wait_indirect_dma semaphore(%arg30 : memref<!tpu.dma_semaphore, #tpu.memory_space<semaphore_mem>>) src(%arg13 : memref<128x64xf32, #tpu.memory_space<vmem>>) dst(%dma_wait3A_637 : memref<10240x64xf32, #tpu.memory_space<vmem_shared>>)
      %add3A_638 = arith.constant 4 : i32
      %add3A_639 = arith.addi %add3A_618, %add3A_638 : i32
      %dma_start3A_640 = arith.constant 0 : i32
      %dma_start3A_641 = tpu.memref_slice %arg7[%add3A_639, %dma_start3A_640] : memref<80x128xi32, #tpu.memory_space<vmem>> -> memref<1x128xi32, #tpu.memory_space<vmem>>
      %dma_start3A_642 = tpu.memref_squeeze %dma_start3A_641 : memref<1x128xi32, #tpu.memory_space<vmem>> -> memref<128xi32, #tpu.memory_space<vmem>>
      %dma_start3A_643 = arith.constant 0 : i32
      %dma_start3A_644 = arith.constant 0 : i32
      %dma_start3A_645 = tpu.memref_slice %arg2[%dma_start3A_643, %dma_start3A_644] : memref<20480x64xf32, #tpu.memory_space<hbm>> -> memref<20480x64xf32, #tpu.memory_space<hbm>>
      tpu.enqueue_indirect_dma source(%dma_start3A_645 : memref<20480x64xf32, #tpu.memory_space<hbm>>) target(%arg13 : memref<128x64xf32, #tpu.memory_space<vmem>>) offsets(%dma_start3A_642 : memref<128xi32, #tpu.memory_space<vmem>>) semaphore(%arg22 : memref<!tpu.dma_semaphore, #tpu.memory_space<semaphore_mem>>)
      %mul3A_646 = arith.constant 8 : i32
      %mul3A_647 = arith.muli %mul3A_646, %scan3A_480 : i32
      %add3A_648 = arith.constant 4 : i32
      %add3A_649 = arith.addi %add3A_648, %mul3A_647 : i32
      %add3A_650 = arith.constant 5 : i32
      %add3A_651 = arith.addi %add3A_649, %add3A_650 : i32
      %dma_wait3A_652 = arith.constant 0 : i32
      %dma_wait3A_653 = tpu.memref_slice %arg7[%add3A_651, %dma_wait3A_652] : memref<80x128xi32, #tpu.memory_space<vmem>> -> memref<1x128xi32, #tpu.memory_space<vmem>>
      %dma_wait3A_654 = tpu.memref_squeeze %dma_wait3A_653 : memref<1x128xi32, #tpu.memory_space<vmem>> -> memref<128xi32, #tpu.memory_space<vmem>>
      %dma_wait3A_655 = arith.constant 0 : i32
      %dma_wait3A_656 = arith.constant 0 : i32
      %dma_wait3A_657 = tpu.memref_slice %arg2[%dma_wait3A_655, %dma_wait3A_656] : memref<20480x64xf32, #tpu.memory_space<hbm>> -> memref<20480x64xf32, #tpu.memory_space<hbm>>
      tpu.wait_indirect_dma semaphore(%arg19 : memref<!tpu.dma_semaphore, #tpu.memory_space<semaphore_mem>>) src(%dma_wait3A_657 : memref<20480x64xf32, #tpu.memory_space<hbm>>) dst(%arg10 : memref<128x64xf32, #tpu.memory_space<vmem>>)
      %dma_start3A_658 = arith.constant 0 : i32
      %dma_start3A_659 = tpu.memref_slice %arg8[%add3A_651, %dma_start3A_658] : memref<80x128xi32, #tpu.memory_space<vmem>> -> memref<1x128xi32, #tpu.memory_space<vmem>>
      %dma_start3A_660 = tpu.memref_squeeze %dma_start3A_659 : memref<1x128xi32, #tpu.memory_space<vmem>> -> memref<128xi32, #tpu.memory_space<vmem>>
      %dma_start3A_661 = arith.constant 0 : i32
      %dma_start3A_662 = arith.constant 0 : i32
      %dma_start3A_663 = tpu.memref_slice %arg17[%dma_start3A_661, %dma_start3A_662] : memref<10240x64xf32, #tpu.memory_space<vmem_shared>> -> memref<10240x64xf32, #tpu.memory_space<vmem_shared>>
      tpu.enqueue_indirect_dma source(%arg10 : memref<128x64xf32, #tpu.memory_space<vmem>>) target(%dma_start3A_663 : memref<10240x64xf32, #tpu.memory_space<vmem_shared>>) offsets(%dma_start3A_660 : memref<128xi32, #tpu.memory_space<vmem>>) semaphore(%arg27 : memref<!tpu.dma_semaphore, #tpu.memory_space<semaphore_mem>>) {add = true}
      %dma_wait3A_664 = arith.constant 0 : i32
      %dma_wait3A_665 = arith.constant 0 : i32
      %dma_wait3A_666 = tpu.memref_slice %arg8[%dma_wait3A_664, %dma_wait3A_665] : memref<80x128xi32, #tpu.memory_space<vmem>> -> memref<1x128xi32, #tpu.memory_space<vmem>>
      %dma_wait3A_667 = tpu.memref_squeeze %dma_wait3A_666 : memref<1x128xi32, #tpu.memory_space<vmem>> -> memref<128xi32, #tpu.memory_space<vmem>>
      %dma_wait3A_668 = arith.constant 0 : i32
      %dma_wait3A_669 = arith.constant 0 : i32
      %dma_wait3A_670 = tpu.memref_slice %arg17[%dma_wait3A_668, %dma_wait3A_669] : memref<10240x64xf32, #tpu.memory_space<vmem_shared>> -> memref<10240x64xf32, #tpu.memory_space<vmem_shared>>
      tpu.wait_indirect_dma semaphore(%arg31 : memref<!tpu.dma_semaphore, #tpu.memory_space<semaphore_mem>>) src(%arg14 : memref<128x64xf32, #tpu.memory_space<vmem>>) dst(%dma_wait3A_670 : memref<10240x64xf32, #tpu.memory_space<vmem_shared>>)
      %add3A_671 = arith.constant 4 : i32
      %add3A_672 = arith.addi %add3A_651, %add3A_671 : i32
      %dma_start3A_673 = arith.constant 0 : i32
      %dma_start3A_674 = tpu.memref_slice %arg7[%add3A_672, %dma_start3A_673] : memref<80x128xi32, #tpu.memory_space<vmem>> -> memref<1x128xi32, #tpu.memory_space<vmem>>
      %dma_start3A_675 = tpu.memref_squeeze %dma_start3A_674 : memref<1x128xi32, #tpu.memory_space<vmem>> -> memref<128xi32, #tpu.memory_space<vmem>>
      %dma_start3A_676 = arith.constant 0 : i32
      %dma_start3A_677 = arith.constant 0 : i32
      %dma_start3A_678 = tpu.memref_slice %arg2[%dma_start3A_676, %dma_start3A_677] : memref<20480x64xf32, #tpu.memory_space<hbm>> -> memref<20480x64xf32, #tpu.memory_space<hbm>>
      tpu.enqueue_indirect_dma source(%dma_start3A_678 : memref<20480x64xf32, #tpu.memory_space<hbm>>) target(%arg14 : memref<128x64xf32, #tpu.memory_space<vmem>>) offsets(%dma_start3A_675 : memref<128xi32, #tpu.memory_space<vmem>>) semaphore(%arg23 : memref<!tpu.dma_semaphore, #tpu.memory_space<semaphore_mem>>)
      %mul3A_679 = arith.constant 8 : i32
      %mul3A_680 = arith.muli %mul3A_679, %scan3A_480 : i32
      %add3A_681 = arith.constant 4 : i32
      %add3A_682 = arith.addi %add3A_681, %mul3A_680 : i32
      %add3A_683 = arith.constant 6 : i32
      %add3A_684 = arith.addi %add3A_682, %add3A_683 : i32
      %dma_wait3A_685 = arith.constant 0 : i32
      %dma_wait3A_686 = tpu.memref_slice %arg7[%add3A_684, %dma_wait3A_685] : memref<80x128xi32, #tpu.memory_space<vmem>> -> memref<1x128xi32, #tpu.memory_space<vmem>>
      %dma_wait3A_687 = tpu.memref_squeeze %dma_wait3A_686 : memref<1x128xi32, #tpu.memory_space<vmem>> -> memref<128xi32, #tpu.memory_space<vmem>>
      %dma_wait3A_688 = arith.constant 0 : i32
      %dma_wait3A_689 = arith.constant 0 : i32
      %dma_wait3A_690 = tpu.memref_slice %arg2[%dma_wait3A_688, %dma_wait3A_689] : memref<20480x64xf32, #tpu.memory_space<hbm>> -> memref<20480x64xf32, #tpu.memory_space<hbm>>
      tpu.wait_indirect_dma semaphore(%arg20 : memref<!tpu.dma_semaphore, #tpu.memory_space<semaphore_mem>>) src(%dma_wait3A_690 : memref<20480x64xf32, #tpu.memory_space<hbm>>) dst(%arg11 : memref<128x64xf32, #tpu.memory_space<vmem>>)
      %dma_start3A_691 = arith.constant 0 : i32
      %dma_start3A_692 = tpu.memref_slice %arg8[%add3A_684, %dma_start3A_691] : memref<80x128xi32, #tpu.memory_space<vmem>> -> memref<1x128xi32, #tpu.memory_space<vmem>>
      %dma_start3A_693 = tpu.memref_squeeze %dma_start3A_692 : memref<1x128xi32, #tpu.memory_space<vmem>> -> memref<128xi32, #tpu.memory_space<vmem>>
      %dma_start3A_694 = arith.constant 0 : i32
      %dma_start3A_695 = arith.constant 0 : i32
      %dma_start3A_696 = tpu.memref_slice %arg17[%dma_start3A_694, %dma_start3A_695] : memref<10240x64xf32, #tpu.memory_space<vmem_shared>> -> memref<10240x64xf32, #tpu.memory_space<vmem_shared>>
      tpu.enqueue_indirect_dma source(%arg11 : memref<128x64xf32, #tpu.memory_space<vmem>>) target(%dma_start3A_696 : memref<10240x64xf32, #tpu.memory_space<vmem_shared>>) offsets(%dma_start3A_693 : memref<128xi32, #tpu.memory_space<vmem>>) semaphore(%arg28 : memref<!tpu.dma_semaphore, #tpu.memory_space<semaphore_mem>>) {add = true}
      %dma_wait3A_697 = arith.constant 0 : i32
      %dma_wait3A_698 = arith.constant 0 : i32
      %dma_wait3A_699 = tpu.memref_slice %arg8[%dma_wait3A_697, %dma_wait3A_698] : memref<80x128xi32, #tpu.memory_space<vmem>> -> memref<1x128xi32, #tpu.memory_space<vmem>>
      %dma_wait3A_700 = tpu.memref_squeeze %dma_wait3A_699 : memref<1x128xi32, #tpu.memory_space<vmem>> -> memref<128xi32, #tpu.memory_space<vmem>>
      %dma_wait3A_701 = arith.constant 0 : i32
      %dma_wait3A_702 = arith.constant 0 : i32
      %dma_wait3A_703 = tpu.memref_slice %arg17[%dma_wait3A_701, %dma_wait3A_702] : memref<10240x64xf32, #tpu.memory_space<vmem_shared>> -> memref<10240x64xf32, #tpu.memory_space<vmem_shared>>
      tpu.wait_indirect_dma semaphore(%arg32 : memref<!tpu.dma_semaphore, #tpu.memory_space<semaphore_mem>>) src(%arg15 : memref<128x64xf32, #tpu.memory_space<vmem>>) dst(%dma_wait3A_703 : memref<10240x64xf32, #tpu.memory_space<vmem_shared>>)
      %add3A_704 = arith.constant 4 : i32
      %add3A_705 = arith.addi %add3A_684, %add3A_704 : i32
      %dma_start3A_706 = arith.constant 0 : i32
      %dma_start3A_707 = tpu.memref_slice %arg7[%add3A_705, %dma_start3A_706] : memref<80x128xi32, #tpu.memory_space<vmem>> -> memref<1x128xi32, #tpu.memory_space<vmem>>
      %dma_start3A_708 = tpu.memref_squeeze %dma_start3A_707 : memref<1x128xi32, #tpu.memory_space<vmem>> -> memref<128xi32, #tpu.memory_space<vmem>>
      %dma_start3A_709 = arith.constant 0 : i32
      %dma_start3A_710 = arith.constant 0 : i32
      %dma_start3A_711 = tpu.memref_slice %arg2[%dma_start3A_709, %dma_start3A_710] : memref<20480x64xf32, #tpu.memory_space<hbm>> -> memref<20480x64xf32, #tpu.memory_space<hbm>>
      tpu.enqueue_indirect_dma source(%dma_start3A_711 : memref<20480x64xf32, #tpu.memory_space<hbm>>) target(%arg15 : memref<128x64xf32, #tpu.memory_space<vmem>>) offsets(%dma_start3A_708 : memref<128xi32, #tpu.memory_space<vmem>>) semaphore(%arg24 : memref<!tpu.dma_semaphore, #tpu.memory_space<semaphore_mem>>)
      %mul3A_712 = arith.constant 8 : i32
      %mul3A_713 = arith.muli %mul3A_712, %scan3A_480 : i32
      %add3A_714 = arith.constant 4 : i32
      %add3A_715 = arith.addi %add3A_714, %mul3A_713 : i32
      %add3A_716 = arith.constant 7 : i32
      %add3A_717 = arith.addi %add3A_715, %add3A_716 : i32
      %dma_wait3A_718 = arith.constant 0 : i32
      %dma_wait3A_719 = tpu.memref_slice %arg7[%add3A_717, %dma_wait3A_718] : memref<80x128xi32, #tpu.memory_space<vmem>> -> memref<1x128xi32, #tpu.memory_space<vmem>>
      %dma_wait3A_720 = tpu.memref_squeeze %dma_wait3A_719 : memref<1x128xi32, #tpu.memory_space<vmem>> -> memref<128xi32, #tpu.memory_space<vmem>>
      %dma_wait3A_721 = arith.constant 0 : i32
      %dma_wait3A_722 = arith.constant 0 : i32
      %dma_wait3A_723 = tpu.memref_slice %arg2[%dma_wait3A_721, %dma_wait3A_722] : memref<20480x64xf32, #tpu.memory_space<hbm>> -> memref<20480x64xf32, #tpu.memory_space<hbm>>
      tpu.wait_indirect_dma semaphore(%arg21 : memref<!tpu.dma_semaphore, #tpu.memory_space<semaphore_mem>>) src(%dma_wait3A_723 : memref<20480x64xf32, #tpu.memory_space<hbm>>) dst(%arg12 : memref<128x64xf32, #tpu.memory_space<vmem>>)
      %dma_start3A_724 = arith.constant 0 : i32
      %dma_start3A_725 = tpu.memref_slice %arg8[%add3A_717, %dma_start3A_724] : memref<80x128xi32, #tpu.memory_space<vmem>> -> memref<1x128xi32, #tpu.memory_space<vmem>>
      %dma_start3A_726 = tpu.memref_squeeze %dma_start3A_725 : memref<1x128xi32, #tpu.memory_space<vmem>> -> memref<128xi32, #tpu.memory_space<vmem>>
      %dma_start3A_727 = arith.constant 0 : i32
      %dma_start3A_728 = arith.constant 0 : i32
      %dma_start3A_729 = tpu.memref_slice %arg17[%dma_start3A_727, %dma_start3A_728] : memref<10240x64xf32, #tpu.memory_space<vmem_shared>> -> memref<10240x64xf32, #tpu.memory_space<vmem_shared>>
      tpu.enqueue_indirect_dma source(%arg12 : memref<128x64xf32, #tpu.memory_space<vmem>>) target(%dma_start3A_729 : memref<10240x64xf32, #tpu.memory_space<vmem_shared>>) offsets(%dma_start3A_726 : memref<128xi32, #tpu.memory_space<vmem>>) semaphore(%arg29 : memref<!tpu.dma_semaphore, #tpu.memory_space<semaphore_mem>>) {add = true}
      %dma_wait3A_730 = arith.constant 0 : i32
      %dma_wait3A_731 = arith.constant 0 : i32
      %dma_wait3A_732 = tpu.memref_slice %arg8[%dma_wait3A_730, %dma_wait3A_731] : memref<80x128xi32, #tpu.memory_space<vmem>> -> memref<1x128xi32, #tpu.memory_space<vmem>>
      %dma_wait3A_733 = tpu.memref_squeeze %dma_wait3A_732 : memref<1x128xi32, #tpu.memory_space<vmem>> -> memref<128xi32, #tpu.memory_space<vmem>>
      %dma_wait3A_734 = arith.constant 0 : i32
      %dma_wait3A_735 = arith.constant 0 : i32
      %dma_wait3A_736 = tpu.memref_slice %arg17[%dma_wait3A_734, %dma_wait3A_735] : memref<10240x64xf32, #tpu.memory_space<vmem_shared>> -> memref<10240x64xf32, #tpu.memory_space<vmem_shared>>
      tpu.wait_indirect_dma semaphore(%arg33 : memref<!tpu.dma_semaphore, #tpu.memory_space<semaphore_mem>>) src(%arg16 : memref<128x64xf32, #tpu.memory_space<vmem>>) dst(%dma_wait3A_736 : memref<10240x64xf32, #tpu.memory_space<vmem_shared>>)
      %add3A_737 = arith.constant 4 : i32
      %add3A_738 = arith.addi %add3A_717, %add3A_737 : i32
      %dma_start3A_739 = arith.constant 0 : i32
      %dma_start3A_740 = tpu.memref_slice %arg7[%add3A_738, %dma_start3A_739] : memref<80x128xi32, #tpu.memory_space<vmem>> -> memref<1x128xi32, #tpu.memory_space<vmem>>
      %dma_start3A_741 = tpu.memref_squeeze %dma_start3A_740 : memref<1x128xi32, #tpu.memory_space<vmem>> -> memref<128xi32, #tpu.memory_space<vmem>>
      %dma_start3A_742 = arith.constant 0 : i32
      %dma_start3A_743 = arith.constant 0 : i32
      %dma_start3A_744 = tpu.memref_slice %arg2[%dma_start3A_742, %dma_start3A_743] : memref<20480x64xf32, #tpu.memory_space<hbm>> -> memref<20480x64xf32, #tpu.memory_space<hbm>>
      tpu.enqueue_indirect_dma source(%dma_start3A_744 : memref<20480x64xf32, #tpu.memory_space<hbm>>) target(%arg16 : memref<128x64xf32, #tpu.memory_space<vmem>>) offsets(%dma_start3A_741 : memref<128xi32, #tpu.memory_space<vmem>>) semaphore(%arg25 : memref<!tpu.dma_semaphore, #tpu.memory_space<semaphore_mem>>)
    }
    %scan3A_126 = arith.constant 9 : i32
    %dma_wait3A_127 = arith.constant 76 : i32
    %dma_wait3A_128 = arith.constant 0 : i32
    %dma_wait3A_129 = tpu.memref_slice %arg7[%dma_wait3A_127, %dma_wait3A_128] : memref<80x128xi32, #tpu.memory_space<vmem>> -> memref<1x128xi32, #tpu.memory_space<vmem>>
    %dma_wait3A_130 = tpu.memref_squeeze %dma_wait3A_129 : memref<1x128xi32, #tpu.memory_space<vmem>> -> memref<128xi32, #tpu.memory_space<vmem>>
    %dma_wait3A_131 = arith.constant 0 : i32
    %dma_wait3A_132 = arith.constant 0 : i32
    %dma_wait3A_133 = tpu.memref_slice %arg2[%dma_wait3A_131, %dma_wait3A_132] : memref<20480x64xf32, #tpu.memory_space<hbm>> -> memref<20480x64xf32, #tpu.memory_space<hbm>>
    tpu.wait_indirect_dma semaphore(%arg22 : memref<!tpu.dma_semaphore, #tpu.memory_space<semaphore_mem>>) src(%dma_wait3A_133 : memref<20480x64xf32, #tpu.memory_space<hbm>>) dst(%arg13 : memref<128x64xf32, #tpu.memory_space<vmem>>)
    %dma_start3A_134 = arith.constant 76 : i32
    %dma_start3A_135 = arith.constant 0 : i32
    %dma_start3A_136 = tpu.memref_slice %arg8[%dma_start3A_134, %dma_start3A_135] : memref<80x128xi32, #tpu.memory_space<vmem>> -> memref<1x128xi32, #tpu.memory_space<vmem>>
    %dma_start3A_137 = tpu.memref_squeeze %dma_start3A_136 : memref<1x128xi32, #tpu.memory_space<vmem>> -> memref<128xi32, #tpu.memory_space<vmem>>
    %dma_start3A_138 = arith.constant 0 : i32
    %dma_start3A_139 = arith.constant 0 : i32
    %dma_start3A_140 = tpu.memref_slice %arg17[%dma_start3A_138, %dma_start3A_139] : memref<10240x64xf32, #tpu.memory_space<vmem_shared>> -> memref<10240x64xf32, #tpu.memory_space<vmem_shared>>
    tpu.enqueue_indirect_dma source(%arg13 : memref<128x64xf32, #tpu.memory_space<vmem>>) target(%dma_start3A_140 : memref<10240x64xf32, #tpu.memory_space<vmem_shared>>) offsets(%dma_start3A_137 : memref<128xi32, #tpu.memory_space<vmem>>) semaphore(%arg30 : memref<!tpu.dma_semaphore, #tpu.memory_space<semaphore_mem>>) {add = true}
    %dma_wait3A_141 = arith.constant 77 : i32
    %dma_wait3A_142 = arith.constant 0 : i32
    %dma_wait3A_143 = tpu.memref_slice %arg7[%dma_wait3A_141, %dma_wait3A_142] : memref<80x128xi32, #tpu.memory_space<vmem>> -> memref<1x128xi32, #tpu.memory_space<vmem>>
    %dma_wait3A_144 = tpu.memref_squeeze %dma_wait3A_143 : memref<1x128xi32, #tpu.memory_space<vmem>> -> memref<128xi32, #tpu.memory_space<vmem>>
    %dma_wait3A_145 = arith.constant 0 : i32
    %dma_wait3A_146 = arith.constant 0 : i32
    %dma_wait3A_147 = tpu.memref_slice %arg2[%dma_wait3A_145, %dma_wait3A_146] : memref<20480x64xf32, #tpu.memory_space<hbm>> -> memref<20480x64xf32, #tpu.memory_space<hbm>>
    tpu.wait_indirect_dma semaphore(%arg23 : memref<!tpu.dma_semaphore, #tpu.memory_space<semaphore_mem>>) src(%dma_wait3A_147 : memref<20480x64xf32, #tpu.memory_space<hbm>>) dst(%arg14 : memref<128x64xf32, #tpu.memory_space<vmem>>)
    %dma_start3A_148 = arith.constant 77 : i32
    %dma_start3A_149 = arith.constant 0 : i32
    %dma_start3A_150 = tpu.memref_slice %arg8[%dma_start3A_148, %dma_start3A_149] : memref<80x128xi32, #tpu.memory_space<vmem>> -> memref<1x128xi32, #tpu.memory_space<vmem>>
    %dma_start3A_151 = tpu.memref_squeeze %dma_start3A_150 : memref<1x128xi32, #tpu.memory_space<vmem>> -> memref<128xi32, #tpu.memory_space<vmem>>
    %dma_start3A_152 = arith.constant 0 : i32
    %dma_start3A_153 = arith.constant 0 : i32
    %dma_start3A_154 = tpu.memref_slice %arg17[%dma_start3A_152, %dma_start3A_153] : memref<10240x64xf32, #tpu.memory_space<vmem_shared>> -> memref<10240x64xf32, #tpu.memory_space<vmem_shared>>
    tpu.enqueue_indirect_dma source(%arg14 : memref<128x64xf32, #tpu.memory_space<vmem>>) target(%dma_start3A_154 : memref<10240x64xf32, #tpu.memory_space<vmem_shared>>) offsets(%dma_start3A_151 : memref<128xi32, #tpu.memory_space<vmem>>) semaphore(%arg31 : memref<!tpu.dma_semaphore, #tpu.memory_space<semaphore_mem>>) {add = true}
    %dma_wait3A_155 = arith.constant 78 : i32
    %dma_wait3A_156 = arith.constant 0 : i32
    %dma_wait3A_157 = tpu.memref_slice %arg7[%dma_wait3A_155, %dma_wait3A_156] : memref<80x128xi32, #tpu.memory_space<vmem>> -> memref<1x128xi32, #tpu.memory_space<vmem>>
    %dma_wait3A_158 = tpu.memref_squeeze %dma_wait3A_157 : memref<1x128xi32, #tpu.memory_space<vmem>> -> memref<128xi32, #tpu.memory_space<vmem>>
    %dma_wait3A_159 = arith.constant 0 : i32
    %dma_wait3A_160 = arith.constant 0 : i32
    %dma_wait3A_161 = tpu.memref_slice %arg2[%dma_wait3A_159, %dma_wait3A_160] : memref<20480x64xf32, #tpu.memory_space<hbm>> -> memref<20480x64xf32, #tpu.memory_space<hbm>>
    tpu.wait_indirect_dma semaphore(%arg24 : memref<!tpu.dma_semaphore, #tpu.memory_space<semaphore_mem>>) src(%dma_wait3A_161 : memref<20480x64xf32, #tpu.memory_space<hbm>>) dst(%arg15 : memref<128x64xf32, #tpu.memory_space<vmem>>)
    %dma_start3A_162 = arith.constant 78 : i32
    %dma_start3A_163 = arith.constant 0 : i32
    %dma_start3A_164 = tpu.memref_slice %arg8[%dma_start3A_162, %dma_start3A_163] : memref<80x128xi32, #tpu.memory_space<vmem>> -> memref<1x128xi32, #tpu.memory_space<vmem>>
    %dma_start3A_165 = tpu.memref_squeeze %dma_start3A_164 : memref<1x128xi32, #tpu.memory_space<vmem>> -> memref<128xi32, #tpu.memory_space<vmem>>
    %dma_start3A_166 = arith.constant 0 : i32
    %dma_start3A_167 = arith.constant 0 : i32
    %dma_start3A_168 = tpu.memref_slice %arg17[%dma_start3A_166, %dma_start3A_167] : memref<10240x64xf32, #tpu.memory_space<vmem_shared>> -> memref<10240x64xf32, #tpu.memory_space<vmem_shared>>
    tpu.enqueue_indirect_dma source(%arg15 : memref<128x64xf32, #tpu.memory_space<vmem>>) target(%dma_start3A_168 : memref<10240x64xf32, #tpu.memory_space<vmem_shared>>) offsets(%dma_start3A_165 : memref<128xi32, #tpu.memory_space<vmem>>) semaphore(%arg32 : memref<!tpu.dma_semaphore, #tpu.memory_space<semaphore_mem>>) {add = true}
    %dma_wait3A_169 = arith.constant 79 : i32
    %dma_wait3A_170 = arith.constant 0 : i32
    %dma_wait3A_171 = tpu.memref_slice %arg7[%dma_wait3A_169, %dma_wait3A_170] : memref<80x128xi32, #tpu.memory_space<vmem>> -> memref<1x128xi32, #tpu.memory_space<vmem>>
    %dma_wait3A_172 = tpu.memref_squeeze %dma_wait3A_171 : memref<1x128xi32, #tpu.memory_space<vmem>> -> memref<128xi32, #tpu.memory_space<vmem>>
    %dma_wait3A_173 = arith.constant 0 : i32
    %dma_wait3A_174 = arith.constant 0 : i32
    %dma_wait3A_175 = tpu.memref_slice %arg2[%dma_wait3A_173, %dma_wait3A_174] : memref<20480x64xf32, #tpu.memory_space<hbm>> -> memref<20480x64xf32, #tpu.memory_space<hbm>>
    tpu.wait_indirect_dma semaphore(%arg25 : memref<!tpu.dma_semaphore, #tpu.memory_space<semaphore_mem>>) src(%dma_wait3A_175 : memref<20480x64xf32, #tpu.memory_space<hbm>>) dst(%arg16 : memref<128x64xf32, #tpu.memory_space<vmem>>)
    %dma_start3A_176 = arith.constant 79 : i32
    %dma_start3A_177 = arith.constant 0 : i32
    %dma_start3A_178 = tpu.memref_slice %arg8[%dma_start3A_176, %dma_start3A_177] : memref<80x128xi32, #tpu.memory_space<vmem>> -> memref<1x128xi32, #tpu.memory_space<vmem>>
    %dma_start3A_179 = tpu.memref_squeeze %dma_start3A_178 : memref<1x128xi32, #tpu.memory_space<vmem>> -> memref<128xi32, #tpu.memory_space<vmem>>
    %dma_start3A_180 = arith.constant 0 : i32
    %dma_start3A_181 = arith.constant 0 : i32
    %dma_start3A_182 = tpu.memref_slice %arg17[%dma_start3A_180, %dma_start3A_181] : memref<10240x64xf32, #tpu.memory_space<vmem_shared>> -> memref<10240x64xf32, #tpu.memory_space<vmem_shared>>
    tpu.enqueue_indirect_dma source(%arg16 : memref<128x64xf32, #tpu.memory_space<vmem>>) target(%dma_start3A_182 : memref<10240x64xf32, #tpu.memory_space<vmem_shared>>) offsets(%dma_start3A_179 : memref<128xi32, #tpu.memory_space<vmem>>) semaphore(%arg33 : memref<!tpu.dma_semaphore, #tpu.memory_space<semaphore_mem>>) {add = true}
    %dma_wait3A_183 = arith.constant 0 : i32
    %dma_wait3A_184 = arith.constant 0 : i32
    %dma_wait3A_185 = tpu.memref_slice %arg8[%dma_wait3A_183, %dma_wait3A_184] : memref<80x128xi32, #tpu.memory_space<vmem>> -> memref<1x128xi32, #tpu.memory_space<vmem>>
    %dma_wait3A_186 = tpu.memref_squeeze %dma_wait3A_185 : memref<1x128xi32, #tpu.memory_space<vmem>> -> memref<128xi32, #tpu.memory_space<vmem>>
    %dma_wait3A_187 = arith.constant 0 : i32
    %dma_wait3A_188 = arith.constant 0 : i32
    %dma_wait3A_189 = tpu.memref_slice %arg17[%dma_wait3A_187, %dma_wait3A_188] : memref<10240x64xf32, #tpu.memory_space<vmem_shared>> -> memref<10240x64xf32, #tpu.memory_space<vmem_shared>>
    tpu.wait_indirect_dma semaphore(%arg26 : memref<!tpu.dma_semaphore, #tpu.memory_space<semaphore_mem>>) src(%arg9 : memref<128x64xf32, #tpu.memory_space<vmem>>) dst(%dma_wait3A_189 : memref<10240x64xf32, #tpu.memory_space<vmem_shared>>)
    %dma_wait3A_190 = arith.constant 0 : i32
    %dma_wait3A_191 = arith.constant 0 : i32
    %dma_wait3A_192 = tpu.memref_slice %arg8[%dma_wait3A_190, %dma_wait3A_191] : memref<80x128xi32, #tpu.memory_space<vmem>> -> memref<1x128xi32, #tpu.memory_space<vmem>>
    %dma_wait3A_193 = tpu.memref_squeeze %dma_wait3A_192 : memref<1x128xi32, #tpu.memory_space<vmem>> -> memref<128xi32, #tpu.memory_space<vmem>>
    %dma_wait3A_194 = arith.constant 0 : i32
    %dma_wait3A_195 = arith.constant 0 : i32
    %dma_wait3A_196 = tpu.memref_slice %arg17[%dma_wait3A_194, %dma_wait3A_195] : memref<10240x64xf32, #tpu.memory_space<vmem_shared>> -> memref<10240x64xf32, #tpu.memory_space<vmem_shared>>
    tpu.wait_indirect_dma semaphore(%arg27 : memref<!tpu.dma_semaphore, #tpu.memory_space<semaphore_mem>>) src(%arg10 : memref<128x64xf32, #tpu.memory_space<vmem>>) dst(%dma_wait3A_196 : memref<10240x64xf32, #tpu.memory_space<vmem_shared>>)
    %dma_wait3A_197 = arith.constant 0 : i32
    %dma_wait3A_198 = arith.constant 0 : i32
    %dma_wait3A_199 = tpu.memref_slice %arg8[%dma_wait3A_197, %dma_wait3A_198] : memref<80x128xi32, #tpu.memory_space<vmem>> -> memref<1x128xi32, #tpu.memory_space<vmem>>
    %dma_wait3A_200 = tpu.memref_squeeze %dma_wait3A_199 : memref<1x128xi32, #tpu.memory_space<vmem>> -> memref<128xi32, #tpu.memory_space<vmem>>
    %dma_wait3A_201 = arith.constant 0 : i32
    %dma_wait3A_202 = arith.constant 0 : i32
    %dma_wait3A_203 = tpu.memref_slice %arg17[%dma_wait3A_201, %dma_wait3A_202] : memref<10240x64xf32, #tpu.memory_space<vmem_shared>> -> memref<10240x64xf32, #tpu.memory_space<vmem_shared>>
    tpu.wait_indirect_dma semaphore(%arg28 : memref<!tpu.dma_semaphore, #tpu.memory_space<semaphore_mem>>) src(%arg11 : memref<128x64xf32, #tpu.memory_space<vmem>>) dst(%dma_wait3A_203 : memref<10240x64xf32, #tpu.memory_space<vmem_shared>>)
    %dma_wait3A_204 = arith.constant 0 : i32
    %dma_wait3A_205 = arith.constant 0 : i32
    %dma_wait3A_206 = tpu.memref_slice %arg8[%dma_wait3A_204, %dma_wait3A_205] : memref<80x128xi32, #tpu.memory_space<vmem>> -> memref<1x128xi32, #tpu.memory_space<vmem>>
    %dma_wait3A_207 = tpu.memref_squeeze %dma_wait3A_206 : memref<1x128xi32, #tpu.memory_space<vmem>> -> memref<128xi32, #tpu.memory_space<vmem>>
    %dma_wait3A_208 = arith.constant 0 : i32
    %dma_wait3A_209 = arith.constant 0 : i32
    %dma_wait3A_210 = tpu.memref_slice %arg17[%dma_wait3A_208, %dma_wait3A_209] : memref<10240x64xf32, #tpu.memory_space<vmem_shared>> -> memref<10240x64xf32, #tpu.memory_space<vmem_shared>>
    tpu.wait_indirect_dma semaphore(%arg29 : memref<!tpu.dma_semaphore, #tpu.memory_space<semaphore_mem>>) src(%arg12 : memref<128x64xf32, #tpu.memory_space<vmem>>) dst(%dma_wait3A_210 : memref<10240x64xf32, #tpu.memory_space<vmem_shared>>)
    %dma_wait3A_211 = arith.constant 0 : i32
    %dma_wait3A_212 = arith.constant 0 : i32
    %dma_wait3A_213 = tpu.memref_slice %arg8[%dma_wait3A_211, %dma_wait3A_212] : memref<80x128xi32, #tpu.memory_space<vmem>> -> memref<1x128xi32, #tpu.memory_space<vmem>>
    %dma_wait3A_214 = tpu.memref_squeeze %dma_wait3A_213 : memref<1x128xi32, #tpu.memory_space<vmem>> -> memref<128xi32, #tpu.memory_space<vmem>>
    %dma_wait3A_215 = arith.constant 0 : i32
    %dma_wait3A_216 = arith.constant 0 : i32
    %dma_wait3A_217 = tpu.memref_slice %arg17[%dma_wait3A_215, %dma_wait3A_216] : memref<10240x64xf32, #tpu.memory_space<vmem_shared>> -> memref<10240x64xf32, #tpu.memory_space<vmem_shared>>
    tpu.wait_indirect_dma semaphore(%arg30 : memref<!tpu.dma_semaphore, #tpu.memory_space<semaphore_mem>>) src(%arg13 : memref<128x64xf32, #tpu.memory_space<vmem>>) dst(%dma_wait3A_217 : memref<10240x64xf32, #tpu.memory_space<vmem_shared>>)
    %dma_wait3A_218 = arith.constant 0 : i32
    %dma_wait3A_219 = arith.constant 0 : i32
    %dma_wait3A_220 = tpu.memref_slice %arg8[%dma_wait3A_218, %dma_wait3A_219] : memref<80x128xi32, #tpu.memory_space<vmem>> -> memref<1x128xi32, #tpu.memory_space<vmem>>
    %dma_wait3A_221 = tpu.memref_squeeze %dma_wait3A_220 : memref<1x128xi32, #tpu.memory_space<vmem>> -> memref<128xi32, #tpu.memory_space<vmem>>
    %dma_wait3A_222 = arith.constant 0 : i32
    %dma_wait3A_223 = arith.constant 0 : i32
    %dma_wait3A_224 = tpu.memref_slice %arg17[%dma_wait3A_222, %dma_wait3A_223] : memref<10240x64xf32, #tpu.memory_space<vmem_shared>> -> memref<10240x64xf32, #tpu.memory_space<vmem_shared>>
    tpu.wait_indirect_dma semaphore(%arg31 : memref<!tpu.dma_semaphore, #tpu.memory_space<semaphore_mem>>) src(%arg14 : memref<128x64xf32, #tpu.memory_space<vmem>>) dst(%dma_wait3A_224 : memref<10240x64xf32, #tpu.memory_space<vmem_shared>>)
    %dma_wait3A_225 = arith.constant 0 : i32
    %dma_wait3A_226 = arith.constant 0 : i32
    %dma_wait3A_227 = tpu.memref_slice %arg8[%dma_wait3A_225, %dma_wait3A_226] : memref<80x128xi32, #tpu.memory_space<vmem>> -> memref<1x128xi32, #tpu.memory_space<vmem>>
    %dma_wait3A_228 = tpu.memref_squeeze %dma_wait3A_227 : memref<1x128xi32, #tpu.memory_space<vmem>> -> memref<128xi32, #tpu.memory_space<vmem>>
    %dma_wait3A_229 = arith.constant 0 : i32
    %dma_wait3A_230 = arith.constant 0 : i32
    %dma_wait3A_231 = tpu.memref_slice %arg17[%dma_wait3A_229, %dma_wait3A_230] : memref<10240x64xf32, #tpu.memory_space<vmem_shared>> -> memref<10240x64xf32, #tpu.memory_space<vmem_shared>>
    tpu.wait_indirect_dma semaphore(%arg32 : memref<!tpu.dma_semaphore, #tpu.memory_space<semaphore_mem>>) src(%arg15 : memref<128x64xf32, #tpu.memory_space<vmem>>) dst(%dma_wait3A_231 : memref<10240x64xf32, #tpu.memory_space<vmem_shared>>)
    %dma_wait3A_232 = arith.constant 0 : i32
    %dma_wait3A_233 = arith.constant 0 : i32
    %dma_wait3A_234 = tpu.memref_slice %arg8[%dma_wait3A_232, %dma_wait3A_233] : memref<80x128xi32, #tpu.memory_space<vmem>> -> memref<1x128xi32, #tpu.memory_space<vmem>>
    %dma_wait3A_235 = tpu.memref_squeeze %dma_wait3A_234 : memref<1x128xi32, #tpu.memory_space<vmem>> -> memref<128xi32, #tpu.memory_space<vmem>>
    %dma_wait3A_236 = arith.constant 0 : i32
    %dma_wait3A_237 = arith.constant 0 : i32
    %dma_wait3A_238 = tpu.memref_slice %arg17[%dma_wait3A_236, %dma_wait3A_237] : memref<10240x64xf32, #tpu.memory_space<vmem_shared>> -> memref<10240x64xf32, #tpu.memory_space<vmem_shared>>
    tpu.wait_indirect_dma semaphore(%arg33 : memref<!tpu.dma_semaphore, #tpu.memory_space<semaphore_mem>>) src(%arg16 : memref<128x64xf32, #tpu.memory_space<vmem>>) dst(%dma_wait3A_238 : memref<10240x64xf32, #tpu.memory_space<vmem_shared>>)
    %mul3A_239 = arith.constant 2 : i32
    %mul3A_240 = arith.muli %arg1, %mul3A_239 : i32
    %add3A_241 = arith.constant 1 : i32
    %add3A_242 = arith.addi %mul3A_240, %add3A_241 : i32
    "tpu.region"() ({
      %run_scoped3A = tpu.sem_alloc : memref<!tpu.dma_semaphore, #tpu.memory_space<semaphore_mem>>
      %dma_start3A_480 = arith.constant 0 : i32
      %dma_start3A_481 = arith.constant 0 : i32
      %dma_start3A_482 = tpu.memref_slice %arg3[%add3A_242, %dma_start3A_480, %dma_start3A_481] : memref<32x80x128xi32, #tpu.memory_space<hbm>> -> memref<1x80x128xi32, #tpu.memory_space<hbm>>
      %dma_start3A_483 = tpu.memref_squeeze %dma_start3A_482 : memref<1x80x128xi32, #tpu.memory_space<hbm>> -> memref<80x128xi32, #tpu.memory_space<hbm>>
      %dma_start3A_484 = arith.constant 0 : i32
      %dma_start3A_485 = arith.constant 0 : i32
      %dma_start3A_486 = tpu.memref_slice %arg3[%add3A_242, %dma_start3A_484, %dma_start3A_485] : memref<32x80x128xi32, #tpu.memory_space<hbm>> -> memref<1x80x128xi32, #tpu.memory_space<hbm>>
      %dma_start3A_487 = tpu.memref_squeeze %dma_start3A_486 : memref<1x80x128xi32, #tpu.memory_space<hbm>> -> memref<80x128xi32, #tpu.memory_space<hbm>>
      tpu.enqueue_dma source(%dma_start3A_487 : memref<80x128xi32, #tpu.memory_space<hbm>>) target(%arg7 : memref<80x128xi32, #tpu.memory_space<vmem>>) target_semaphore(%run_scoped3A : memref<!tpu.dma_semaphore, #tpu.memory_space<semaphore_mem>>)
      %dma_wait3A_488 = arith.constant 0 : i32
      %dma_wait3A_489 = arith.constant 0 : i32
      %dma_wait3A_490 = tpu.memref_slice %arg3[%add3A_242, %dma_wait3A_488, %dma_wait3A_489] : memref<32x80x128xi32, #tpu.memory_space<hbm>> -> memref<1x80x128xi32, #tpu.memory_space<hbm>>
      %dma_wait3A_491 = tpu.memref_squeeze %dma_wait3A_490 : memref<1x80x128xi32, #tpu.memory_space<hbm>> -> memref<80x128xi32, #tpu.memory_space<hbm>>
      %dma_wait3A_492 = arith.constant 0 : i32
      %dma_wait3A_493 = arith.constant 0 : i32
      %dma_wait3A_494 = tpu.memref_slice %arg3[%add3A_242, %dma_wait3A_492, %dma_wait3A_493] : memref<32x80x128xi32, #tpu.memory_space<hbm>> -> memref<1x80x128xi32, #tpu.memory_space<hbm>>
      %dma_wait3A_495 = tpu.memref_squeeze %dma_wait3A_494 : memref<1x80x128xi32, #tpu.memory_space<hbm>> -> memref<80x128xi32, #tpu.memory_space<hbm>>
      tpu.wait_dma2 semaphore(%run_scoped3A : memref<!tpu.dma_semaphore, #tpu.memory_space<semaphore_mem>>) src(%dma_wait3A_495 : memref<80x128xi32, #tpu.memory_space<hbm>>) dst(%arg7 : memref<80x128xi32, #tpu.memory_space<vmem>>)
      tpu.yield
    }) : () -> ()
    "tpu.region"() ({
      %run_scoped3A = tpu.sem_alloc : memref<!tpu.dma_semaphore, #tpu.memory_space<semaphore_mem>>
      %dma_start3A_480 = arith.constant 0 : i32
      %dma_start3A_481 = arith.constant 0 : i32
      %dma_start3A_482 = tpu.memref_slice %arg4[%add3A_242, %dma_start3A_480, %dma_start3A_481] : memref<32x80x128xi32, #tpu.memory_space<hbm>> -> memref<1x80x128xi32, #tpu.memory_space<hbm>>
      %dma_start3A_483 = tpu.memref_squeeze %dma_start3A_482 : memref<1x80x128xi32, #tpu.memory_space<hbm>> -> memref<80x128xi32, #tpu.memory_space<hbm>>
      %dma_start3A_484 = arith.constant 0 : i32
      %dma_start3A_485 = arith.constant 0 : i32
      %dma_start3A_486 = tpu.memref_slice %arg4[%add3A_242, %dma_start3A_484, %dma_start3A_485] : memref<32x80x128xi32, #tpu.memory_space<hbm>> -> memref<1x80x128xi32, #tpu.memory_space<hbm>>
      %dma_start3A_487 = tpu.memref_squeeze %dma_start3A_486 : memref<1x80x128xi32, #tpu.memory_space<hbm>> -> memref<80x128xi32, #tpu.memory_space<hbm>>
      tpu.enqueue_dma source(%dma_start3A_487 : memref<80x128xi32, #tpu.memory_space<hbm>>) target(%arg8 : memref<80x128xi32, #tpu.memory_space<vmem>>) target_semaphore(%run_scoped3A : memref<!tpu.dma_semaphore, #tpu.memory_space<semaphore_mem>>)
      %dma_wait3A_488 = arith.constant 0 : i32
      %dma_wait3A_489 = arith.constant 0 : i32
      %dma_wait3A_490 = tpu.memref_slice %arg4[%add3A_242, %dma_wait3A_488, %dma_wait3A_489] : memref<32x80x128xi32, #tpu.memory_space<hbm>> -> memref<1x80x128xi32, #tpu.memory_space<hbm>>
      %dma_wait3A_491 = tpu.memref_squeeze %dma_wait3A_490 : memref<1x80x128xi32, #tpu.memory_space<hbm>> -> memref<80x128xi32, #tpu.memory_space<hbm>>
      %dma_wait3A_492 = arith.constant 0 : i32
      %dma_wait3A_493 = arith.constant 0 : i32
      %dma_wait3A_494 = tpu.memref_slice %arg4[%add3A_242, %dma_wait3A_492, %dma_wait3A_493] : memref<32x80x128xi32, #tpu.memory_space<hbm>> -> memref<1x80x128xi32, #tpu.memory_space<hbm>>
      %dma_wait3A_495 = tpu.memref_squeeze %dma_wait3A_494 : memref<1x80x128xi32, #tpu.memory_space<hbm>> -> memref<80x128xi32, #tpu.memory_space<hbm>>
      tpu.wait_dma2 semaphore(%run_scoped3A : memref<!tpu.dma_semaphore, #tpu.memory_space<semaphore_mem>>) src(%dma_wait3A_495 : memref<80x128xi32, #tpu.memory_space<hbm>>) dst(%arg8 : memref<80x128xi32, #tpu.memory_space<vmem>>)
      tpu.yield
    }) : () -> ()
    %scan3A_243 = arith.constant 0 : i32
    %scan3A_244 = arith.constant 0 : i32
    %scan3A_245 = arith.constant 80 : i32
    %scan3A_246 = arith.addi %scan3A_244, %scan3A_245 : i32
    %scan3A_247 = arith.constant 1 : i32
    scf.for %scan3A_480 = %scan3A_244 to %scan3A_246 step %scan3A_247  : i32 {
      %get3A = arith.index_cast %scan3A_480 : i32 to index
      %get3A_481 = arith.constant 0 : index
      %get3A_482 = tpu.vector_load %arg7[%get3A, %get3A_481] {strides = array<i32>} : memref<80x128xi32, #tpu.memory_space<vmem>>, vector<1x16xi32>,
      %get3A_483 = vector.shape_cast %get3A_482 : vector<1x16xi32> to vector<16xi32>
      %mul3A_484 = arith.constant 2 : i32
      %mul3A_485 = vector.broadcast %mul3A_484 : i32 to vector<16xi32>
      %mul3A_486 = arith.muli %get3A_483, %mul3A_485 : vector<16xi32>
      %add3A_487 = vector.broadcast %arg0 : i32 to vector<16xi32>
      %add3A_488 = arith.addi %mul3A_486, %add3A_487 : vector<16xi32>
      %swap3A = arith.index_cast %scan3A_480 : i32 to index
      %swap3A_489 = arith.constant 0 : index
      %swap3A_490 = tpu.vector_load %arg7[%swap3A, %swap3A_489] {strides = array<i32>} : memref<80x128xi32, #tpu.memory_space<vmem>>, vector<1x16xi32>,
      %swap3A_491 = vector.shape_cast %swap3A_490 : vector<1x16xi32> to vector<16xi32>
      %swap3A_492 = vector.shape_cast %add3A_488 : vector<16xi32> to vector<1x16xi32>
      tpu.vector_store %arg7[%swap3A, %swap3A_489], %swap3A_492 {strides = array<i32>} : memref<80x128xi32, #tpu.memory_space<vmem>>, vector<1x16xi32>,
      %get3A_493 = arith.index_cast %scan3A_480 : i32 to index
      %get3A_494 = arith.constant 16 : index
      %get3A_495 = tpu.vector_load %arg7[%get3A_493, %get3A_494] {strides = array<i32>} : memref<80x128xi32, #tpu.memory_space<vmem>>, vector<1x16xi32>,
      %get3A_496 = vector.shape_cast %get3A_495 : vector<1x16xi32> to vector<16xi32>
      %mul3A_497 = arith.constant 2 : i32
      %mul3A_498 = vector.broadcast %mul3A_497 : i32 to vector<16xi32>
      %mul3A_499 = arith.muli %get3A_496, %mul3A_498 : vector<16xi32>
      %add3A_500 = vector.broadcast %arg0 : i32 to vector<16xi32>
      %add3A_501 = arith.addi %mul3A_499, %add3A_500 : vector<16xi32>
      %swap3A_502 = arith.index_cast %scan3A_480 : i32 to index
      %swap3A_503 = arith.constant 16 : index
      %swap3A_504 = tpu.vector_load %arg7[%swap3A_502, %swap3A_503] {strides = array<i32>} : memref<80x128xi32, #tpu.memory_space<vmem>>, vector<1x16xi32>,
      %swap3A_505 = vector.shape_cast %swap3A_504 : vector<1x16xi32> to vector<16xi32>
      %swap3A_506 = vector.shape_cast %add3A_501 : vector<16xi32> to vector<1x16xi32>
      tpu.vector_store %arg7[%swap3A_502, %swap3A_503], %swap3A_506 {strides = array<i32>} : memref<80x128xi32, #tpu.memory_space<vmem>>, vector<1x16xi32>,
      %get3A_507 = arith.index_cast %scan3A_480 : i32 to index
      %get3A_508 = arith.constant 32 : index
      %get3A_509 = tpu.vector_load %arg7[%get3A_507, %get3A_508] {strides = array<i32>} : memref<80x128xi32, #tpu.memory_space<vmem>>, vector<1x16xi32>,
      %get3A_510 = vector.shape_cast %get3A_509 : vector<1x16xi32> to vector<16xi32>
      %mul3A_511 = arith.constant 2 : i32
      %mul3A_512 = vector.broadcast %mul3A_511 : i32 to vector<16xi32>
      %mul3A_513 = arith.muli %get3A_510, %mul3A_512 : vector<16xi32>
      %add3A_514 = vector.broadcast %arg0 : i32 to vector<16xi32>
      %add3A_515 = arith.addi %mul3A_513, %add3A_514 : vector<16xi32>
      %swap3A_516 = arith.index_cast %scan3A_480 : i32 to index
      %swap3A_517 = arith.constant 32 : index
      %swap3A_518 = tpu.vector_load %arg7[%swap3A_516, %swap3A_517] {strides = array<i32>} : memref<80x128xi32, #tpu.memory_space<vmem>>, vector<1x16xi32>,
      %swap3A_519 = vector.shape_cast %swap3A_518 : vector<1x16xi32> to vector<16xi32>
      %swap3A_520 = vector.shape_cast %add3A_515 : vector<16xi32> to vector<1x16xi32>
      tpu.vector_store %arg7[%swap3A_516, %swap3A_517], %swap3A_520 {strides = array<i32>} : memref<80x128xi32, #tpu.memory_space<vmem>>, vector<1x16xi32>,
      %get3A_521 = arith.index_cast %scan3A_480 : i32 to index
      %get3A_522 = arith.constant 48 : index
      %get3A_523 = tpu.vector_load %arg7[%get3A_521, %get3A_522] {strides = array<i32>} : memref<80x128xi32, #tpu.memory_space<vmem>>, vector<1x16xi32>,
      %get3A_524 = vector.shape_cast %get3A_523 : vector<1x16xi32> to vector<16xi32>
      %mul3A_525 = arith.constant 2 : i32
      %mul3A_526 = vector.broadcast %mul3A_525 : i32 to vector<16xi32>
      %mul3A_527 = arith.muli %get3A_524, %mul3A_526 : vector<16xi32>
      %add3A_528 = vector.broadcast %arg0 : i32 to vector<16xi32>
      %add3A_529 = arith.addi %mul3A_527, %add3A_528 : vector<16xi32>
      %swap3A_530 = arith.index_cast %scan3A_480 : i32 to index
      %swap3A_531 = arith.constant 48 : index
      %swap3A_532 = tpu.vector_load %arg7[%swap3A_530, %swap3A_531] {strides = array<i32>} : memref<80x128xi32, #tpu.memory_space<vmem>>, vector<1x16xi32>,
      %swap3A_533 = vector.shape_cast %swap3A_532 : vector<1x16xi32> to vector<16xi32>
      %swap3A_534 = vector.shape_cast %add3A_529 : vector<16xi32> to vector<1x16xi32>
      tpu.vector_store %arg7[%swap3A_530, %swap3A_531], %swap3A_534 {strides = array<i32>} : memref<80x128xi32, #tpu.memory_space<vmem>>, vector<1x16xi32>,
      %get3A_535 = arith.index_cast %scan3A_480 : i32 to index
      %get3A_536 = arith.constant 64 : index
      %get3A_537 = tpu.vector_load %arg7[%get3A_535, %get3A_536] {strides = array<i32>} : memref<80x128xi32, #tpu.memory_space<vmem>>, vector<1x16xi32>,
      %get3A_538 = vector.shape_cast %get3A_537 : vector<1x16xi32> to vector<16xi32>
      %mul3A_539 = arith.constant 2 : i32
      %mul3A_540 = vector.broadcast %mul3A_539 : i32 to vector<16xi32>
      %mul3A_541 = arith.muli %get3A_538, %mul3A_540 : vector<16xi32>
      %add3A_542 = vector.broadcast %arg0 : i32 to vector<16xi32>
      %add3A_543 = arith.addi %mul3A_541, %add3A_542 : vector<16xi32>
      %swap3A_544 = arith.index_cast %scan3A_480 : i32 to index
      %swap3A_545 = arith.constant 64 : index
      %swap3A_546 = tpu.vector_load %arg7[%swap3A_544, %swap3A_545] {strides = array<i32>} : memref<80x128xi32, #tpu.memory_space<vmem>>, vector<1x16xi32>,
      %swap3A_547 = vector.shape_cast %swap3A_546 : vector<1x16xi32> to vector<16xi32>
      %swap3A_548 = vector.shape_cast %add3A_543 : vector<16xi32> to vector<1x16xi32>
      tpu.vector_store %arg7[%swap3A_544, %swap3A_545], %swap3A_548 {strides = array<i32>} : memref<80x128xi32, #tpu.memory_space<vmem>>, vector<1x16xi32>,
      %get3A_549 = arith.index_cast %scan3A_480 : i32 to index
      %get3A_550 = arith.constant 80 : index
      %get3A_551 = tpu.vector_load %arg7[%get3A_549, %get3A_550] {strides = array<i32>} : memref<80x128xi32, #tpu.memory_space<vmem>>, vector<1x16xi32>,
      %get3A_552 = vector.shape_cast %get3A_551 : vector<1x16xi32> to vector<16xi32>
      %mul3A_553 = arith.constant 2 : i32
      %mul3A_554 = vector.broadcast %mul3A_553 : i32 to vector<16xi32>
      %mul3A_555 = arith.muli %get3A_552, %mul3A_554 : vector<16xi32>
      %add3A_556 = vector.broadcast %arg0 : i32 to vector<16xi32>
      %add3A_557 = arith.addi %mul3A_555, %add3A_556 : vector<16xi32>
      %swap3A_558 = arith.index_cast %scan3A_480 : i32 to index
      %swap3A_559 = arith.constant 80 : index
      %swap3A_560 = tpu.vector_load %arg7[%swap3A_558, %swap3A_559] {strides = array<i32>} : memref<80x128xi32, #tpu.memory_space<vmem>>, vector<1x16xi32>,
      %swap3A_561 = vector.shape_cast %swap3A_560 : vector<1x16xi32> to vector<16xi32>
      %swap3A_562 = vector.shape_cast %add3A_557 : vector<16xi32> to vector<1x16xi32>
      tpu.vector_store %arg7[%swap3A_558, %swap3A_559], %swap3A_562 {strides = array<i32>} : memref<80x128xi32, #tpu.memory_space<vmem>>, vector<1x16xi32>,
      %get3A_563 = arith.index_cast %scan3A_480 : i32 to index
      %get3A_564 = arith.constant 96 : index
      %get3A_565 = tpu.vector_load %arg7[%get3A_563, %get3A_564] {strides = array<i32>} : memref<80x128xi32, #tpu.memory_space<vmem>>, vector<1x16xi32>,
      %get3A_566 = vector.shape_cast %get3A_565 : vector<1x16xi32> to vector<16xi32>
      %mul3A_567 = arith.constant 2 : i32
      %mul3A_568 = vector.broadcast %mul3A_567 : i32 to vector<16xi32>
      %mul3A_569 = arith.muli %get3A_566, %mul3A_568 : vector<16xi32>
      %add3A_570 = vector.broadcast %arg0 : i32 to vector<16xi32>
      %add3A_571 = arith.addi %mul3A_569, %add3A_570 : vector<16xi32>
      %swap3A_572 = arith.index_cast %scan3A_480 : i32 to index
      %swap3A_573 = arith.constant 96 : index
      %swap3A_574 = tpu.vector_load %arg7[%swap3A_572, %swap3A_573] {strides = array<i32>} : memref<80x128xi32, #tpu.memory_space<vmem>>, vector<1x16xi32>,
      %swap3A_575 = vector.shape_cast %swap3A_574 : vector<1x16xi32> to vector<16xi32>
      %swap3A_576 = vector.shape_cast %add3A_571 : vector<16xi32> to vector<1x16xi32>
      tpu.vector_store %arg7[%swap3A_572, %swap3A_573], %swap3A_576 {strides = array<i32>} : memref<80x128xi32, #tpu.memory_space<vmem>>, vector<1x16xi32>,
      %get3A_577 = arith.index_cast %scan3A_480 : i32 to index
      %get3A_578 = arith.constant 112 : index
      %get3A_579 = tpu.vector_load %arg7[%get3A_577, %get3A_578] {strides = array<i32>} : memref<80x128xi32, #tpu.memory_space<vmem>>, vector<1x16xi32>,
      %get3A_580 = vector.shape_cast %get3A_579 : vector<1x16xi32> to vector<16xi32>
      %mul3A_581 = arith.constant 2 : i32
      %mul3A_582 = vector.broadcast %mul3A_581 : i32 to vector<16xi32>
      %mul3A_583 = arith.muli %get3A_580, %mul3A_582 : vector<16xi32>
      %add3A_584 = vector.broadcast %arg0 : i32 to vector<16xi32>
      %add3A_585 = arith.addi %mul3A_583, %add3A_584 : vector<16xi32>
      %swap3A_586 = arith.index_cast %scan3A_480 : i32 to index
      %swap3A_587 = arith.constant 112 : index
      %swap3A_588 = tpu.vector_load %arg7[%swap3A_586, %swap3A_587] {strides = array<i32>} : memref<80x128xi32, #tpu.memory_space<vmem>>, vector<1x16xi32>,
      %swap3A_589 = vector.shape_cast %swap3A_588 : vector<1x16xi32> to vector<16xi32>
      %swap3A_590 = vector.shape_cast %add3A_585 : vector<16xi32> to vector<1x16xi32>
      tpu.vector_store %arg7[%swap3A_586, %swap3A_587], %swap3A_590 {strides = array<i32>} : memref<80x128xi32, #tpu.memory_space<vmem>>, vector<1x16xi32>,
    }
    %scan3A_248 = arith.constant 80 : i32
    %dma_start3A_249 = arith.constant 0 : i32
    %dma_start3A_250 = arith.constant 0 : i32
    %dma_start3A_251 = tpu.memref_slice %arg7[%dma_start3A_249, %dma_start3A_250] : memref<80x128xi32, #tpu.memory_space<vmem>> -> memref<1x128xi32, #tpu.memory_space<vmem>>
    %dma_start3A_252 = tpu.memref_squeeze %dma_start3A_251 : memref<1x128xi32, #tpu.memory_space<vmem>> -> memref<128xi32, #tpu.memory_space<vmem>>
    %dma_start3A_253 = arith.constant 0 : i32
    %dma_start3A_254 = arith.constant 0 : i32
    %dma_start3A_255 = tpu.memref_slice %arg2[%dma_start3A_253, %dma_start3A_254] : memref<20480x64xf32, #tpu.memory_space<hbm>> -> memref<20480x64xf32, #tpu.memory_space<hbm>>
    tpu.enqueue_indirect_dma source(%dma_start3A_255 : memref<20480x64xf32, #tpu.memory_space<hbm>>) target(%arg9 : memref<128x64xf32, #tpu.memory_space<vmem>>) offsets(%dma_start3A_252 : memref<128xi32, #tpu.memory_space<vmem>>) semaphore(%arg18 : memref<!tpu.dma_semaphore, #tpu.memory_space<semaphore_mem>>)
    %dma_start3A_256 = arith.constant 1 : i32
    %dma_start3A_257 = arith.constant 0 : i32
    %dma_start3A_258 = tpu.memref_slice %arg7[%dma_start3A_256, %dma_start3A_257] : memref<80x128xi32, #tpu.memory_space<vmem>> -> memref<1x128xi32, #tpu.memory_space<vmem>>
    %dma_start3A_259 = tpu.memref_squeeze %dma_start3A_258 : memref<1x128xi32, #tpu.memory_space<vmem>> -> memref<128xi32, #tpu.memory_space<vmem>>
    %dma_start3A_260 = arith.constant 0 : i32
    %dma_start3A_261 = arith.constant 0 : i32
    %dma_start3A_262 = tpu.memref_slice %arg2[%dma_start3A_260, %dma_start3A_261] : memref<20480x64xf32, #tpu.memory_space<hbm>> -> memref<20480x64xf32, #tpu.memory_space<hbm>>
    tpu.enqueue_indirect_dma source(%dma_start3A_262 : memref<20480x64xf32, #tpu.memory_space<hbm>>) target(%arg10 : memref<128x64xf32, #tpu.memory_space<vmem>>) offsets(%dma_start3A_259 : memref<128xi32, #tpu.memory_space<vmem>>) semaphore(%arg19 : memref<!tpu.dma_semaphore, #tpu.memory_space<semaphore_mem>>)
    %dma_start3A_263 = arith.constant 2 : i32
    %dma_start3A_264 = arith.constant 0 : i32
    %dma_start3A_265 = tpu.memref_slice %arg7[%dma_start3A_263, %dma_start3A_264] : memref<80x128xi32, #tpu.memory_space<vmem>> -> memref<1x128xi32, #tpu.memory_space<vmem>>
    %dma_start3A_266 = tpu.memref_squeeze %dma_start3A_265 : memref<1x128xi32, #tpu.memory_space<vmem>> -> memref<128xi32, #tpu.memory_space<vmem>>
    %dma_start3A_267 = arith.constant 0 : i32
    %dma_start3A_268 = arith.constant 0 : i32
    %dma_start3A_269 = tpu.memref_slice %arg2[%dma_start3A_267, %dma_start3A_268] : memref<20480x64xf32, #tpu.memory_space<hbm>> -> memref<20480x64xf32, #tpu.memory_space<hbm>>
    tpu.enqueue_indirect_dma source(%dma_start3A_269 : memref<20480x64xf32, #tpu.memory_space<hbm>>) target(%arg11 : memref<128x64xf32, #tpu.memory_space<vmem>>) offsets(%dma_start3A_266 : memref<128xi32, #tpu.memory_space<vmem>>) semaphore(%arg20 : memref<!tpu.dma_semaphore, #tpu.memory_space<semaphore_mem>>)
    %dma_start3A_270 = arith.constant 3 : i32
    %dma_start3A_271 = arith.constant 0 : i32
    %dma_start3A_272 = tpu.memref_slice %arg7[%dma_start3A_270, %dma_start3A_271] : memref<80x128xi32, #tpu.memory_space<vmem>> -> memref<1x128xi32, #tpu.memory_space<vmem>>
    %dma_start3A_273 = tpu.memref_squeeze %dma_start3A_272 : memref<1x128xi32, #tpu.memory_space<vmem>> -> memref<128xi32, #tpu.memory_space<vmem>>
    %dma_start3A_274 = arith.constant 0 : i32
    %dma_start3A_275 = arith.constant 0 : i32
    %dma_start3A_276 = tpu.memref_slice %arg2[%dma_start3A_274, %dma_start3A_275] : memref<20480x64xf32, #tpu.memory_space<hbm>> -> memref<20480x64xf32, #tpu.memory_space<hbm>>
    tpu.enqueue_indirect_dma source(%dma_start3A_276 : memref<20480x64xf32, #tpu.memory_space<hbm>>) target(%arg12 : memref<128x64xf32, #tpu.memory_space<vmem>>) offsets(%dma_start3A_273 : memref<128xi32, #tpu.memory_space<vmem>>) semaphore(%arg21 : memref<!tpu.dma_semaphore, #tpu.memory_space<semaphore_mem>>)
    %dma_wait3A_277 = arith.constant 0 : i32
    %dma_wait3A_278 = arith.constant 0 : i32
    %dma_wait3A_279 = tpu.memref_slice %arg7[%dma_wait3A_277, %dma_wait3A_278] : memref<80x128xi32, #tpu.memory_space<vmem>> -> memref<1x128xi32, #tpu.memory_space<vmem>>
    %dma_wait3A_280 = tpu.memref_squeeze %dma_wait3A_279 : memref<1x128xi32, #tpu.memory_space<vmem>> -> memref<128xi32, #tpu.memory_space<vmem>>
    %dma_wait3A_281 = arith.constant 0 : i32
    %dma_wait3A_282 = arith.constant 0 : i32
    %dma_wait3A_283 = tpu.memref_slice %arg2[%dma_wait3A_281, %dma_wait3A_282] : memref<20480x64xf32, #tpu.memory_space<hbm>> -> memref<20480x64xf32, #tpu.memory_space<hbm>>
    tpu.wait_indirect_dma semaphore(%arg18 : memref<!tpu.dma_semaphore, #tpu.memory_space<semaphore_mem>>) src(%dma_wait3A_283 : memref<20480x64xf32, #tpu.memory_space<hbm>>) dst(%arg9 : memref<128x64xf32, #tpu.memory_space<vmem>>)
    %dma_start3A_284 = arith.constant 0 : i32
    %dma_start3A_285 = arith.constant 0 : i32
    %dma_start3A_286 = tpu.memref_slice %arg8[%dma_start3A_284, %dma_start3A_285] : memref<80x128xi32, #tpu.memory_space<vmem>> -> memref<1x128xi32, #tpu.memory_space<vmem>>
    %dma_start3A_287 = tpu.memref_squeeze %dma_start3A_286 : memref<1x128xi32, #tpu.memory_space<vmem>> -> memref<128xi32, #tpu.memory_space<vmem>>
    %dma_start3A_288 = arith.constant 0 : i32
    %dma_start3A_289 = arith.constant 0 : i32
    %dma_start3A_290 = tpu.memref_slice %arg17[%dma_start3A_288, %dma_start3A_289] : memref<10240x64xf32, #tpu.memory_space<vmem_shared>> -> memref<10240x64xf32, #tpu.memory_space<vmem_shared>>
    tpu.enqueue_indirect_dma source(%arg9 : memref<128x64xf32, #tpu.memory_space<vmem>>) target(%dma_start3A_290 : memref<10240x64xf32, #tpu.memory_space<vmem_shared>>) offsets(%dma_start3A_287 : memref<128xi32, #tpu.memory_space<vmem>>) semaphore(%arg26 : memref<!tpu.dma_semaphore, #tpu.memory_space<semaphore_mem>>) {add = true}
    %dma_start3A_291 = arith.constant 4 : i32
    %dma_start3A_292 = arith.constant 0 : i32
    %dma_start3A_293 = tpu.memref_slice %arg7[%dma_start3A_291, %dma_start3A_292] : memref<80x128xi32, #tpu.memory_space<vmem>> -> memref<1x128xi32, #tpu.memory_space<vmem>>
    %dma_start3A_294 = tpu.memref_squeeze %dma_start3A_293 : memref<1x128xi32, #tpu.memory_space<vmem>> -> memref<128xi32, #tpu.memory_space<vmem>>
    %dma_start3A_295 = arith.constant 0 : i32
    %dma_start3A_296 = arith.constant 0 : i32
    %dma_start3A_297 = tpu.memref_slice %arg2[%dma_start3A_295, %dma_start3A_296] : memref<20480x64xf32, #tpu.memory_space<hbm>> -> memref<20480x64xf32, #tpu.memory_space<hbm>>
    tpu.enqueue_indirect_dma source(%dma_start3A_297 : memref<20480x64xf32, #tpu.memory_space<hbm>>) target(%arg13 : memref<128x64xf32, #tpu.memory_space<vmem>>) offsets(%dma_start3A_294 : memref<128xi32, #tpu.memory_space<vmem>>) semaphore(%arg22 : memref<!tpu.dma_semaphore, #tpu.memory_space<semaphore_mem>>)
    %dma_wait3A_298 = arith.constant 1 : i32
    %dma_wait3A_299 = arith.constant 0 : i32
    %dma_wait3A_300 = tpu.memref_slice %arg7[%dma_wait3A_298, %dma_wait3A_299] : memref<80x128xi32, #tpu.memory_space<vmem>> -> memref<1x128xi32, #tpu.memory_space<vmem>>
    %dma_wait3A_301 = tpu.memref_squeeze %dma_wait3A_300 : memref<1x128xi32, #tpu.memory_space<vmem>> -> memref<128xi32, #tpu.memory_space<vmem>>
    %dma_wait3A_302 = arith.constant 0 : i32
    %dma_wait3A_303 = arith.constant 0 : i32
    %dma_wait3A_304 = tpu.memref_slice %arg2[%dma_wait3A_302, %dma_wait3A_303] : memref<20480x64xf32, #tpu.memory_space<hbm>> -> memref<20480x64xf32, #tpu.memory_space<hbm>>
    tpu.wait_indirect_dma semaphore(%arg19 : memref<!tpu.dma_semaphore, #tpu.memory_space<semaphore_mem>>) src(%dma_wait3A_304 : memref<20480x64xf32, #tpu.memory_space<hbm>>) dst(%arg10 : memref<128x64xf32, #tpu.memory_space<vmem>>)
    %dma_start3A_305 = arith.constant 1 : i32
    %dma_start3A_306 = arith.constant 0 : i32
    %dma_start3A_307 = tpu.memref_slice %arg8[%dma_start3A_305, %dma_start3A_306] : memref<80x128xi32, #tpu.memory_space<vmem>> -> memref<1x128xi32, #tpu.memory_space<vmem>>
    %dma_start3A_308 = tpu.memref_squeeze %dma_start3A_307 : memref<1x128xi32, #tpu.memory_space<vmem>> -> memref<128xi32, #tpu.memory_space<vmem>>
    %dma_start3A_309 = arith.constant 0 : i32
    %dma_start3A_310 = arith.constant 0 : i32
    %dma_start3A_311 = tpu.memref_slice %arg17[%dma_start3A_309, %dma_start3A_310] : memref<10240x64xf32, #tpu.memory_space<vmem_shared>> -> memref<10240x64xf32, #tpu.memory_space<vmem_shared>>
    tpu.enqueue_indirect_dma source(%arg10 : memref<128x64xf32, #tpu.memory_space<vmem>>) target(%dma_start3A_311 : memref<10240x64xf32, #tpu.memory_space<vmem_shared>>) offsets(%dma_start3A_308 : memref<128xi32, #tpu.memory_space<vmem>>) semaphore(%arg27 : memref<!tpu.dma_semaphore, #tpu.memory_space<semaphore_mem>>) {add = true}
    %dma_start3A_312 = arith.constant 5 : i32
    %dma_start3A_313 = arith.constant 0 : i32
    %dma_start3A_314 = tpu.memref_slice %arg7[%dma_start3A_312, %dma_start3A_313] : memref<80x128xi32, #tpu.memory_space<vmem>> -> memref<1x128xi32, #tpu.memory_space<vmem>>
    %dma_start3A_315 = tpu.memref_squeeze %dma_start3A_314 : memref<1x128xi32, #tpu.memory_space<vmem>> -> memref<128xi32, #tpu.memory_space<vmem>>
    %dma_start3A_316 = arith.constant 0 : i32
    %dma_start3A_317 = arith.constant 0 : i32
    %dma_start3A_318 = tpu.memref_slice %arg2[%dma_start3A_316, %dma_start3A_317] : memref<20480x64xf32, #tpu.memory_space<hbm>> -> memref<20480x64xf32, #tpu.memory_space<hbm>>
    tpu.enqueue_indirect_dma source(%dma_start3A_318 : memref<20480x64xf32, #tpu.memory_space<hbm>>) target(%arg14 : memref<128x64xf32, #tpu.memory_space<vmem>>) offsets(%dma_start3A_315 : memref<128xi32, #tpu.memory_space<vmem>>) semaphore(%arg23 : memref<!tpu.dma_semaphore, #tpu.memory_space<semaphore_mem>>)
    %dma_wait3A_319 = arith.constant 2 : i32
    %dma_wait3A_320 = arith.constant 0 : i32
    %dma_wait3A_321 = tpu.memref_slice %arg7[%dma_wait3A_319, %dma_wait3A_320] : memref<80x128xi32, #tpu.memory_space<vmem>> -> memref<1x128xi32, #tpu.memory_space<vmem>>
    %dma_wait3A_322 = tpu.memref_squeeze %dma_wait3A_321 : memref<1x128xi32, #tpu.memory_space<vmem>> -> memref<128xi32, #tpu.memory_space<vmem>>
    %dma_wait3A_323 = arith.constant 0 : i32
    %dma_wait3A_324 = arith.constant 0 : i32
    %dma_wait3A_325 = tpu.memref_slice %arg2[%dma_wait3A_323, %dma_wait3A_324] : memref<20480x64xf32, #tpu.memory_space<hbm>> -> memref<20480x64xf32, #tpu.memory_space<hbm>>
    tpu.wait_indirect_dma semaphore(%arg20 : memref<!tpu.dma_semaphore, #tpu.memory_space<semaphore_mem>>) src(%dma_wait3A_325 : memref<20480x64xf32, #tpu.memory_space<hbm>>) dst(%arg11 : memref<128x64xf32, #tpu.memory_space<vmem>>)
    %dma_start3A_326 = arith.constant 2 : i32
    %dma_start3A_327 = arith.constant 0 : i32
    %dma_start3A_328 = tpu.memref_slice %arg8[%dma_start3A_326, %dma_start3A_327] : memref<80x128xi32, #tpu.memory_space<vmem>> -> memref<1x128xi32, #tpu.memory_space<vmem>>
    %dma_start3A_329 = tpu.memref_squeeze %dma_start3A_328 : memref<1x128xi32, #tpu.memory_space<vmem>> -> memref<128xi32, #tpu.memory_space<vmem>>
    %dma_start3A_330 = arith.constant 0 : i32
    %dma_start3A_331 = arith.constant 0 : i32
    %dma_start3A_332 = tpu.memref_slice %arg17[%dma_start3A_330, %dma_start3A_331] : memref<10240x64xf32, #tpu.memory_space<vmem_shared>> -> memref<10240x64xf32, #tpu.memory_space<vmem_shared>>
    tpu.enqueue_indirect_dma source(%arg11 : memref<128x64xf32, #tpu.memory_space<vmem>>) target(%dma_start3A_332 : memref<10240x64xf32, #tpu.memory_space<vmem_shared>>) offsets(%dma_start3A_329 : memref<128xi32, #tpu.memory_space<vmem>>) semaphore(%arg28 : memref<!tpu.dma_semaphore, #tpu.memory_space<semaphore_mem>>) {add = true}
    %dma_start3A_333 = arith.constant 6 : i32
    %dma_start3A_334 = arith.constant 0 : i32
    %dma_start3A_335 = tpu.memref_slice %arg7[%dma_start3A_333, %dma_start3A_334] : memref<80x128xi32, #tpu.memory_space<vmem>> -> memref<1x128xi32, #tpu.memory_space<vmem>>
    %dma_start3A_336 = tpu.memref_squeeze %dma_start3A_335 : memref<1x128xi32, #tpu.memory_space<vmem>> -> memref<128xi32, #tpu.memory_space<vmem>>
    %dma_start3A_337 = arith.constant 0 : i32
    %dma_start3A_338 = arith.constant 0 : i32
    %dma_start3A_339 = tpu.memref_slice %arg2[%dma_start3A_337, %dma_start3A_338] : memref<20480x64xf32, #tpu.memory_space<hbm>> -> memref<20480x64xf32, #tpu.memory_space<hbm>>
    tpu.enqueue_indirect_dma source(%dma_start3A_339 : memref<20480x64xf32, #tpu.memory_space<hbm>>) target(%arg15 : memref<128x64xf32, #tpu.memory_space<vmem>>) offsets(%dma_start3A_336 : memref<128xi32, #tpu.memory_space<vmem>>) semaphore(%arg24 : memref<!tpu.dma_semaphore, #tpu.memory_space<semaphore_mem>>)
    %dma_wait3A_340 = arith.constant 3 : i32
    %dma_wait3A_341 = arith.constant 0 : i32
    %dma_wait3A_342 = tpu.memref_slice %arg7[%dma_wait3A_340, %dma_wait3A_341] : memref<80x128xi32, #tpu.memory_space<vmem>> -> memref<1x128xi32, #tpu.memory_space<vmem>>
    %dma_wait3A_343 = tpu.memref_squeeze %dma_wait3A_342 : memref<1x128xi32, #tpu.memory_space<vmem>> -> memref<128xi32, #tpu.memory_space<vmem>>
    %dma_wait3A_344 = arith.constant 0 : i32
    %dma_wait3A_345 = arith.constant 0 : i32
    %dma_wait3A_346 = tpu.memref_slice %arg2[%dma_wait3A_344, %dma_wait3A_345] : memref<20480x64xf32, #tpu.memory_space<hbm>> -> memref<20480x64xf32, #tpu.memory_space<hbm>>
    tpu.wait_indirect_dma semaphore(%arg21 : memref<!tpu.dma_semaphore, #tpu.memory_space<semaphore_mem>>) src(%dma_wait3A_346 : memref<20480x64xf32, #tpu.memory_space<hbm>>) dst(%arg12 : memref<128x64xf32, #tpu.memory_space<vmem>>)
    %dma_start3A_347 = arith.constant 3 : i32
    %dma_start3A_348 = arith.constant 0 : i32
    %dma_start3A_349 = tpu.memref_slice %arg8[%dma_start3A_347, %dma_start3A_348] : memref<80x128xi32, #tpu.memory_space<vmem>> -> memref<1x128xi32, #tpu.memory_space<vmem>>
    %dma_start3A_350 = tpu.memref_squeeze %dma_start3A_349 : memref<1x128xi32, #tpu.memory_space<vmem>> -> memref<128xi32, #tpu.memory_space<vmem>>
    %dma_start3A_351 = arith.constant 0 : i32
    %dma_start3A_352 = arith.constant 0 : i32
    %dma_start3A_353 = tpu.memref_slice %arg17[%dma_start3A_351, %dma_start3A_352] : memref<10240x64xf32, #tpu.memory_space<vmem_shared>> -> memref<10240x64xf32, #tpu.memory_space<vmem_shared>>
    tpu.enqueue_indirect_dma source(%arg12 : memref<128x64xf32, #tpu.memory_space<vmem>>) target(%dma_start3A_353 : memref<10240x64xf32, #tpu.memory_space<vmem_shared>>) offsets(%dma_start3A_350 : memref<128xi32, #tpu.memory_space<vmem>>) semaphore(%arg29 : memref<!tpu.dma_semaphore, #tpu.memory_space<semaphore_mem>>) {add = true}
    %dma_start3A_354 = arith.constant 7 : i32
    %dma_start3A_355 = arith.constant 0 : i32
    %dma_start3A_356 = tpu.memref_slice %arg7[%dma_start3A_354, %dma_start3A_355] : memref<80x128xi32, #tpu.memory_space<vmem>> -> memref<1x128xi32, #tpu.memory_space<vmem>>
    %dma_start3A_357 = tpu.memref_squeeze %dma_start3A_356 : memref<1x128xi32, #tpu.memory_space<vmem>> -> memref<128xi32, #tpu.memory_space<vmem>>
    %dma_start3A_358 = arith.constant 0 : i32
    %dma_start3A_359 = arith.constant 0 : i32
    %dma_start3A_360 = tpu.memref_slice %arg2[%dma_start3A_358, %dma_start3A_359] : memref<20480x64xf32, #tpu.memory_space<hbm>> -> memref<20480x64xf32, #tpu.memory_space<hbm>>
    tpu.enqueue_indirect_dma source(%dma_start3A_360 : memref<20480x64xf32, #tpu.memory_space<hbm>>) target(%arg16 : memref<128x64xf32, #tpu.memory_space<vmem>>) offsets(%dma_start3A_357 : memref<128xi32, #tpu.memory_space<vmem>>) semaphore(%arg25 : memref<!tpu.dma_semaphore, #tpu.memory_space<semaphore_mem>>)
    %scan3A_361 = arith.constant 0 : i32
    %scan3A_362 = arith.constant 0 : i32
    %scan3A_363 = arith.constant 9 : i32
    %scan3A_364 = arith.addi %scan3A_362, %scan3A_363 : i32
    %scan3A_365 = arith.constant 1 : i32
    scf.for %scan3A_480 = %scan3A_362 to %scan3A_364 step %scan3A_365  : i32 {
      %mul3A_481 = arith.constant 8 : i32
      %mul3A_482 = arith.muli %mul3A_481, %scan3A_480 : i32
      %add3A_483 = arith.constant 4 : i32
      %add3A_484 = arith.addi %add3A_483, %mul3A_482 : i32
      %add3A_485 = arith.constant 0 : i32
      %add3A_486 = arith.addi %add3A_484, %add3A_485 : i32
      %dma_wait3A_487 = arith.constant 0 : i32
      %dma_wait3A_488 = tpu.memref_slice %arg7[%add3A_486, %dma_wait3A_487] : memref<80x128xi32, #tpu.memory_space<vmem>> -> memref<1x128xi32, #tpu.memory_space<vmem>>
      %dma_wait3A_489 = tpu.memref_squeeze %dma_wait3A_488 : memref<1x128xi32, #tpu.memory_space<vmem>> -> memref<128xi32, #tpu.memory_space<vmem>>
      %dma_wait3A_490 = arith.constant 0 : i32
      %dma_wait3A_491 = arith.constant 0 : i32
      %dma_wait3A_492 = tpu.memref_slice %arg2[%dma_wait3A_490, %dma_wait3A_491] : memref<20480x64xf32, #tpu.memory_space<hbm>> -> memref<20480x64xf32, #tpu.memory_space<hbm>>
      tpu.wait_indirect_dma semaphore(%arg22 : memref<!tpu.dma_semaphore, #tpu.memory_space<semaphore_mem>>) src(%dma_wait3A_492 : memref<20480x64xf32, #tpu.memory_space<hbm>>) dst(%arg13 : memref<128x64xf32, #tpu.memory_space<vmem>>)
      %dma_start3A_493 = arith.constant 0 : i32
      %dma_start3A_494 = tpu.memref_slice %arg8[%add3A_486, %dma_start3A_493] : memref<80x128xi32, #tpu.memory_space<vmem>> -> memref<1x128xi32, #tpu.memory_space<vmem>>
      %dma_start3A_495 = tpu.memref_squeeze %dma_start3A_494 : memref<1x128xi32, #tpu.memory_space<vmem>> -> memref<128xi32, #tpu.memory_space<vmem>>
      %dma_start3A_496 = arith.constant 0 : i32
      %dma_start3A_497 = arith.constant 0 : i32
      %dma_start3A_498 = tpu.memref_slice %arg17[%dma_start3A_496, %dma_start3A_497] : memref<10240x64xf32, #tpu.memory_space<vmem_shared>> -> memref<10240x64xf32, #tpu.memory_space<vmem_shared>>
      tpu.enqueue_indirect_dma source(%arg13 : memref<128x64xf32, #tpu.memory_space<vmem>>) target(%dma_start3A_498 : memref<10240x64xf32, #tpu.memory_space<vmem_shared>>) offsets(%dma_start3A_495 : memref<128xi32, #tpu.memory_space<vmem>>) semaphore(%arg30 : memref<!tpu.dma_semaphore, #tpu.memory_space<semaphore_mem>>) {add = true}
      %dma_wait3A_499 = arith.constant 0 : i32
      %dma_wait3A_500 = arith.constant 0 : i32
      %dma_wait3A_501 = tpu.memref_slice %arg8[%dma_wait3A_499, %dma_wait3A_500] : memref<80x128xi32, #tpu.memory_space<vmem>> -> memref<1x128xi32, #tpu.memory_space<vmem>>
      %dma_wait3A_502 = tpu.memref_squeeze %dma_wait3A_501 : memref<1x128xi32, #tpu.memory_space<vmem>> -> memref<128xi32, #tpu.memory_space<vmem>>
      %dma_wait3A_503 = arith.constant 0 : i32
      %dma_wait3A_504 = arith.constant 0 : i32
      %dma_wait3A_505 = tpu.memref_slice %arg17[%dma_wait3A_503, %dma_wait3A_504] : memref<10240x64xf32, #tpu.memory_space<vmem_shared>> -> memref<10240x64xf32, #tpu.memory_space<vmem_shared>>
      tpu.wait_indirect_dma semaphore(%arg26 : memref<!tpu.dma_semaphore, #tpu.memory_space<semaphore_mem>>) src(%arg9 : memref<128x64xf32, #tpu.memory_space<vmem>>) dst(%dma_wait3A_505 : memref<10240x64xf32, #tpu.memory_space<vmem_shared>>)
      %add3A_506 = arith.constant 4 : i32
      %add3A_507 = arith.addi %add3A_486, %add3A_506 : i32
      %dma_start3A_508 = arith.constant 0 : i32
      %dma_start3A_509 = tpu.memref_slice %arg7[%add3A_507, %dma_start3A_508] : memref<80x128xi32, #tpu.memory_space<vmem>> -> memref<1x128xi32, #tpu.memory_space<vmem>>
      %dma_start3A_510 = tpu.memref_squeeze %dma_start3A_509 : memref<1x128xi32, #tpu.memory_space<vmem>> -> memref<128xi32, #tpu.memory_space<vmem>>
      %dma_start3A_511 = arith.constant 0 : i32
      %dma_start3A_512 = arith.constant 0 : i32
      %dma_start3A_513 = tpu.memref_slice %arg2[%dma_start3A_511, %dma_start3A_512] : memref<20480x64xf32, #tpu.memory_space<hbm>> -> memref<20480x64xf32, #tpu.memory_space<hbm>>
      tpu.enqueue_indirect_dma source(%dma_start3A_513 : memref<20480x64xf32, #tpu.memory_space<hbm>>) target(%arg9 : memref<128x64xf32, #tpu.memory_space<vmem>>) offsets(%dma_start3A_510 : memref<128xi32, #tpu.memory_space<vmem>>) semaphore(%arg18 : memref<!tpu.dma_semaphore, #tpu.memory_space<semaphore_mem>>)
      %mul3A_514 = arith.constant 8 : i32
      %mul3A_515 = arith.muli %mul3A_514, %scan3A_480 : i32
      %add3A_516 = arith.constant 4 : i32
      %add3A_517 = arith.addi %add3A_516, %mul3A_515 : i32
      %add3A_518 = arith.constant 1 : i32
      %add3A_519 = arith.addi %add3A_517, %add3A_518 : i32
      %dma_wait3A_520 = arith.constant 0 : i32
      %dma_wait3A_521 = tpu.memref_slice %arg7[%add3A_519, %dma_wait3A_520] : memref<80x128xi32, #tpu.memory_space<vmem>> -> memref<1x128xi32, #tpu.memory_space<vmem>>
      %dma_wait3A_522 = tpu.memref_squeeze %dma_wait3A_521 : memref<1x128xi32, #tpu.memory_space<vmem>> -> memref<128xi32, #tpu.memory_space<vmem>>
      %dma_wait3A_523 = arith.constant 0 : i32
      %dma_wait3A_524 = arith.constant 0 : i32
      %dma_wait3A_525 = tpu.memref_slice %arg2[%dma_wait3A_523, %dma_wait3A_524] : memref<20480x64xf32, #tpu.memory_space<hbm>> -> memref<20480x64xf32, #tpu.memory_space<hbm>>
      tpu.wait_indirect_dma semaphore(%arg23 : memref<!tpu.dma_semaphore, #tpu.memory_space<semaphore_mem>>) src(%dma_wait3A_525 : memref<20480x64xf32, #tpu.memory_space<hbm>>) dst(%arg14 : memref<128x64xf32, #tpu.memory_space<vmem>>)
      %dma_start3A_526 = arith.constant 0 : i32
      %dma_start3A_527 = tpu.memref_slice %arg8[%add3A_519, %dma_start3A_526] : memref<80x128xi32, #tpu.memory_space<vmem>> -> memref<1x128xi32, #tpu.memory_space<vmem>>
      %dma_start3A_528 = tpu.memref_squeeze %dma_start3A_527 : memref<1x128xi32, #tpu.memory_space<vmem>> -> memref<128xi32, #tpu.memory_space<vmem>>
      %dma_start3A_529 = arith.constant 0 : i32
      %dma_start3A_530 = arith.constant 0 : i32
      %dma_start3A_531 = tpu.memref_slice %arg17[%dma_start3A_529, %dma_start3A_530] : memref<10240x64xf32, #tpu.memory_space<vmem_shared>> -> memref<10240x64xf32, #tpu.memory_space<vmem_shared>>
      tpu.enqueue_indirect_dma source(%arg14 : memref<128x64xf32, #tpu.memory_space<vmem>>) target(%dma_start3A_531 : memref<10240x64xf32, #tpu.memory_space<vmem_shared>>) offsets(%dma_start3A_528 : memref<128xi32, #tpu.memory_space<vmem>>) semaphore(%arg31 : memref<!tpu.dma_semaphore, #tpu.memory_space<semaphore_mem>>) {add = true}
      %dma_wait3A_532 = arith.constant 0 : i32
      %dma_wait3A_533 = arith.constant 0 : i32
      %dma_wait3A_534 = tpu.memref_slice %arg8[%dma_wait3A_532, %dma_wait3A_533] : memref<80x128xi32, #tpu.memory_space<vmem>> -> memref<1x128xi32, #tpu.memory_space<vmem>>
      %dma_wait3A_535 = tpu.memref_squeeze %dma_wait3A_534 : memref<1x128xi32, #tpu.memory_space<vmem>> -> memref<128xi32, #tpu.memory_space<vmem>>
      %dma_wait3A_536 = arith.constant 0 : i32
      %dma_wait3A_537 = arith.constant 0 : i32
      %dma_wait3A_538 = tpu.memref_slice %arg17[%dma_wait3A_536, %dma_wait3A_537] : memref<10240x64xf32, #tpu.memory_space<vmem_shared>> -> memref<10240x64xf32, #tpu.memory_space<vmem_shared>>
      tpu.wait_indirect_dma semaphore(%arg27 : memref<!tpu.dma_semaphore, #tpu.memory_space<semaphore_mem>>) src(%arg10 : memref<128x64xf32, #tpu.memory_space<vmem>>) dst(%dma_wait3A_538 : memref<10240x64xf32, #tpu.memory_space<vmem_shared>>)
      %add3A_539 = arith.constant 4 : i32
      %add3A_540 = arith.addi %add3A_519, %add3A_539 : i32
      %dma_start3A_541 = arith.constant 0 : i32
      %dma_start3A_542 = tpu.memref_slice %arg7[%add3A_540, %dma_start3A_541] : memref<80x128xi32, #tpu.memory_space<vmem>> -> memref<1x128xi32, #tpu.memory_space<vmem>>
      %dma_start3A_543 = tpu.memref_squeeze %dma_start3A_542 : memref<1x128xi32, #tpu.memory_space<vmem>> -> memref<128xi32, #tpu.memory_space<vmem>>
      %dma_start3A_544 = arith.constant 0 : i32
      %dma_start3A_545 = arith.constant 0 : i32
      %dma_start3A_546 = tpu.memref_slice %arg2[%dma_start3A_544, %dma_start3A_545] : memref<20480x64xf32, #tpu.memory_space<hbm>> -> memref<20480x64xf32, #tpu.memory_space<hbm>>
      tpu.enqueue_indirect_dma source(%dma_start3A_546 : memref<20480x64xf32, #tpu.memory_space<hbm>>) target(%arg10 : memref<128x64xf32, #tpu.memory_space<vmem>>) offsets(%dma_start3A_543 : memref<128xi32, #tpu.memory_space<vmem>>) semaphore(%arg19 : memref<!tpu.dma_semaphore, #tpu.memory_space<semaphore_mem>>)
      %mul3A_547 = arith.constant 8 : i32
      %mul3A_548 = arith.muli %mul3A_547, %scan3A_480 : i32
      %add3A_549 = arith.constant 4 : i32
      %add3A_550 = arith.addi %add3A_549, %mul3A_548 : i32
      %add3A_551 = arith.constant 2 : i32
      %add3A_552 = arith.addi %add3A_550, %add3A_551 : i32
      %dma_wait3A_553 = arith.constant 0 : i32
      %dma_wait3A_554 = tpu.memref_slice %arg7[%add3A_552, %dma_wait3A_553] : memref<80x128xi32, #tpu.memory_space<vmem>> -> memref<1x128xi32, #tpu.memory_space<vmem>>
      %dma_wait3A_555 = tpu.memref_squeeze %dma_wait3A_554 : memref<1x128xi32, #tpu.memory_space<vmem>> -> memref<128xi32, #tpu.memory_space<vmem>>
      %dma_wait3A_556 = arith.constant 0 : i32
      %dma_wait3A_557 = arith.constant 0 : i32
      %dma_wait3A_558 = tpu.memref_slice %arg2[%dma_wait3A_556, %dma_wait3A_557] : memref<20480x64xf32, #tpu.memory_space<hbm>> -> memref<20480x64xf32, #tpu.memory_space<hbm>>
      tpu.wait_indirect_dma semaphore(%arg24 : memref<!tpu.dma_semaphore, #tpu.memory_space<semaphore_mem>>) src(%dma_wait3A_558 : memref<20480x64xf32, #tpu.memory_space<hbm>>) dst(%arg15 : memref<128x64xf32, #tpu.memory_space<vmem>>)
      %dma_start3A_559 = arith.constant 0 : i32
      %dma_start3A_560 = tpu.memref_slice %arg8[%add3A_552, %dma_start3A_559] : memref<80x128xi32, #tpu.memory_space<vmem>> -> memref<1x128xi32, #tpu.memory_space<vmem>>
      %dma_start3A_561 = tpu.memref_squeeze %dma_start3A_560 : memref<1x128xi32, #tpu.memory_space<vmem>> -> memref<128xi32, #tpu.memory_space<vmem>>
      %dma_start3A_562 = arith.constant 0 : i32
      %dma_start3A_563 = arith.constant 0 : i32
      %dma_start3A_564 = tpu.memref_slice %arg17[%dma_start3A_562, %dma_start3A_563] : memref<10240x64xf32, #tpu.memory_space<vmem_shared>> -> memref<10240x64xf32, #tpu.memory_space<vmem_shared>>
      tpu.enqueue_indirect_dma source(%arg15 : memref<128x64xf32, #tpu.memory_space<vmem>>) target(%dma_start3A_564 : memref<10240x64xf32, #tpu.memory_space<vmem_shared>>) offsets(%dma_start3A_561 : memref<128xi32, #tpu.memory_space<vmem>>) semaphore(%arg32 : memref<!tpu.dma_semaphore, #tpu.memory_space<semaphore_mem>>) {add = true}
      %dma_wait3A_565 = arith.constant 0 : i32
      %dma_wait3A_566 = arith.constant 0 : i32
      %dma_wait3A_567 = tpu.memref_slice %arg8[%dma_wait3A_565, %dma_wait3A_566] : memref<80x128xi32, #tpu.memory_space<vmem>> -> memref<1x128xi32, #tpu.memory_space<vmem>>
      %dma_wait3A_568 = tpu.memref_squeeze %dma_wait3A_567 : memref<1x128xi32, #tpu.memory_space<vmem>> -> memref<128xi32, #tpu.memory_space<vmem>>
      %dma_wait3A_569 = arith.constant 0 : i32
      %dma_wait3A_570 = arith.constant 0 : i32
      %dma_wait3A_571 = tpu.memref_slice %arg17[%dma_wait3A_569, %dma_wait3A_570] : memref<10240x64xf32, #tpu.memory_space<vmem_shared>> -> memref<10240x64xf32, #tpu.memory_space<vmem_shared>>
      tpu.wait_indirect_dma semaphore(%arg28 : memref<!tpu.dma_semaphore, #tpu.memory_space<semaphore_mem>>) src(%arg11 : memref<128x64xf32, #tpu.memory_space<vmem>>) dst(%dma_wait3A_571 : memref<10240x64xf32, #tpu.memory_space<vmem_shared>>)
      %add3A_572 = arith.constant 4 : i32
      %add3A_573 = arith.addi %add3A_552, %add3A_572 : i32
      %dma_start3A_574 = arith.constant 0 : i32
      %dma_start3A_575 = tpu.memref_slice %arg7[%add3A_573, %dma_start3A_574] : memref<80x128xi32, #tpu.memory_space<vmem>> -> memref<1x128xi32, #tpu.memory_space<vmem>>
      %dma_start3A_576 = tpu.memref_squeeze %dma_start3A_575 : memref<1x128xi32, #tpu.memory_space<vmem>> -> memref<128xi32, #tpu.memory_space<vmem>>
      %dma_start3A_577 = arith.constant 0 : i32
      %dma_start3A_578 = arith.constant 0 : i32
      %dma_start3A_579 = tpu.memref_slice %arg2[%dma_start3A_577, %dma_start3A_578] : memref<20480x64xf32, #tpu.memory_space<hbm>> -> memref<20480x64xf32, #tpu.memory_space<hbm>>
      tpu.enqueue_indirect_dma source(%dma_start3A_579 : memref<20480x64xf32, #tpu.memory_space<hbm>>) target(%arg11 : memref<128x64xf32, #tpu.memory_space<vmem>>) offsets(%dma_start3A_576 : memref<128xi32, #tpu.memory_space<vmem>>) semaphore(%arg20 : memref<!tpu.dma_semaphore, #tpu.memory_space<semaphore_mem>>)
      %mul3A_580 = arith.constant 8 : i32
      %mul3A_581 = arith.muli %mul3A_580, %scan3A_480 : i32
      %add3A_582 = arith.constant 4 : i32
      %add3A_583 = arith.addi %add3A_582, %mul3A_581 : i32
      %add3A_584 = arith.constant 3 : i32
      %add3A_585 = arith.addi %add3A_583, %add3A_584 : i32
      %dma_wait3A_586 = arith.constant 0 : i32
      %dma_wait3A_587 = tpu.memref_slice %arg7[%add3A_585, %dma_wait3A_586] : memref<80x128xi32, #tpu.memory_space<vmem>> -> memref<1x128xi32, #tpu.memory_space<vmem>>
      %dma_wait3A_588 = tpu.memref_squeeze %dma_wait3A_587 : memref<1x128xi32, #tpu.memory_space<vmem>> -> memref<128xi32, #tpu.memory_space<vmem>>
      %dma_wait3A_589 = arith.constant 0 : i32
      %dma_wait3A_590 = arith.constant 0 : i32
      %dma_wait3A_591 = tpu.memref_slice %arg2[%dma_wait3A_589, %dma_wait3A_590] : memref<20480x64xf32, #tpu.memory_space<hbm>> -> memref<20480x64xf32, #tpu.memory_space<hbm>>
      tpu.wait_indirect_dma semaphore(%arg25 : memref<!tpu.dma_semaphore, #tpu.memory_space<semaphore_mem>>) src(%dma_wait3A_591 : memref<20480x64xf32, #tpu.memory_space<hbm>>) dst(%arg16 : memref<128x64xf32, #tpu.memory_space<vmem>>)
      %dma_start3A_592 = arith.constant 0 : i32
      %dma_start3A_593 = tpu.memref_slice %arg8[%add3A_585, %dma_start3A_592] : memref<80x128xi32, #tpu.memory_space<vmem>> -> memref<1x128xi32, #tpu.memory_space<vmem>>
      %dma_start3A_594 = tpu.memref_squeeze %dma_start3A_593 : memref<1x128xi32, #tpu.memory_space<vmem>> -> memref<128xi32, #tpu.memory_space<vmem>>
      %dma_start3A_595 = arith.constant 0 : i32
      %dma_start3A_596 = arith.constant 0 : i32
      %dma_start3A_597 = tpu.memref_slice %arg17[%dma_start3A_595, %dma_start3A_596] : memref<10240x64xf32, #tpu.memory_space<vmem_shared>> -> memref<10240x64xf32, #tpu.memory_space<vmem_shared>>
      tpu.enqueue_indirect_dma source(%arg16 : memref<128x64xf32, #tpu.memory_space<vmem>>) target(%dma_start3A_597 : memref<10240x64xf32, #tpu.memory_space<vmem_shared>>) offsets(%dma_start3A_594 : memref<128xi32, #tpu.memory_space<vmem>>) semaphore(%arg33 : memref<!tpu.dma_semaphore, #tpu.memory_space<semaphore_mem>>) {add = true}
      %dma_wait3A_598 = arith.constant 0 : i32
      %dma_wait3A_599 = arith.constant 0 : i32
      %dma_wait3A_600 = tpu.memref_slice %arg8[%dma_wait3A_598, %dma_wait3A_599] : memref<80x128xi32, #tpu.memory_space<vmem>> -> memref<1x128xi32, #tpu.memory_space<vmem>>
      %dma_wait3A_601 = tpu.memref_squeeze %dma_wait3A_600 : memref<1x128xi32, #tpu.memory_space<vmem>> -> memref<128xi32, #tpu.memory_space<vmem>>
      %dma_wait3A_602 = arith.constant 0 : i32
      %dma_wait3A_603 = arith.constant 0 : i32
      %dma_wait3A_604 = tpu.memref_slice %arg17[%dma_wait3A_602, %dma_wait3A_603] : memref<10240x64xf32, #tpu.memory_space<vmem_shared>> -> memref<10240x64xf32, #tpu.memory_space<vmem_shared>>
      tpu.wait_indirect_dma semaphore(%arg29 : memref<!tpu.dma_semaphore, #tpu.memory_space<semaphore_mem>>) src(%arg12 : memref<128x64xf32, #tpu.memory_space<vmem>>) dst(%dma_wait3A_604 : memref<10240x64xf32, #tpu.memory_space<vmem_shared>>)
      %add3A_605 = arith.constant 4 : i32
      %add3A_606 = arith.addi %add3A_585, %add3A_605 : i32
      %dma_start3A_607 = arith.constant 0 : i32
      %dma_start3A_608 = tpu.memref_slice %arg7[%add3A_606, %dma_start3A_607] : memref<80x128xi32, #tpu.memory_space<vmem>> -> memref<1x128xi32, #tpu.memory_space<vmem>>
      %dma_start3A_609 = tpu.memref_squeeze %dma_start3A_608 : memref<1x128xi32, #tpu.memory_space<vmem>> -> memref<128xi32, #tpu.memory_space<vmem>>
      %dma_start3A_610 = arith.constant 0 : i32
      %dma_start3A_611 = arith.constant 0 : i32
      %dma_start3A_612 = tpu.memref_slice %arg2[%dma_start3A_610, %dma_start3A_611] : memref<20480x64xf32, #tpu.memory_space<hbm>> -> memref<20480x64xf32, #tpu.memory_space<hbm>>
      tpu.enqueue_indirect_dma source(%dma_start3A_612 : memref<20480x64xf32, #tpu.memory_space<hbm>>) target(%arg12 : memref<128x64xf32, #tpu.memory_space<vmem>>) offsets(%dma_start3A_609 : memref<128xi32, #tpu.memory_space<vmem>>) semaphore(%arg21 : memref<!tpu.dma_semaphore, #tpu.memory_space<semaphore_mem>>)
      %mul3A_613 = arith.constant 8 : i32
      %mul3A_614 = arith.muli %mul3A_613, %scan3A_480 : i32
      %add3A_615 = arith.constant 4 : i32
      %add3A_616 = arith.addi %add3A_615, %mul3A_614 : i32
      %add3A_617 = arith.constant 4 : i32
      %add3A_618 = arith.addi %add3A_616, %add3A_617 : i32
      %dma_wait3A_619 = arith.constant 0 : i32
      %dma_wait3A_620 = tpu.memref_slice %arg7[%add3A_618, %dma_wait3A_619] : memref<80x128xi32, #tpu.memory_space<vmem>> -> memref<1x128xi32, #tpu.memory_space<vmem>>
      %dma_wait3A_621 = tpu.memref_squeeze %dma_wait3A_620 : memref<1x128xi32, #tpu.memory_space<vmem>> -> memref<128xi32, #tpu.memory_space<vmem>>
      %dma_wait3A_622 = arith.constant 0 : i32
      %dma_wait3A_623 = arith.constant 0 : i32
      %dma_wait3A_624 = tpu.memref_slice %arg2[%dma_wait3A_622, %dma_wait3A_623] : memref<20480x64xf32, #tpu.memory_space<hbm>> -> memref<20480x64xf32, #tpu.memory_space<hbm>>
      tpu.wait_indirect_dma semaphore(%arg18 : memref<!tpu.dma_semaphore, #tpu.memory_space<semaphore_mem>>) src(%dma_wait3A_624 : memref<20480x64xf32, #tpu.memory_space<hbm>>) dst(%arg9 : memref<128x64xf32, #tpu.memory_space<vmem>>)
      %dma_start3A_625 = arith.constant 0 : i32
      %dma_start3A_626 = tpu.memref_slice %arg8[%add3A_618, %dma_start3A_625] : memref<80x128xi32, #tpu.memory_space<vmem>> -> memref<1x128xi32, #tpu.memory_space<vmem>>
      %dma_start3A_627 = tpu.memref_squeeze %dma_start3A_626 : memref<1x128xi32, #tpu.memory_space<vmem>> -> memref<128xi32, #tpu.memory_space<vmem>>
      %dma_start3A_628 = arith.constant 0 : i32
      %dma_start3A_629 = arith.constant 0 : i32
      %dma_start3A_630 = tpu.memref_slice %arg17[%dma_start3A_628, %dma_start3A_629] : memref<10240x64xf32, #tpu.memory_space<vmem_shared>> -> memref<10240x64xf32, #tpu.memory_space<vmem_shared>>
      tpu.enqueue_indirect_dma source(%arg9 : memref<128x64xf32, #tpu.memory_space<vmem>>) target(%dma_start3A_630 : memref<10240x64xf32, #tpu.memory_space<vmem_shared>>) offsets(%dma_start3A_627 : memref<128xi32, #tpu.memory_space<vmem>>) semaphore(%arg26 : memref<!tpu.dma_semaphore, #tpu.memory_space<semaphore_mem>>) {add = true}
      %dma_wait3A_631 = arith.constant 0 : i32
      %dma_wait3A_632 = arith.constant 0 : i32
      %dma_wait3A_633 = tpu.memref_slice %arg8[%dma_wait3A_631, %dma_wait3A_632] : memref<80x128xi32, #tpu.memory_space<vmem>> -> memref<1x128xi32, #tpu.memory_space<vmem>>
      %dma_wait3A_634 = tpu.memref_squeeze %dma_wait3A_633 : memref<1x128xi32, #tpu.memory_space<vmem>> -> memref<128xi32, #tpu.memory_space<vmem>>
      %dma_wait3A_635 = arith.constant 0 : i32
      %dma_wait3A_636 = arith.constant 0 : i32
      %dma_wait3A_637 = tpu.memref_slice %arg17[%dma_wait3A_635, %dma_wait3A_636] : memref<10240x64xf32, #tpu.memory_space<vmem_shared>> -> memref<10240x64xf32, #tpu.memory_space<vmem_shared>>
      tpu.wait_indirect_dma semaphore(%arg30 : memref<!tpu.dma_semaphore, #tpu.memory_space<semaphore_mem>>) src(%arg13 : memref<128x64xf32, #tpu.memory_space<vmem>>) dst(%dma_wait3A_637 : memref<10240x64xf32, #tpu.memory_space<vmem_shared>>)
      %add3A_638 = arith.constant 4 : i32
      %add3A_639 = arith.addi %add3A_618, %add3A_638 : i32
      %dma_start3A_640 = arith.constant 0 : i32
      %dma_start3A_641 = tpu.memref_slice %arg7[%add3A_639, %dma_start3A_640] : memref<80x128xi32, #tpu.memory_space<vmem>> -> memref<1x128xi32, #tpu.memory_space<vmem>>
      %dma_start3A_642 = tpu.memref_squeeze %dma_start3A_641 : memref<1x128xi32, #tpu.memory_space<vmem>> -> memref<128xi32, #tpu.memory_space<vmem>>
      %dma_start3A_643 = arith.constant 0 : i32
      %dma_start3A_644 = arith.constant 0 : i32
      %dma_start3A_645 = tpu.memref_slice %arg2[%dma_start3A_643, %dma_start3A_644] : memref<20480x64xf32, #tpu.memory_space<hbm>> -> memref<20480x64xf32, #tpu.memory_space<hbm>>
      tpu.enqueue_indirect_dma source(%dma_start3A_645 : memref<20480x64xf32, #tpu.memory_space<hbm>>) target(%arg13 : memref<128x64xf32, #tpu.memory_space<vmem>>) offsets(%dma_start3A_642 : memref<128xi32, #tpu.memory_space<vmem>>) semaphore(%arg22 : memref<!tpu.dma_semaphore, #tpu.memory_space<semaphore_mem>>)
      %mul3A_646 = arith.constant 8 : i32
      %mul3A_647 = arith.muli %mul3A_646, %scan3A_480 : i32
      %add3A_648 = arith.constant 4 : i32
      %add3A_649 = arith.addi %add3A_648, %mul3A_647 : i32
      %add3A_650 = arith.constant 5 : i32
      %add3A_651 = arith.addi %add3A_649, %add3A_650 : i32
      %dma_wait3A_652 = arith.constant 0 : i32
      %dma_wait3A_653 = tpu.memref_slice %arg7[%add3A_651, %dma_wait3A_652] : memref<80x128xi32, #tpu.memory_space<vmem>> -> memref<1x128xi32, #tpu.memory_space<vmem>>
      %dma_wait3A_654 = tpu.memref_squeeze %dma_wait3A_653 : memref<1x128xi32, #tpu.memory_space<vmem>> -> memref<128xi32, #tpu.memory_space<vmem>>
      %dma_wait3A_655 = arith.constant 0 : i32
      %dma_wait3A_656 = arith.constant 0 : i32
      %dma_wait3A_657 = tpu.memref_slice %arg2[%dma_wait3A_655, %dma_wait3A_656] : memref<20480x64xf32, #tpu.memory_space<hbm>> -> memref<20480x64xf32, #tpu.memory_space<hbm>>
      tpu.wait_indirect_dma semaphore(%arg19 : memref<!tpu.dma_semaphore, #tpu.memory_space<semaphore_mem>>) src(%dma_wait3A_657 : memref<20480x64xf32, #tpu.memory_space<hbm>>) dst(%arg10 : memref<128x64xf32, #tpu.memory_space<vmem>>)
      %dma_start3A_658 = arith.constant 0 : i32
      %dma_start3A_659 = tpu.memref_slice %arg8[%add3A_651, %dma_start3A_658] : memref<80x128xi32, #tpu.memory_space<vmem>> -> memref<1x128xi32, #tpu.memory_space<vmem>>
      %dma_start3A_660 = tpu.memref_squeeze %dma_start3A_659 : memref<1x128xi32, #tpu.memory_space<vmem>> -> memref<128xi32, #tpu.memory_space<vmem>>
      %dma_start3A_661 = arith.constant 0 : i32
      %dma_start3A_662 = arith.constant 0 : i32
      %dma_start3A_663 = tpu.memref_slice %arg17[%dma_start3A_661, %dma_start3A_662] : memref<10240x64xf32, #tpu.memory_space<vmem_shared>> -> memref<10240x64xf32, #tpu.memory_space<vmem_shared>>
      tpu.enqueue_indirect_dma source(%arg10 : memref<128x64xf32, #tpu.memory_space<vmem>>) target(%dma_start3A_663 : memref<10240x64xf32, #tpu.memory_space<vmem_shared>>) offsets(%dma_start3A_660 : memref<128xi32, #tpu.memory_space<vmem>>) semaphore(%arg27 : memref<!tpu.dma_semaphore, #tpu.memory_space<semaphore_mem>>) {add = true}
      %dma_wait3A_664 = arith.constant 0 : i32
      %dma_wait3A_665 = arith.constant 0 : i32
      %dma_wait3A_666 = tpu.memref_slice %arg8[%dma_wait3A_664, %dma_wait3A_665] : memref<80x128xi32, #tpu.memory_space<vmem>> -> memref<1x128xi32, #tpu.memory_space<vmem>>
      %dma_wait3A_667 = tpu.memref_squeeze %dma_wait3A_666 : memref<1x128xi32, #tpu.memory_space<vmem>> -> memref<128xi32, #tpu.memory_space<vmem>>
      %dma_wait3A_668 = arith.constant 0 : i32
      %dma_wait3A_669 = arith.constant 0 : i32
      %dma_wait3A_670 = tpu.memref_slice %arg17[%dma_wait3A_668, %dma_wait3A_669] : memref<10240x64xf32, #tpu.memory_space<vmem_shared>> -> memref<10240x64xf32, #tpu.memory_space<vmem_shared>>
      tpu.wait_indirect_dma semaphore(%arg31 : memref<!tpu.dma_semaphore, #tpu.memory_space<semaphore_mem>>) src(%arg14 : memref<128x64xf32, #tpu.memory_space<vmem>>) dst(%dma_wait3A_670 : memref<10240x64xf32, #tpu.memory_space<vmem_shared>>)
      %add3A_671 = arith.constant 4 : i32
      %add3A_672 = arith.addi %add3A_651, %add3A_671 : i32
      %dma_start3A_673 = arith.constant 0 : i32
      %dma_start3A_674 = tpu.memref_slice %arg7[%add3A_672, %dma_start3A_673] : memref<80x128xi32, #tpu.memory_space<vmem>> -> memref<1x128xi32, #tpu.memory_space<vmem>>
      %dma_start3A_675 = tpu.memref_squeeze %dma_start3A_674 : memref<1x128xi32, #tpu.memory_space<vmem>> -> memref<128xi32, #tpu.memory_space<vmem>>
      %dma_start3A_676 = arith.constant 0 : i32
      %dma_start3A_677 = arith.constant 0 : i32
      %dma_start3A_678 = tpu.memref_slice %arg2[%dma_start3A_676, %dma_start3A_677] : memref<20480x64xf32, #tpu.memory_space<hbm>> -> memref<20480x64xf32, #tpu.memory_space<hbm>>
      tpu.enqueue_indirect_dma source(%dma_start3A_678 : memref<20480x64xf32, #tpu.memory_space<hbm>>) target(%arg14 : memref<128x64xf32, #tpu.memory_space<vmem>>) offsets(%dma_start3A_675 : memref<128xi32, #tpu.memory_space<vmem>>) semaphore(%arg23 : memref<!tpu.dma_semaphore, #tpu.memory_space<semaphore_mem>>)
      %mul3A_679 = arith.constant 8 : i32
      %mul3A_680 = arith.muli %mul3A_679, %scan3A_480 : i32
      %add3A_681 = arith.constant 4 : i32
      %add3A_682 = arith.addi %add3A_681, %mul3A_680 : i32
      %add3A_683 = arith.constant 6 : i32
      %add3A_684 = arith.addi %add3A_682, %add3A_683 : i32
      %dma_wait3A_685 = arith.constant 0 : i32
      %dma_wait3A_686 = tpu.memref_slice %arg7[%add3A_684, %dma_wait3A_685] : memref<80x128xi32, #tpu.memory_space<vmem>> -> memref<1x128xi32, #tpu.memory_space<vmem>>
      %dma_wait3A_687 = tpu.memref_squeeze %dma_wait3A_686 : memref<1x128xi32, #tpu.memory_space<vmem>> -> memref<128xi32, #tpu.memory_space<vmem>>
      %dma_wait3A_688 = arith.constant 0 : i32
      %dma_wait3A_689 = arith.constant 0 : i32
      %dma_wait3A_690 = tpu.memref_slice %arg2[%dma_wait3A_688, %dma_wait3A_689] : memref<20480x64xf32, #tpu.memory_space<hbm>> -> memref<20480x64xf32, #tpu.memory_space<hbm>>
      tpu.wait_indirect_dma semaphore(%arg20 : memref<!tpu.dma_semaphore, #tpu.memory_space<semaphore_mem>>) src(%dma_wait3A_690 : memref<20480x64xf32, #tpu.memory_space<hbm>>) dst(%arg11 : memref<128x64xf32, #tpu.memory_space<vmem>>)
      %dma_start3A_691 = arith.constant 0 : i32
      %dma_start3A_692 = tpu.memref_slice %arg8[%add3A_684, %dma_start3A_691] : memref<80x128xi32, #tpu.memory_space<vmem>> -> memref<1x128xi32, #tpu.memory_space<vmem>>
      %dma_start3A_693 = tpu.memref_squeeze %dma_start3A_692 : memref<1x128xi32, #tpu.memory_space<vmem>> -> memref<128xi32, #tpu.memory_space<vmem>>
      %dma_start3A_694 = arith.constant 0 : i32
      %dma_start3A_695 = arith.constant 0 : i32
      %dma_start3A_696 = tpu.memref_slice %arg17[%dma_start3A_694, %dma_start3A_695] : memref<10240x64xf32, #tpu.memory_space<vmem_shared>> -> memref<10240x64xf32, #tpu.memory_space<vmem_shared>>
      tpu.enqueue_indirect_dma source(%arg11 : memref<128x64xf32, #tpu.memory_space<vmem>>) target(%dma_start3A_696 : memref<10240x64xf32, #tpu.memory_space<vmem_shared>>) offsets(%dma_start3A_693 : memref<128xi32, #tpu.memory_space<vmem>>) semaphore(%arg28 : memref<!tpu.dma_semaphore, #tpu.memory_space<semaphore_mem>>) {add = true}
      %dma_wait3A_697 = arith.constant 0 : i32
      %dma_wait3A_698 = arith.constant 0 : i32
      %dma_wait3A_699 = tpu.memref_slice %arg8[%dma_wait3A_697, %dma_wait3A_698] : memref<80x128xi32, #tpu.memory_space<vmem>> -> memref<1x128xi32, #tpu.memory_space<vmem>>
      %dma_wait3A_700 = tpu.memref_squeeze %dma_wait3A_699 : memref<1x128xi32, #tpu.memory_space<vmem>> -> memref<128xi32, #tpu.memory_space<vmem>>
      %dma_wait3A_701 = arith.constant 0 : i32
      %dma_wait3A_702 = arith.constant 0 : i32
      %dma_wait3A_703 = tpu.memref_slice %arg17[%dma_wait3A_701, %dma_wait3A_702] : memref<10240x64xf32, #tpu.memory_space<vmem_shared>> -> memref<10240x64xf32, #tpu.memory_space<vmem_shared>>
      tpu.wait_indirect_dma semaphore(%arg32 : memref<!tpu.dma_semaphore, #tpu.memory_space<semaphore_mem>>) src(%arg15 : memref<128x64xf32, #tpu.memory_space<vmem>>) dst(%dma_wait3A_703 : memref<10240x64xf32, #tpu.memory_space<vmem_shared>>)
      %add3A_704 = arith.constant 4 : i32
      %add3A_705 = arith.addi %add3A_684, %add3A_704 : i32
      %dma_start3A_706 = arith.constant 0 : i32
      %dma_start3A_707 = tpu.memref_slice %arg7[%add3A_705, %dma_start3A_706] : memref<80x128xi32, #tpu.memory_space<vmem>> -> memref<1x128xi32, #tpu.memory_space<vmem>>
      %dma_start3A_708 = tpu.memref_squeeze %dma_start3A_707 : memref<1x128xi32, #tpu.memory_space<vmem>> -> memref<128xi32, #tpu.memory_space<vmem>>
      %dma_start3A_709 = arith.constant 0 : i32
      %dma_start3A_710 = arith.constant 0 : i32
      %dma_start3A_711 = tpu.memref_slice %arg2[%dma_start3A_709, %dma_start3A_710] : memref<20480x64xf32, #tpu.memory_space<hbm>> -> memref<20480x64xf32, #tpu.memory_space<hbm>>
      tpu.enqueue_indirect_dma source(%dma_start3A_711 : memref<20480x64xf32, #tpu.memory_space<hbm>>) target(%arg15 : memref<128x64xf32, #tpu.memory_space<vmem>>) offsets(%dma_start3A_708 : memref<128xi32, #tpu.memory_space<vmem>>) semaphore(%arg24 : memref<!tpu.dma_semaphore, #tpu.memory_space<semaphore_mem>>)
      %mul3A_712 = arith.constant 8 : i32
      %mul3A_713 = arith.muli %mul3A_712, %scan3A_480 : i32
      %add3A_714 = arith.constant 4 : i32
      %add3A_715 = arith.addi %add3A_714, %mul3A_713 : i32
      %add3A_716 = arith.constant 7 : i32
      %add3A_717 = arith.addi %add3A_715, %add3A_716 : i32
      %dma_wait3A_718 = arith.constant 0 : i32
      %dma_wait3A_719 = tpu.memref_slice %arg7[%add3A_717, %dma_wait3A_718] : memref<80x128xi32, #tpu.memory_space<vmem>> -> memref<1x128xi32, #tpu.memory_space<vmem>>
      %dma_wait3A_720 = tpu.memref_squeeze %dma_wait3A_719 : memref<1x128xi32, #tpu.memory_space<vmem>> -> memref<128xi32, #tpu.memory_space<vmem>>
      %dma_wait3A_721 = arith.constant 0 : i32
      %dma_wait3A_722 = arith.constant 0 : i32
      %dma_wait3A_723 = tpu.memref_slice %arg2[%dma_wait3A_721, %dma_wait3A_722] : memref<20480x64xf32, #tpu.memory_space<hbm>> -> memref<20480x64xf32, #tpu.memory_space<hbm>>
      tpu.wait_indirect_dma semaphore(%arg21 : memref<!tpu.dma_semaphore, #tpu.memory_space<semaphore_mem>>) src(%dma_wait3A_723 : memref<20480x64xf32, #tpu.memory_space<hbm>>) dst(%arg12 : memref<128x64xf32, #tpu.memory_space<vmem>>)
      %dma_start3A_724 = arith.constant 0 : i32
      %dma_start3A_725 = tpu.memref_slice %arg8[%add3A_717, %dma_start3A_724] : memref<80x128xi32, #tpu.memory_space<vmem>> -> memref<1x128xi32, #tpu.memory_space<vmem>>
      %dma_start3A_726 = tpu.memref_squeeze %dma_start3A_725 : memref<1x128xi32, #tpu.memory_space<vmem>> -> memref<128xi32, #tpu.memory_space<vmem>>
      %dma_start3A_727 = arith.constant 0 : i32
      %dma_start3A_728 = arith.constant 0 : i32
      %dma_start3A_729 = tpu.memref_slice %arg17[%dma_start3A_727, %dma_start3A_728] : memref<10240x64xf32, #tpu.memory_space<vmem_shared>> -> memref<10240x64xf32, #tpu.memory_space<vmem_shared>>
      tpu.enqueue_indirect_dma source(%arg12 : memref<128x64xf32, #tpu.memory_space<vmem>>) target(%dma_start3A_729 : memref<10240x64xf32, #tpu.memory_space<vmem_shared>>) offsets(%dma_start3A_726 : memref<128xi32, #tpu.memory_space<vmem>>) semaphore(%arg29 : memref<!tpu.dma_semaphore, #tpu.memory_space<semaphore_mem>>) {add = true}
      %dma_wait3A_730 = arith.constant 0 : i32
      %dma_wait3A_731 = arith.constant 0 : i32
      %dma_wait3A_732 = tpu.memref_slice %arg8[%dma_wait3A_730, %dma_wait3A_731] : memref<80x128xi32, #tpu.memory_space<vmem>> -> memref<1x128xi32, #tpu.memory_space<vmem>>
      %dma_wait3A_733 = tpu.memref_squeeze %dma_wait3A_732 : memref<1x128xi32, #tpu.memory_space<vmem>> -> memref<128xi32, #tpu.memory_space<vmem>>
      %dma_wait3A_734 = arith.constant 0 : i32
      %dma_wait3A_735 = arith.constant 0 : i32
      %dma_wait3A_736 = tpu.memref_slice %arg17[%dma_wait3A_734, %dma_wait3A_735] : memref<10240x64xf32, #tpu.memory_space<vmem_shared>> -> memref<10240x64xf32, #tpu.memory_space<vmem_shared>>
      tpu.wait_indirect_dma semaphore(%arg33 : memref<!tpu.dma_semaphore, #tpu.memory_space<semaphore_mem>>) src(%arg16 : memref<128x64xf32, #tpu.memory_space<vmem>>) dst(%dma_wait3A_736 : memref<10240x64xf32, #tpu.memory_space<vmem_shared>>)
      %add3A_737 = arith.constant 4 : i32
      %add3A_738 = arith.addi %add3A_717, %add3A_737 : i32
      %dma_start3A_739 = arith.constant 0 : i32
      %dma_start3A_740 = tpu.memref_slice %arg7[%add3A_738, %dma_start3A_739] : memref<80x128xi32, #tpu.memory_space<vmem>> -> memref<1x128xi32, #tpu.memory_space<vmem>>
      %dma_start3A_741 = tpu.memref_squeeze %dma_start3A_740 : memref<1x128xi32, #tpu.memory_space<vmem>> -> memref<128xi32, #tpu.memory_space<vmem>>
      %dma_start3A_742 = arith.constant 0 : i32
      %dma_start3A_743 = arith.constant 0 : i32
      %dma_start3A_744 = tpu.memref_slice %arg2[%dma_start3A_742, %dma_start3A_743] : memref<20480x64xf32, #tpu.memory_space<hbm>> -> memref<20480x64xf32, #tpu.memory_space<hbm>>
      tpu.enqueue_indirect_dma source(%dma_start3A_744 : memref<20480x64xf32, #tpu.memory_space<hbm>>) target(%arg16 : memref<128x64xf32, #tpu.memory_space<vmem>>) offsets(%dma_start3A_741 : memref<128xi32, #tpu.memory_space<vmem>>) semaphore(%arg25 : memref<!tpu.dma_semaphore, #tpu.memory_space<semaphore_mem>>)
    }
    %scan3A_366 = arith.constant 9 : i32
    %dma_wait3A_367 = arith.constant 76 : i32
    %dma_wait3A_368 = arith.constant 0 : i32
    %dma_wait3A_369 = tpu.memref_slice %arg7[%dma_wait3A_367, %dma_wait3A_368] : memref<80x128xi32, #tpu.memory_space<vmem>> -> memref<1x128xi32, #tpu.memory_space<vmem>>
    %dma_wait3A_370 = tpu.memref_squeeze %dma_wait3A_369 : memref<1x128xi32, #tpu.memory_space<vmem>> -> memref<128xi32, #tpu.memory_space<vmem>>
    %dma_wait3A_371 = arith.constant 0 : i32
    %dma_wait3A_372 = arith.constant 0 : i32
    %dma_wait3A_373 = tpu.memref_slice %arg2[%dma_wait3A_371, %dma_wait3A_372] : memref<20480x64xf32, #tpu.memory_space<hbm>> -> memref<20480x64xf32, #tpu.memory_space<hbm>>
    tpu.wait_indirect_dma semaphore(%arg22 : memref<!tpu.dma_semaphore, #tpu.memory_space<semaphore_mem>>) src(%dma_wait3A_373 : memref<20480x64xf32, #tpu.memory_space<hbm>>) dst(%arg13 : memref<128x64xf32, #tpu.memory_space<vmem>>)
    %dma_start3A_374 = arith.constant 76 : i32
    %dma_start3A_375 = arith.constant 0 : i32
    %dma_start3A_376 = tpu.memref_slice %arg8[%dma_start3A_374, %dma_start3A_375] : memref<80x128xi32, #tpu.memory_space<vmem>> -> memref<1x128xi32, #tpu.memory_space<vmem>>
    %dma_start3A_377 = tpu.memref_squeeze %dma_start3A_376 : memref<1x128xi32, #tpu.memory_space<vmem>> -> memref<128xi32, #tpu.memory_space<vmem>>
    %dma_start3A_378 = arith.constant 0 : i32
    %dma_start3A_379 = arith.constant 0 : i32
    %dma_start3A_380 = tpu.memref_slice %arg17[%dma_start3A_378, %dma_start3A_379] : memref<10240x64xf32, #tpu.memory_space<vmem_shared>> -> memref<10240x64xf32, #tpu.memory_space<vmem_shared>>
    tpu.enqueue_indirect_dma source(%arg13 : memref<128x64xf32, #tpu.memory_space<vmem>>) target(%dma_start3A_380 : memref<10240x64xf32, #tpu.memory_space<vmem_shared>>) offsets(%dma_start3A_377 : memref<128xi32, #tpu.memory_space<vmem>>) semaphore(%arg30 : memref<!tpu.dma_semaphore, #tpu.memory_space<semaphore_mem>>) {add = true}
    %dma_wait3A_381 = arith.constant 77 : i32
    %dma_wait3A_382 = arith.constant 0 : i32
    %dma_wait3A_383 = tpu.memref_slice %arg7[%dma_wait3A_381, %dma_wait3A_382] : memref<80x128xi32, #tpu.memory_space<vmem>> -> memref<1x128xi32, #tpu.memory_space<vmem>>
    %dma_wait3A_384 = tpu.memref_squeeze %dma_wait3A_383 : memref<1x128xi32, #tpu.memory_space<vmem>> -> memref<128xi32, #tpu.memory_space<vmem>>
    %dma_wait3A_385 = arith.constant 0 : i32
    %dma_wait3A_386 = arith.constant 0 : i32
    %dma_wait3A_387 = tpu.memref_slice %arg2[%dma_wait3A_385, %dma_wait3A_386] : memref<20480x64xf32, #tpu.memory_space<hbm>> -> memref<20480x64xf32, #tpu.memory_space<hbm>>
    tpu.wait_indirect_dma semaphore(%arg23 : memref<!tpu.dma_semaphore, #tpu.memory_space<semaphore_mem>>) src(%dma_wait3A_387 : memref<20480x64xf32, #tpu.memory_space<hbm>>) dst(%arg14 : memref<128x64xf32, #tpu.memory_space<vmem>>)
    %dma_start3A_388 = arith.constant 77 : i32
    %dma_start3A_389 = arith.constant 0 : i32
    %dma_start3A_390 = tpu.memref_slice %arg8[%dma_start3A_388, %dma_start3A_389] : memref<80x128xi32, #tpu.memory_space<vmem>> -> memref<1x128xi32, #tpu.memory_space<vmem>>
    %dma_start3A_391 = tpu.memref_squeeze %dma_start3A_390 : memref<1x128xi32, #tpu.memory_space<vmem>> -> memref<128xi32, #tpu.memory_space<vmem>>
    %dma_start3A_392 = arith.constant 0 : i32
    %dma_start3A_393 = arith.constant 0 : i32
    %dma_start3A_394 = tpu.memref_slice %arg17[%dma_start3A_392, %dma_start3A_393] : memref<10240x64xf32, #tpu.memory_space<vmem_shared>> -> memref<10240x64xf32, #tpu.memory_space<vmem_shared>>
    tpu.enqueue_indirect_dma source(%arg14 : memref<128x64xf32, #tpu.memory_space<vmem>>) target(%dma_start3A_394 : memref<10240x64xf32, #tpu.memory_space<vmem_shared>>) offsets(%dma_start3A_391 : memref<128xi32, #tpu.memory_space<vmem>>) semaphore(%arg31 : memref<!tpu.dma_semaphore, #tpu.memory_space<semaphore_mem>>) {add = true}
    %dma_wait3A_395 = arith.constant 78 : i32
    %dma_wait3A_396 = arith.constant 0 : i32
    %dma_wait3A_397 = tpu.memref_slice %arg7[%dma_wait3A_395, %dma_wait3A_396] : memref<80x128xi32, #tpu.memory_space<vmem>> -> memref<1x128xi32, #tpu.memory_space<vmem>>
    %dma_wait3A_398 = tpu.memref_squeeze %dma_wait3A_397 : memref<1x128xi32, #tpu.memory_space<vmem>> -> memref<128xi32, #tpu.memory_space<vmem>>
    %dma_wait3A_399 = arith.constant 0 : i32
    %dma_wait3A_400 = arith.constant 0 : i32
    %dma_wait3A_401 = tpu.memref_slice %arg2[%dma_wait3A_399, %dma_wait3A_400] : memref<20480x64xf32, #tpu.memory_space<hbm>> -> memref<20480x64xf32, #tpu.memory_space<hbm>>
    tpu.wait_indirect_dma semaphore(%arg24 : memref<!tpu.dma_semaphore, #tpu.memory_space<semaphore_mem>>) src(%dma_wait3A_401 : memref<20480x64xf32, #tpu.memory_space<hbm>>) dst(%arg15 : memref<128x64xf32, #tpu.memory_space<vmem>>)
    %dma_start3A_402 = arith.constant 78 : i32
    %dma_start3A_403 = arith.constant 0 : i32
    %dma_start3A_404 = tpu.memref_slice %arg8[%dma_start3A_402, %dma_start3A_403] : memref<80x128xi32, #tpu.memory_space<vmem>> -> memref<1x128xi32, #tpu.memory_space<vmem>>
    %dma_start3A_405 = tpu.memref_squeeze %dma_start3A_404 : memref<1x128xi32, #tpu.memory_space<vmem>> -> memref<128xi32, #tpu.memory_space<vmem>>
    %dma_start3A_406 = arith.constant 0 : i32
    %dma_start3A_407 = arith.constant 0 : i32
    %dma_start3A_408 = tpu.memref_slice %arg17[%dma_start3A_406, %dma_start3A_407] : memref<10240x64xf32, #tpu.memory_space<vmem_shared>> -> memref<10240x64xf32, #tpu.memory_space<vmem_shared>>
    tpu.enqueue_indirect_dma source(%arg15 : memref<128x64xf32, #tpu.memory_space<vmem>>) target(%dma_start3A_408 : memref<10240x64xf32, #tpu.memory_space<vmem_shared>>) offsets(%dma_start3A_405 : memref<128xi32, #tpu.memory_space<vmem>>) semaphore(%arg32 : memref<!tpu.dma_semaphore, #tpu.memory_space<semaphore_mem>>) {add = true}
    %dma_wait3A_409 = arith.constant 79 : i32
    %dma_wait3A_410 = arith.constant 0 : i32
    %dma_wait3A_411 = tpu.memref_slice %arg7[%dma_wait3A_409, %dma_wait3A_410] : memref<80x128xi32, #tpu.memory_space<vmem>> -> memref<1x128xi32, #tpu.memory_space<vmem>>
    %dma_wait3A_412 = tpu.memref_squeeze %dma_wait3A_411 : memref<1x128xi32, #tpu.memory_space<vmem>> -> memref<128xi32, #tpu.memory_space<vmem>>
    %dma_wait3A_413 = arith.constant 0 : i32
    %dma_wait3A_414 = arith.constant 0 : i32
    %dma_wait3A_415 = tpu.memref_slice %arg2[%dma_wait3A_413, %dma_wait3A_414] : memref<20480x64xf32, #tpu.memory_space<hbm>> -> memref<20480x64xf32, #tpu.memory_space<hbm>>
    tpu.wait_indirect_dma semaphore(%arg25 : memref<!tpu.dma_semaphore, #tpu.memory_space<semaphore_mem>>) src(%dma_wait3A_415 : memref<20480x64xf32, #tpu.memory_space<hbm>>) dst(%arg16 : memref<128x64xf32, #tpu.memory_space<vmem>>)
    %dma_start3A_416 = arith.constant 79 : i32
    %dma_start3A_417 = arith.constant 0 : i32
    %dma_start3A_418 = tpu.memref_slice %arg8[%dma_start3A_416, %dma_start3A_417] : memref<80x128xi32, #tpu.memory_space<vmem>> -> memref<1x128xi32, #tpu.memory_space<vmem>>
    %dma_start3A_419 = tpu.memref_squeeze %dma_start3A_418 : memref<1x128xi32, #tpu.memory_space<vmem>> -> memref<128xi32, #tpu.memory_space<vmem>>
    %dma_start3A_420 = arith.constant 0 : i32
    %dma_start3A_421 = arith.constant 0 : i32
    %dma_start3A_422 = tpu.memref_slice %arg17[%dma_start3A_420, %dma_start3A_421] : memref<10240x64xf32, #tpu.memory_space<vmem_shared>> -> memref<10240x64xf32, #tpu.memory_space<vmem_shared>>
    tpu.enqueue_indirect_dma source(%arg16 : memref<128x64xf32, #tpu.memory_space<vmem>>) target(%dma_start3A_422 : memref<10240x64xf32, #tpu.memory_space<vmem_shared>>) offsets(%dma_start3A_419 : memref<128xi32, #tpu.memory_space<vmem>>) semaphore(%arg33 : memref<!tpu.dma_semaphore, #tpu.memory_space<semaphore_mem>>) {add = true}
    %dma_wait3A_423 = arith.constant 0 : i32
    %dma_wait3A_424 = arith.constant 0 : i32
    %dma_wait3A_425 = tpu.memref_slice %arg8[%dma_wait3A_423, %dma_wait3A_424] : memref<80x128xi32, #tpu.memory_space<vmem>> -> memref<1x128xi32, #tpu.memory_space<vmem>>
    %dma_wait3A_426 = tpu.memref_squeeze %dma_wait3A_425 : memref<1x128xi32, #tpu.memory_space<vmem>> -> memref<128xi32, #tpu.memory_space<vmem>>
    %dma_wait3A_427 = arith.constant 0 : i32
    %dma_wait3A_428 = arith.constant 0 : i32
    %dma_wait3A_429 = tpu.memref_slice %arg17[%dma_wait3A_427, %dma_wait3A_428] : memref<10240x64xf32, #tpu.memory_space<vmem_shared>> -> memref<10240x64xf32, #tpu.memory_space<vmem_shared>>
    tpu.wait_indirect_dma semaphore(%arg26 : memref<!tpu.dma_semaphore, #tpu.memory_space<semaphore_mem>>) src(%arg9 : memref<128x64xf32, #tpu.memory_space<vmem>>) dst(%dma_wait3A_429 : memref<10240x64xf32, #tpu.memory_space<vmem_shared>>)
    %dma_wait3A_430 = arith.constant 0 : i32
    %dma_wait3A_431 = arith.constant 0 : i32
    %dma_wait3A_432 = tpu.memref_slice %arg8[%dma_wait3A_430, %dma_wait3A_431] : memref<80x128xi32, #tpu.memory_space<vmem>> -> memref<1x128xi32, #tpu.memory_space<vmem>>
    %dma_wait3A_433 = tpu.memref_squeeze %dma_wait3A_432 : memref<1x128xi32, #tpu.memory_space<vmem>> -> memref<128xi32, #tpu.memory_space<vmem>>
    %dma_wait3A_434 = arith.constant 0 : i32
    %dma_wait3A_435 = arith.constant 0 : i32
    %dma_wait3A_436 = tpu.memref_slice %arg17[%dma_wait3A_434, %dma_wait3A_435] : memref<10240x64xf32, #tpu.memory_space<vmem_shared>> -> memref<10240x64xf32, #tpu.memory_space<vmem_shared>>
    tpu.wait_indirect_dma semaphore(%arg27 : memref<!tpu.dma_semaphore, #tpu.memory_space<semaphore_mem>>) src(%arg10 : memref<128x64xf32, #tpu.memory_space<vmem>>) dst(%dma_wait3A_436 : memref<10240x64xf32, #tpu.memory_space<vmem_shared>>)
    %dma_wait3A_437 = arith.constant 0 : i32
    %dma_wait3A_438 = arith.constant 0 : i32
    %dma_wait3A_439 = tpu.memref_slice %arg8[%dma_wait3A_437, %dma_wait3A_438] : memref<80x128xi32, #tpu.memory_space<vmem>> -> memref<1x128xi32, #tpu.memory_space<vmem>>
    %dma_wait3A_440 = tpu.memref_squeeze %dma_wait3A_439 : memref<1x128xi32, #tpu.memory_space<vmem>> -> memref<128xi32, #tpu.memory_space<vmem>>
    %dma_wait3A_441 = arith.constant 0 : i32
    %dma_wait3A_442 = arith.constant 0 : i32
    %dma_wait3A_443 = tpu.memref_slice %arg17[%dma_wait3A_441, %dma_wait3A_442] : memref<10240x64xf32, #tpu.memory_space<vmem_shared>> -> memref<10240x64xf32, #tpu.memory_space<vmem_shared>>
    tpu.wait_indirect_dma semaphore(%arg28 : memref<!tpu.dma_semaphore, #tpu.memory_space<semaphore_mem>>) src(%arg11 : memref<128x64xf32, #tpu.memory_space<vmem>>) dst(%dma_wait3A_443 : memref<10240x64xf32, #tpu.memory_space<vmem_shared>>)
    %dma_wait3A_444 = arith.constant 0 : i32
    %dma_wait3A_445 = arith.constant 0 : i32
    %dma_wait3A_446 = tpu.memref_slice %arg8[%dma_wait3A_444, %dma_wait3A_445] : memref<80x128xi32, #tpu.memory_space<vmem>> -> memref<1x128xi32, #tpu.memory_space<vmem>>
    %dma_wait3A_447 = tpu.memref_squeeze %dma_wait3A_446 : memref<1x128xi32, #tpu.memory_space<vmem>> -> memref<128xi32, #tpu.memory_space<vmem>>
    %dma_wait3A_448 = arith.constant 0 : i32
    %dma_wait3A_449 = arith.constant 0 : i32
    %dma_wait3A_450 = tpu.memref_slice %arg17[%dma_wait3A_448, %dma_wait3A_449] : memref<10240x64xf32, #tpu.memory_space<vmem_shared>> -> memref<10240x64xf32, #tpu.memory_space<vmem_shared>>
    tpu.wait_indirect_dma semaphore(%arg29 : memref<!tpu.dma_semaphore, #tpu.memory_space<semaphore_mem>>) src(%arg12 : memref<128x64xf32, #tpu.memory_space<vmem>>) dst(%dma_wait3A_450 : memref<10240x64xf32, #tpu.memory_space<vmem_shared>>)
    %dma_wait3A_451 = arith.constant 0 : i32
    %dma_wait3A_452 = arith.constant 0 : i32
    %dma_wait3A_453 = tpu.memref_slice %arg8[%dma_wait3A_451, %dma_wait3A_452] : memref<80x128xi32, #tpu.memory_space<vmem>> -> memref<1x128xi32, #tpu.memory_space<vmem>>
    %dma_wait3A_454 = tpu.memref_squeeze %dma_wait3A_453 : memref<1x128xi32, #tpu.memory_space<vmem>> -> memref<128xi32, #tpu.memory_space<vmem>>
    %dma_wait3A_455 = arith.constant 0 : i32
    %dma_wait3A_456 = arith.constant 0 : i32
    %dma_wait3A_457 = tpu.memref_slice %arg17[%dma_wait3A_455, %dma_wait3A_456] : memref<10240x64xf32, #tpu.memory_space<vmem_shared>> -> memref<10240x64xf32, #tpu.memory_space<vmem_shared>>
    tpu.wait_indirect_dma semaphore(%arg30 : memref<!tpu.dma_semaphore, #tpu.memory_space<semaphore_mem>>) src(%arg13 : memref<128x64xf32, #tpu.memory_space<vmem>>) dst(%dma_wait3A_457 : memref<10240x64xf32, #tpu.memory_space<vmem_shared>>)
    %dma_wait3A_458 = arith.constant 0 : i32
    %dma_wait3A_459 = arith.constant 0 : i32
    %dma_wait3A_460 = tpu.memref_slice %arg8[%dma_wait3A_458, %dma_wait3A_459] : memref<80x128xi32, #tpu.memory_space<vmem>> -> memref<1x128xi32, #tpu.memory_space<vmem>>
    %dma_wait3A_461 = tpu.memref_squeeze %dma_wait3A_460 : memref<1x128xi32, #tpu.memory_space<vmem>> -> memref<128xi32, #tpu.memory_space<vmem>>
    %dma_wait3A_462 = arith.constant 0 : i32
    %dma_wait3A_463 = arith.constant 0 : i32
    %dma_wait3A_464 = tpu.memref_slice %arg17[%dma_wait3A_462, %dma_wait3A_463] : memref<10240x64xf32, #tpu.memory_space<vmem_shared>> -> memref<10240x64xf32, #tpu.memory_space<vmem_shared>>
    tpu.wait_indirect_dma semaphore(%arg31 : memref<!tpu.dma_semaphore, #tpu.memory_space<semaphore_mem>>) src(%arg14 : memref<128x64xf32, #tpu.memory_space<vmem>>) dst(%dma_wait3A_464 : memref<10240x64xf32, #tpu.memory_space<vmem_shared>>)
    %dma_wait3A_465 = arith.constant 0 : i32
    %dma_wait3A_466 = arith.constant 0 : i32
    %dma_wait3A_467 = tpu.memref_slice %arg8[%dma_wait3A_465, %dma_wait3A_466] : memref<80x128xi32, #tpu.memory_space<vmem>> -> memref<1x128xi32, #tpu.memory_space<vmem>>
    %dma_wait3A_468 = tpu.memref_squeeze %dma_wait3A_467 : memref<1x128xi32, #tpu.memory_space<vmem>> -> memref<128xi32, #tpu.memory_space<vmem>>
    %dma_wait3A_469 = arith.constant 0 : i32
    %dma_wait3A_470 = arith.constant 0 : i32
    %dma_wait3A_471 = tpu.memref_slice %arg17[%dma_wait3A_469, %dma_wait3A_470] : memref<10240x64xf32, #tpu.memory_space<vmem_shared>> -> memref<10240x64xf32, #tpu.memory_space<vmem_shared>>
    tpu.wait_indirect_dma semaphore(%arg32 : memref<!tpu.dma_semaphore, #tpu.memory_space<semaphore_mem>>) src(%arg15 : memref<128x64xf32, #tpu.memory_space<vmem>>) dst(%dma_wait3A_471 : memref<10240x64xf32, #tpu.memory_space<vmem_shared>>)
    %dma_wait3A_472 = arith.constant 0 : i32
    %dma_wait3A_473 = arith.constant 0 : i32
    %dma_wait3A_474 = tpu.memref_slice %arg8[%dma_wait3A_472, %dma_wait3A_473] : memref<80x128xi32, #tpu.memory_space<vmem>> -> memref<1x128xi32, #tpu.memory_space<vmem>>
    %dma_wait3A_475 = tpu.memref_squeeze %dma_wait3A_474 : memref<1x128xi32, #tpu.memory_space<vmem>> -> memref<128xi32, #tpu.memory_space<vmem>>
    %dma_wait3A_476 = arith.constant 0 : i32
    %dma_wait3A_477 = arith.constant 0 : i32
    %dma_wait3A_478 = tpu.memref_slice %arg17[%dma_wait3A_476, %dma_wait3A_477] : memref<10240x64xf32, #tpu.memory_space<vmem_shared>> -> memref<10240x64xf32, #tpu.memory_space<vmem_shared>>
    tpu.wait_indirect_dma semaphore(%arg33 : memref<!tpu.dma_semaphore, #tpu.memory_space<semaphore_mem>>) src(%arg16 : memref<128x64xf32, #tpu.memory_space<vmem>>) dst(%dma_wait3A_478 : memref<10240x64xf32, #tpu.memory_space<vmem_shared>>)
    %barrier3A_479 = arith.constant 0 : index
    tpu.barrier barrier_id(%barrier3A_479)
    "tpu.region"() ({
      %run_scoped3A = tpu.sem_alloc : memref<!tpu.dma_semaphore, #tpu.memory_space<semaphore_mem>>
      %dma_start3A_480 = tpu.memref_slice %arg6[%mul3A_0, %mul3A_2] : memref<10240x128xf32, #tpu.memory_space<hbm>> -> memref<640x64xf32, #tpu.memory_space<hbm>>
      %dma_start3A_481 = arith.constant 0 : i32
      %dma_start3A_482 = tpu.memref_slice %arg17[%mul3A_0, %dma_start3A_481] : memref<10240x64xf32, #tpu.memory_space<vmem_shared>> -> memref<640x64xf32, #tpu.memory_space<vmem_shared>>
      tpu.enqueue_dma source(%dma_start3A_482 : memref<640x64xf32, #tpu.memory_space<vmem_shared>>) target(%dma_start3A_480 : memref<640x64xf32, #tpu.memory_space<hbm>>) target_semaphore(%run_scoped3A : memref<!tpu.dma_semaphore, #tpu.memory_space<semaphore_mem>>)
      %dma_wait3A_483 = tpu.memref_slice %arg6[%mul3A_0, %mul3A_2] : memref<10240x128xf32, #tpu.memory_space<hbm>> -> memref<640x64xf32, #tpu.memory_space<hbm>>
      %dma_wait3A_484 = arith.constant 0 : i32
      %dma_wait3A_485 = tpu.memref_slice %arg17[%mul3A_0, %dma_wait3A_484] : memref<10240x64xf32, #tpu.memory_space<vmem_shared>> -> memref<640x64xf32, #tpu.memory_space<vmem_shared>>
      tpu.wait_dma2 semaphore(%run_scoped3A : memref<!tpu.dma_semaphore, #tpu.memory_space<semaphore_mem>>) src(%dma_wait3A_485 : memref<640x64xf32, #tpu.memory_space<vmem_shared>>) dst(%dma_wait3A_483 : memref<640x64xf32, #tpu.memory_space<hbm>>)
      tpu.yield
    }) : () -> ()
    return
  }
}

module attributes {stable_mosaic.version = 14 : i64} {
  func.func @_ka_body(%arg0: i32, %arg1: memref<1280x128xf32, #tpu.memory_space<vmem>>, %arg2: memref<128x128xf32, #tpu.memory_space<vmem>>, %arg3: memref<1x128xf32, #tpu.memory_space<vmem>>, %arg4: memref<128x128xf32, #tpu.memory_space<vmem>>, %arg5: memref<160x128xf32, #tpu.memory_space<vmem>>, %arg6: memref<160x128xf32, #tpu.memory_space<vmem>>, %arg7: memref<1280x128xf32, #tpu.memory_space<vmem>>) attributes {dimension_semantics = [#tpu.dimension_semantics<arbitrary>], iteration_bounds = array<i64: 8>, scalar_prefetch = 0 : i64, scratch_operands = 0 : i64, tpu.core_type = #tpu.core_type<tc>, window_params = [{transform_indices = @transform_0, window_bounds = array<i64: 1280, 128>}, {pipeline_mode = #tpu.pipeline_mode<synchronous>, transform_indices = @transform_1, window_bounds = array<i64: 128, 128>}, {pipeline_mode = #tpu.pipeline_mode<synchronous>, transform_indices = @transform_2, window_bounds = array<i64: 1, 128>}, {pipeline_mode = #tpu.pipeline_mode<synchronous>, transform_indices = @transform_3, window_bounds = array<i64: 128, 128>}, {transform_indices = @transform_4, window_bounds = array<i64: 160, 128>}, {transform_indices = @transform_5, window_bounds = array<i64: 160, 128>}, {transform_indices = @transform_6, window_bounds = array<i64: 1280, 128>}]} {
    %get3A = arith.constant 0 : index
    %get3A_0 = arith.constant 0 : index
    %get3A_1 = vector.load %arg1[%get3A, %get3A_0] : memref<1280x128xf32, #tpu.memory_space<vmem>>, vector<1280x128xf32>
    %get3A_2 = arith.constant 0 : index
    %get3A_3 = arith.constant 0 : index
    %get3A_4 = vector.load %arg2[%get3A_2, %get3A_3] : memref<128x128xf32, #tpu.memory_space<vmem>>, vector<128x128xf32>
    %dot_general3A = arith.constant dense<0.000000e+00> : vector<1280x128xf32>
    %dot_general3A_5 = tpu.matmul %get3A_1, %get3A_4, %dot_general3A {dimension_numbers = #tpu.dot_dimension_numbers<[1], [0], [0], [1], [0, 0, 1, 1], [], []>, transpose_lhs_hint = false} : vector<1280x128xf32>, vector<128x128xf32>, vector<1280x128xf32> -> vector<1280x128xf32>
    %get3A_6 = arith.constant 0 : index
    %get3A_7 = arith.constant 0 : index
    %get3A_8 = vector.load %arg3[%get3A_6, %get3A_7] : memref<1x128xf32, #tpu.memory_space<vmem>>, vector<1x128xf32>
    %add3A = vector.broadcast %get3A_8 : vector<1x128xf32> to vector<1280x128xf32>
    %add3A_9 = arith.addf %dot_general3A_5, %add3A : vector<1280x128xf32>
    %max3A = arith.constant 0.000000e+00 : f32
    %max3A_10 = vector.broadcast %max3A : f32 to vector<1280x128xf32>
    %max3A_11 = arith.maximumf %add3A_9, %max3A_10 : vector<1280x128xf32>
    %get3A_12 = arith.constant 0 : index
    %get3A_13 = arith.constant 0 : index
    %get3A_14 = vector.load %arg4[%get3A_12, %get3A_13] : memref<128x128xf32, #tpu.memory_space<vmem>>, vector<128x128xf32>
    %dot_general3A_15 = arith.constant dense<0.000000e+00> : vector<1280x128xf32>
    %dot_general3A_16 = tpu.matmul %max3A_11, %get3A_14, %dot_general3A_15 {dimension_numbers = #tpu.dot_dimension_numbers<[1], [0], [0], [1], [0, 0, 1, 1], [], []>, transpose_lhs_hint = false} : vector<1280x128xf32>, vector<128x128xf32>, vector<1280x128xf32> -> vector<1280x128xf32>
    %get3A_17 = arith.constant 0 : index
    %get3A_18 = arith.constant 0 : index
    %get3A_19 = vector.load %arg5[%get3A_17, %get3A_18] : memref<160x128xf32, #tpu.memory_space<vmem>>, vector<160x128xf32>
    %get3A_20 = arith.constant 0 : index
    %get3A_21 = arith.constant 0 : index
    %get3A_22 = vector.load %arg6[%get3A_20, %get3A_21] : memref<160x128xf32, #tpu.memory_space<vmem>>, vector<160x128xf32>
    %add3A_23 = arith.addf %get3A_19, %get3A_22 : vector<160x128xf32>
    %iota3A = tpu.iota {dimensions = array<i32: 0>} : vector<1280x160xi32>
    %jit3A = arith.constant 8 : i32
    %div3A = vector.broadcast %jit3A : i32 to vector<1280x160xi32>
    %div3A_24 = arith.divsi %iota3A, %div3A : vector<1280x160xi32>
    %sign3A = arith.constant 0 : i32
    %sign3A_25 = vector.broadcast %sign3A : i32 to vector<1280x160xi32>
    %sign3A_26 = arith.cmpi sgt, %iota3A, %sign3A_25 : vector<1280x160xi32>
    %sign3A_27 = arith.extui %sign3A_26 : vector<1280x160xi1> to vector<1280x160xi32>
    %sign3A_28 = arith.constant 0 : i32
    %sign3A_29 = vector.broadcast %sign3A_28 : i32 to vector<1280x160xi32>
    %sign3A_30 = arith.cmpi slt, %iota3A, %sign3A_29 : vector<1280x160xi32>
    %sign3A_31 = arith.extui %sign3A_30 : vector<1280x160xi1> to vector<1280x160xi32>
    %sign3A_32 = arith.subi %sign3A_27, %sign3A_31 : vector<1280x160xi32>
    %sign3A_33 = arith.constant 0 : i32
    %sign3A_34 = arith.cmpi sgt, %jit3A, %sign3A_33 : i32
    %sign3A_35 = arith.extui %sign3A_34 : i1 to i32
    %sign3A_36 = arith.constant 0 : i32
    %sign3A_37 = arith.cmpi slt, %jit3A, %sign3A_36 : i32
    %sign3A_38 = arith.extui %sign3A_37 : i1 to i32
    %sign3A_39 = arith.subi %sign3A_35, %sign3A_38 : i32
    %ne3A = vector.broadcast %sign3A_39 : i32 to vector<1280x160xi32>
    %ne3A_40 = arith.cmpi ne, %sign3A_32, %ne3A : vector<1280x160xi32>
    %rem3A = vector.broadcast %jit3A : i32 to vector<1280x160xi32>
    %rem3A_41 = arith.remsi %iota3A, %rem3A : vector<1280x160xi32>
    %ne3A_42 = arith.constant 0 : i32
    %ne3A_43 = vector.broadcast %ne3A_42 : i32 to vector<1280x160xi32>
    %ne3A_44 = arith.cmpi ne, %rem3A_41, %ne3A_43 : vector<1280x160xi32>
    %and3A = arith.andi %ne3A_40, %ne3A_44 : vector<1280x160xi1>
    %sub3A = arith.constant 1 : i32
    %sub3A_45 = vector.broadcast %sub3A : i32 to vector<1280x160xi32>
    %sub3A_46 = arith.subi %div3A_24, %sub3A_45 : vector<1280x160xi32>
    %select_n3A = arith.select %and3A, %sub3A_46, %div3A_24 : vector<1280x160xi1>, vector<1280x160xi32>
    %iota3A_47 = tpu.iota {dimensions = array<i32: 1>} : vector<1280x160xi32>
    %eq3A = arith.cmpi eq, %select_n3A, %iota3A_47 : vector<1280x160xi32>
    %convert_element_type3A = arith.extui %eq3A : vector<1280x160xi1> to vector<1280x160xi32>
    %convert_element_type3A_48 = arith.sitofp %convert_element_type3A : vector<1280x160xi32> to vector<1280x160xf32>
    %dot_general3A_49 = arith.constant dense<0.000000e+00> : vector<1280x128xf32>
    %dot_general3A_50 = tpu.matmul %convert_element_type3A_48, %add3A_23, %dot_general3A_49 {dimension_numbers = #tpu.dot_dimension_numbers<[1], [0], [0], [1], [0, 0, 1, 1], [], []>, transpose_lhs_hint = false} : vector<1280x160xf32>, vector<160x128xf32>, vector<1280x128xf32> -> vector<1280x128xf32>
    %iota3A_51 = tpu.iota {dimensions = array<i32: 1>} : vector<1280x128xi32>
    %iota3A_52 = tpu.iota {dimensions = array<i32: 0>} : vector<1280x128xi32>
    %jit3A_53 = arith.constant 8 : i32
    %eq3A_54 = arith.constant 0 : i32
    %eq3A_55 = arith.cmpi eq, %jit3A_53, %eq3A_54 : i32
    %jit3A_56 = arith.constant 1 : i32
    %select_n3A_57 = arith.select %eq3A_55, %jit3A_56, %jit3A_53 : i32
    %rem3A_58 = vector.broadcast %select_n3A_57 : i32 to vector<1280x128xi32>
    %rem3A_59 = arith.remsi %iota3A_52, %rem3A_58 : vector<1280x128xi32>
    %ne3A_60 = arith.constant 0 : i32
    %ne3A_61 = vector.broadcast %ne3A_60 : i32 to vector<1280x128xi32>
    %ne3A_62 = arith.cmpi ne, %rem3A_59, %ne3A_61 : vector<1280x128xi32>
    %lt3A = arith.constant 0 : i32
    %lt3A_63 = vector.broadcast %lt3A : i32 to vector<1280x128xi32>
    %lt3A_64 = arith.cmpi slt, %rem3A_59, %lt3A_63 : vector<1280x128xi32>
    %lt3A_65 = arith.constant 0 : i32
    %lt3A_66 = arith.cmpi slt, %select_n3A_57, %lt3A_65 : i32
    %ne3A_67 = vector.broadcast %lt3A_66 : i1 to vector<1280x128xi1>
    %ne3A_68 = vector.broadcast %ne3A_67 : vector<1280x128xi1> to vector<1280x128xi1>
    %ne3A_69 = arith.xori %lt3A_64, %ne3A_68 : vector<1280x128xi1>
    %and3A_70 = arith.andi %ne3A_69, %ne3A_62 : vector<1280x128xi1>
    %add3A_71 = vector.broadcast %select_n3A_57 : i32 to vector<1280x128xi32>
    %add3A_72 = arith.addi %rem3A_59, %add3A_71 : vector<1280x128xi32>
    %select_n3A_73 = arith.select %and3A_70, %add3A_72, %rem3A_59 : vector<1280x128xi1>, vector<1280x128xi32>
    %mul3A = arith.constant 16 : i32
    %mul3A_74 = vector.broadcast %mul3A : i32 to vector<1280x128xi32>
    %mul3A_75 = arith.muli %mul3A_74, %select_n3A_73 : vector<1280x128xi32>
    %eq3A_76 = arith.cmpi eq, %iota3A_51, %mul3A_75 : vector<1280x128xi32>
    %jit3A_77 = arith.constant 0.000000e+00 : f32
    %broadcast_in_dim3A = vector.broadcast %jit3A_77 : f32 to vector<1280x128xf32>
    %select_n3A_78 = arith.select %eq3A_76, %dot_general3A_50, %broadcast_in_dim3A : vector<1280x128xi1>, vector<1280x128xf32>
    %reduce_sum3A = arith.constant dense<0.000000e+00> : vector<1280xf32>
    %reduce_sum3A_79 = vector.multi_reduction <add>, %select_n3A_78, %reduce_sum3A [1] : vector<1280x128xf32> to vector<1280xf32>
    %broadcast_in_dim3A_80 = vector.shape_cast %reduce_sum3A_79 : vector<1280xf32> to vector<1280x1xf32>
    %add3A_81 = arith.constant 1.000000e+00 : f32
    %add3A_82 = vector.broadcast %add3A_81 : f32 to vector<1280x1xf32>
    %add3A_83 = arith.addf %broadcast_in_dim3A_80, %add3A_82 : vector<1280x1xf32>
    %rsqrt3A = math.rsqrt %add3A_83 : vector<1280x1xf32>
    %mul3A_84 = vector.broadcast %rsqrt3A : vector<1280x1xf32> to vector<1280x128xf32>
    %mul3A_85 = arith.mulf %dot_general3A_16, %mul3A_84 : vector<1280x128xf32>
    %swap3A = arith.constant 0 : index
    %swap3A_86 = arith.constant 0 : index
    %swap3A_87 = vector.load %arg7[%swap3A, %swap3A_86] : memref<1280x128xf32, #tpu.memory_space<vmem>>, vector<1280x128xf32>
    tpu.vector_store %arg7[%swap3A, %swap3A_86], %mul3A_85 {strides = array<i32>} : memref<1280x128xf32, #tpu.memory_space<vmem>>, vector<1280x128xf32>,
    return
  }
  func.func @transform_0(%arg0: i32) -> (i32, i32) {
    %c0_i32 = arith.constant 0 : i32
    %c0_i32_0 = arith.constant 0 : i32
    return %arg0, %c0_i32 : i32, i32
  }
  func.func @transform_1(%arg0: i32) -> (i32, i32) {
    %c0_i32 = arith.constant 0 : i32
    %c0_i32_0 = arith.constant 0 : i32
    %c0_i32_1 = arith.constant 0 : i32
    return %c0_i32, %c0_i32_0 : i32, i32
  }
  func.func @transform_2(%arg0: i32) -> (i32, i32) {
    %c0_i32 = arith.constant 0 : i32
    %c0_i32_0 = arith.constant 0 : i32
    %c0_i32_1 = arith.constant 0 : i32
    return %c0_i32, %c0_i32_0 : i32, i32
  }
  func.func @transform_3(%arg0: i32) -> (i32, i32) {
    %c0_i32 = arith.constant 0 : i32
    %c0_i32_0 = arith.constant 0 : i32
    %c0_i32_1 = arith.constant 0 : i32
    return %c0_i32, %c0_i32_0 : i32, i32
  }
  func.func @transform_4(%arg0: i32) -> (i32, i32) {
    %c0_i32 = arith.constant 0 : i32
    %c0_i32_0 = arith.constant 0 : i32
    return %arg0, %c0_i32 : i32, i32
  }
  func.func @transform_5(%arg0: i32) -> (i32, i32) {
    %c0_i32 = arith.constant 0 : i32
    %c0_i32_0 = arith.constant 0 : i32
    return %arg0, %c0_i32 : i32, i32
  }
  func.func @transform_6(%arg0: i32) -> (i32, i32) {
    %c0_i32 = arith.constant 0 : i32
    %c0_i32_0 = arith.constant 0 : i32
    return %arg0, %c0_i32 : i32, i32
  }
}

module attributes {stable_mosaic.version = 14 : i64} {
  func.func @_kc_body(%arg0: i32, %arg1: memref<1024x128xf32, #tpu.memory_space<vmem>>, %arg2: memref<1024x128xf32, #tpu.memory_space<vmem>>, %arg3: memref<128x128xf32, #tpu.memory_space<vmem>>, %arg4: memref<128x128xf32, #tpu.memory_space<vmem>>, %arg5: memref<1x128xf32, #tpu.memory_space<vmem>>, %arg6: memref<128x128xf32, #tpu.memory_space<vmem>>, %arg7: memref<1x128xf32, #tpu.memory_space<vmem>>, %arg8: memref<1024x128xf32, #tpu.memory_space<vmem>>) attributes {dimension_semantics = [#tpu.dimension_semantics<arbitrary>], iteration_bounds = array<i64: 10>, scalar_prefetch = 0 : i64, scratch_operands = 0 : i64, tpu.core_type = #tpu.core_type<tc>, window_params = [{transform_indices = @transform_0, window_bounds = array<i64: 1024, 128>}, {transform_indices = @transform_1, window_bounds = array<i64: 1024, 128>}, {transform_indices = @transform_2, window_bounds = array<i64: 128, 128>}, {transform_indices = @transform_3, window_bounds = array<i64: 128, 128>}, {pipeline_mode = #tpu.pipeline_mode<synchronous>, transform_indices = @transform_4, window_bounds = array<i64: 1, 128>}, {pipeline_mode = #tpu.pipeline_mode<synchronous>, transform_indices = @transform_5, window_bounds = array<i64: 128, 128>}, {pipeline_mode = #tpu.pipeline_mode<synchronous>, transform_indices = @transform_6, window_bounds = array<i64: 1, 128>}, {transform_indices = @transform_7, window_bounds = array<i64: 1024, 128>}]} {
    %get3A = arith.constant 0 : index
    %get3A_0 = arith.constant 0 : index
    %get3A_1 = vector.load %arg3[%get3A, %get3A_0] : memref<128x128xf32, #tpu.memory_space<vmem>>, vector<128x128xf32>
    %get3A_2 = arith.constant 0 : index
    %get3A_3 = arith.constant 0 : index
    %get3A_4 = vector.load %arg4[%get3A_2, %get3A_3] : memref<128x128xf32, #tpu.memory_space<vmem>>, vector<128x128xf32>
    %add3A = arith.addf %get3A_1, %get3A_4 : vector<128x128xf32>
    %iota3A = tpu.iota {dimensions = array<i32: 0>} : vector<1024x128xi32>
    %jit3A = arith.constant 8 : i32
    %div3A = vector.broadcast %jit3A : i32 to vector<1024x128xi32>
    %div3A_5 = arith.divsi %iota3A, %div3A : vector<1024x128xi32>
    %sign3A = arith.constant 0 : i32
    %sign3A_6 = vector.broadcast %sign3A : i32 to vector<1024x128xi32>
    %sign3A_7 = arith.cmpi sgt, %iota3A, %sign3A_6 : vector<1024x128xi32>
    %sign3A_8 = arith.extui %sign3A_7 : vector<1024x128xi1> to vector<1024x128xi32>
    %sign3A_9 = arith.constant 0 : i32
    %sign3A_10 = vector.broadcast %sign3A_9 : i32 to vector<1024x128xi32>
    %sign3A_11 = arith.cmpi slt, %iota3A, %sign3A_10 : vector<1024x128xi32>
    %sign3A_12 = arith.extui %sign3A_11 : vector<1024x128xi1> to vector<1024x128xi32>
    %sign3A_13 = arith.subi %sign3A_8, %sign3A_12 : vector<1024x128xi32>
    %sign3A_14 = arith.constant 0 : i32
    %sign3A_15 = arith.cmpi sgt, %jit3A, %sign3A_14 : i32
    %sign3A_16 = arith.extui %sign3A_15 : i1 to i32
    %sign3A_17 = arith.constant 0 : i32
    %sign3A_18 = arith.cmpi slt, %jit3A, %sign3A_17 : i32
    %sign3A_19 = arith.extui %sign3A_18 : i1 to i32
    %sign3A_20 = arith.subi %sign3A_16, %sign3A_19 : i32
    %ne3A = vector.broadcast %sign3A_20 : i32 to vector<1024x128xi32>
    %ne3A_21 = arith.cmpi ne, %sign3A_13, %ne3A : vector<1024x128xi32>
    %rem3A = vector.broadcast %jit3A : i32 to vector<1024x128xi32>
    %rem3A_22 = arith.remsi %iota3A, %rem3A : vector<1024x128xi32>
    %ne3A_23 = arith.constant 0 : i32
    %ne3A_24 = vector.broadcast %ne3A_23 : i32 to vector<1024x128xi32>
    %ne3A_25 = arith.cmpi ne, %rem3A_22, %ne3A_24 : vector<1024x128xi32>
    %and3A = arith.andi %ne3A_21, %ne3A_25 : vector<1024x128xi1>
    %sub3A = arith.constant 1 : i32
    %sub3A_26 = vector.broadcast %sub3A : i32 to vector<1024x128xi32>
    %sub3A_27 = arith.subi %div3A_5, %sub3A_26 : vector<1024x128xi32>
    %select_n3A = arith.select %and3A, %sub3A_27, %div3A_5 : vector<1024x128xi1>, vector<1024x128xi32>
    %iota3A_28 = tpu.iota {dimensions = array<i32: 1>} : vector<1024x128xi32>
    %eq3A = arith.cmpi eq, %select_n3A, %iota3A_28 : vector<1024x128xi32>
    %convert_element_type3A = arith.extui %eq3A : vector<1024x128xi1> to vector<1024x128xi32>
    %convert_element_type3A_29 = arith.sitofp %convert_element_type3A : vector<1024x128xi32> to vector<1024x128xf32>
    %dot_general3A = arith.constant dense<0.000000e+00> : vector<1024x128xf32>
    %dot_general3A_30 = tpu.matmul %convert_element_type3A_29, %add3A, %dot_general3A {dimension_numbers = #tpu.dot_dimension_numbers<[1], [0], [0], [1], [0, 0, 1, 1], [], []>, transpose_lhs_hint = false} : vector<1024x128xf32>, vector<128x128xf32>, vector<1024x128xf32> -> vector<1024x128xf32>
    %iota3A_31 = tpu.iota {dimensions = array<i32: 1>} : vector<1024x128xi32>
    %iota3A_32 = tpu.iota {dimensions = array<i32: 0>} : vector<1024x128xi32>
    %jit3A_33 = arith.constant 8 : i32
    %eq3A_34 = arith.constant 0 : i32
    %eq3A_35 = arith.cmpi eq, %jit3A_33, %eq3A_34 : i32
    %jit3A_36 = arith.constant 1 : i32
    %select_n3A_37 = arith.select %eq3A_35, %jit3A_36, %jit3A_33 : i32
    %rem3A_38 = vector.broadcast %select_n3A_37 : i32 to vector<1024x128xi32>
    %rem3A_39 = arith.remsi %iota3A_32, %rem3A_38 : vector<1024x128xi32>
    %ne3A_40 = arith.constant 0 : i32
    %ne3A_41 = vector.broadcast %ne3A_40 : i32 to vector<1024x128xi32>
    %ne3A_42 = arith.cmpi ne, %rem3A_39, %ne3A_41 : vector<1024x128xi32>
    %lt3A = arith.constant 0 : i32
    %lt3A_43 = vector.broadcast %lt3A : i32 to vector<1024x128xi32>
    %lt3A_44 = arith.cmpi slt, %rem3A_39, %lt3A_43 : vector<1024x128xi32>
    %lt3A_45 = arith.constant 0 : i32
    %lt3A_46 = arith.cmpi slt, %select_n3A_37, %lt3A_45 : i32
    %ne3A_47 = vector.broadcast %lt3A_46 : i1 to vector<1024x128xi1>
    %ne3A_48 = vector.broadcast %ne3A_47 : vector<1024x128xi1> to vector<1024x128xi1>
    %ne3A_49 = arith.xori %lt3A_44, %ne3A_48 : vector<1024x128xi1>
    %and3A_50 = arith.andi %ne3A_49, %ne3A_42 : vector<1024x128xi1>
    %add3A_51 = vector.broadcast %select_n3A_37 : i32 to vector<1024x128xi32>
    %add3A_52 = arith.addi %rem3A_39, %add3A_51 : vector<1024x128xi32>
    %select_n3A_53 = arith.select %and3A_50, %add3A_52, %rem3A_39 : vector<1024x128xi1>, vector<1024x128xi32>
    %mul3A = arith.constant 16 : i32
    %mul3A_54 = vector.broadcast %mul3A : i32 to vector<1024x128xi32>
    %mul3A_55 = arith.muli %mul3A_54, %select_n3A_53 : vector<1024x128xi32>
    %eq3A_56 = arith.cmpi eq, %iota3A_31, %mul3A_55 : vector<1024x128xi32>
    %jit3A_57 = arith.constant 0.000000e+00 : f32
    %broadcast_in_dim3A = vector.broadcast %jit3A_57 : f32 to vector<1024x128xf32>
    %select_n3A_58 = arith.select %eq3A_56, %dot_general3A_30, %broadcast_in_dim3A : vector<1024x128xi1>, vector<1024x128xf32>
    %reduce_sum3A = arith.constant dense<0.000000e+00> : vector<1024xf32>
    %reduce_sum3A_59 = vector.multi_reduction <add>, %select_n3A_58, %reduce_sum3A [1] : vector<1024x128xf32> to vector<1024xf32>
    %broadcast_in_dim3A_60 = vector.shape_cast %reduce_sum3A_59 : vector<1024xf32> to vector<1024x1xf32>
    %add3A_61 = arith.constant 1.000000e+00 : f32
    %add3A_62 = vector.broadcast %add3A_61 : f32 to vector<1024x1xf32>
    %add3A_63 = arith.addf %broadcast_in_dim3A_60, %add3A_62 : vector<1024x1xf32>
    %rsqrt3A = math.rsqrt %add3A_63 : vector<1024x1xf32>
    %get3A_64 = arith.constant 0 : index
    %get3A_65 = arith.constant 0 : index
    %get3A_66 = vector.load %arg1[%get3A_64, %get3A_65] : memref<1024x128xf32, #tpu.memory_space<vmem>>, vector<1024x128xf32>
    %get3A_67 = arith.constant 0 : index
    %get3A_68 = arith.constant 0 : index
    %get3A_69 = vector.load %arg2[%get3A_67, %get3A_68] : memref<1024x128xf32, #tpu.memory_space<vmem>>, vector<1024x128xf32>
    %add3A_70 = arith.addf %get3A_66, %get3A_69 : vector<1024x128xf32>
    %mul3A_71 = vector.broadcast %rsqrt3A : vector<1024x1xf32> to vector<1024x128xf32>
    %mul3A_72 = arith.mulf %add3A_70, %mul3A_71 : vector<1024x128xf32>
    %get3A_73 = arith.constant 0 : index
    %get3A_74 = arith.constant 0 : index
    %get3A_75 = vector.load %arg5[%get3A_73, %get3A_74] : memref<1x128xf32, #tpu.memory_space<vmem>>, vector<1x128xf32>
    %add3A_76 = vector.broadcast %get3A_75 : vector<1x128xf32> to vector<1024x128xf32>
    %add3A_77 = arith.addf %mul3A_72, %add3A_76 : vector<1024x128xf32>
    %max3A = arith.constant 0.000000e+00 : f32
    %max3A_78 = vector.broadcast %max3A : f32 to vector<1024x128xf32>
    %max3A_79 = arith.maximumf %add3A_77, %max3A_78 : vector<1024x128xf32>
    %get3A_80 = arith.constant 0 : index
    %get3A_81 = arith.constant 0 : index
    %get3A_82 = vector.load %arg6[%get3A_80, %get3A_81] : memref<128x128xf32, #tpu.memory_space<vmem>>, vector<128x128xf32>
    %dot_general3A_83 = arith.constant dense<0.000000e+00> : vector<1024x128xf32>
    %dot_general3A_84 = tpu.matmul %max3A_79, %get3A_82, %dot_general3A_83 {dimension_numbers = #tpu.dot_dimension_numbers<[1], [0], [0], [1], [0, 0, 1, 1], [], []>, transpose_lhs_hint = false} : vector<1024x128xf32>, vector<128x128xf32>, vector<1024x128xf32> -> vector<1024x128xf32>
    %get3A_85 = arith.constant 0 : index
    %get3A_86 = arith.constant 0 : index
    %get3A_87 = vector.load %arg7[%get3A_85, %get3A_86] : memref<1x128xf32, #tpu.memory_space<vmem>>, vector<1x128xf32>
    %add3A_88 = vector.broadcast %get3A_87 : vector<1x128xf32> to vector<1024x128xf32>
    %add3A_89 = arith.addf %dot_general3A_84, %add3A_88 : vector<1024x128xf32>
    %iota3A_90 = tpu.iota {dimensions = array<i32: 1>} : vector<1024x128xi32>
    %eq3A_91 = arith.constant 0 : i32
    %eq3A_92 = vector.broadcast %eq3A_91 : i32 to vector<1024x128xi32>
    %eq3A_93 = arith.cmpi eq, %iota3A_90, %eq3A_92 : vector<1024x128xi32>
    %logistic3A = arith.negf %add3A_89 : vector<1024x128xf32>
    %logistic3A_94 = math.exp %logistic3A : vector<1024x128xf32>
    %logistic3A_95 = arith.constant 1.000000e+00 : f32
    %logistic3A_96 = vector.broadcast %logistic3A_95 : f32 to vector<1024x128xf32>
    %logistic3A_97 = arith.addf %logistic3A_96, %logistic3A_94 : vector<1024x128xf32>
    %logistic3A_98 = arith.divf %logistic3A_96, %logistic3A_97 : vector<1024x128xf32>
    %select_n3A_99 = arith.select %eq3A_93, %logistic3A_98, %add3A_89 : vector<1024x128xi1>, vector<1024x128xf32>
    %swap3A = arith.constant 0 : index
    %swap3A_100 = arith.constant 0 : index
    %swap3A_101 = vector.load %arg8[%swap3A, %swap3A_100] : memref<1024x128xf32, #tpu.memory_space<vmem>>, vector<1024x128xf32>
    tpu.vector_store %arg8[%swap3A, %swap3A_100], %select_n3A_99 {strides = array<i32>} : memref<1024x128xf32, #tpu.memory_space<vmem>>, vector<1024x128xf32>,
    return
  }
  func.func @transform_0(%arg0: i32) -> (i32, i32) {
    %c0_i32 = arith.constant 0 : i32
    %c0_i32_0 = arith.constant 0 : i32
    return %arg0, %c0_i32 : i32, i32
  }
  func.func @transform_1(%arg0: i32) -> (i32, i32) {
    %c0_i32 = arith.constant 0 : i32
    %c0_i32_0 = arith.constant 0 : i32
    return %arg0, %c0_i32 : i32, i32
  }
  func.func @transform_2(%arg0: i32) -> (i32, i32) {
    %c0_i32 = arith.constant 0 : i32
    %c0_i32_0 = arith.constant 0 : i32
    return %arg0, %c0_i32 : i32, i32
  }
  func.func @transform_3(%arg0: i32) -> (i32, i32) {
    %c0_i32 = arith.constant 0 : i32
    %c0_i32_0 = arith.constant 0 : i32
    return %arg0, %c0_i32 : i32, i32
  }
  func.func @transform_4(%arg0: i32) -> (i32, i32) {
    %c0_i32 = arith.constant 0 : i32
    %c0_i32_0 = arith.constant 0 : i32
    %c0_i32_1 = arith.constant 0 : i32
    return %c0_i32, %c0_i32_0 : i32, i32
  }
  func.func @transform_5(%arg0: i32) -> (i32, i32) {
    %c0_i32 = arith.constant 0 : i32
    %c0_i32_0 = arith.constant 0 : i32
    %c0_i32_1 = arith.constant 0 : i32
    return %c0_i32, %c0_i32_0 : i32, i32
  }
  func.func @transform_6(%arg0: i32) -> (i32, i32) {
    %c0_i32 = arith.constant 0 : i32
    %c0_i32_0 = arith.constant 0 : i32
    %c0_i32_1 = arith.constant 0 : i32
    return %c0_i32, %c0_i32_0 : i32, i32
  }
  func.func @transform_7(%arg0: i32) -> (i32, i32) {
    %c0_i32 = arith.constant 0 : i32
    %c0_i32_0 = arith.constant 0 : i32
    return %arg0, %c0_i32 : i32, i32
  }
}

</mosaic_0001>

<sc_bundles>
// kernel: kernel.6.cloned.1.call-start
scs
__scs_entry_jumppad:
0x0: {  	(pc) =	sbr.rel $0x88, $3  }
0x1: {  	(tag) =	ssettag $0x0;
	lr =	simm.s32 $0x1  }
0x2: {  	[smem:$0x3F99] =	sst lr;
	_ =	strace $0xD0000000  }
0x3: {  	_ = 	snop  }
0x4: {  	_ = 	snop  }
0x5: {  	_ = 	snop  }
0x6: {  	_ = 	snop  }
0x7: {  	_ = 	snop  }
__scs_overlays_trampoline_lowered:
0x8: {  	[smem:$0x3FA8] =	sst s0  }
0x9: {  	[smem:$0x3FA9] =	sst s1  }
0xa: {  	[smem:$0x3FAA] =	sst s2  }
0xb: {  	[smem:$0x3FAB] =	sst s3  }
0xc: {  	[smem:$0x3FAC] =	sst s4  }
0xd: {  	[smem:$0x3FAD] =	sst s5  }
0xe: {  	[smem:$0x3FAE] =	sst s6  }
0xf: {  	[smem:$0x3FAF] =	sst s7  }
0x10: {  	[smem:$0x3FB0] =	sst s8  }
0x11: {  	[smem:$0x3FB1] =	sst s9;
	s0 =	simm.s32 @!p0 $0x0  }
0x12: {  	s1 =	sld [smem:$0x3F97];
	s0 =	simm.s32 @p0 $0x1  }
0x13: {  	[smem:$0x3FB2] =	sst s0;
	s0 =	simm.s32 @!p1 $0x0  }
0x14: {  	s2 =	sld [smem:$0x3F96];
	s0 =	simm.s32 @p1 $0x1  }
0x15: {  	[smem:$0x3FB3] =	sst s0;
	s0 =	simm.s32 @!p2 $0x0  }
0x16: {  	s3 =	sld [smem:$0x3FDB];
	s0 =	simm.s32 @p2 $0x1  }
0x17: {  	s4 =	simm.s32 $0x1BF5;
	[smem:$0x3FB5] =	sst s0  }
0x18: {  	s0 =	sld [smem:$0x3F98];
	_ =	swait.ge [sflag:s4], $0x0  }
0x19: {  	s7 =	sld [smem:$0x3F99]  }
0x1a: {  	s8 =	sadd.s32 $0xFFFFE003, lr  }
0x1b: {  	s9 =	sadd.s32 $0xFFFFFEF7, lr;
	s5 =	simm.s32 $0xFFFFFFFF;
	p2 =	slt.u32 s8, $0xFFFFF086  }
0x1c: {  	p1 =	slt.u32 s9, $0xF7A;
	s5 =	simm.s32 @!p2 $0x0  }
0x1d: {  	s5 =	simm.s32 @p1 $0x1;
	p0 =	seq.s32 s7, s2  }
0x1e: {  	s7 =	smul.u32 @!p0 $0xF7A, s2;
	p2 =	seq.s32 @!p0 s5, $0x0  }
0x1f: {  	s9 =	smul.u32 $0xF7A, s1;
	s8 =	simm.s32 @!p0 $0x1BF5;
	p2 =	por !p2, p0  }
0x20: {  	[sflag:s8] =	ssyncset.s32 @!p0 $0xFFFFF086;
	s6 =	sadd.s32 @!p0 s3, s7;
	s7 =	simm.s32 @!p0 $0x108  }
0x21: {  	s3 =	sadd.s32 s3, s9;
	s6 =	sadd.s32 @!p0 $0x88, s6;
	s7 =	simm.s32 @p2 $0x1082  }
0x22: {  	[simem:s7], [sflag:s8] =	dma.local @!p0 [hbm:s6], $0xF7A  }
0x23: {  	s9 =	sor.u32 $0xD0000000, s2;
	s6 =	simm.s32 $0x108;
	_ =	swait.ge @!p0 [sflag:s8], $0x0  }
0x24: {  	s3 =	sadd.s32 $0x88, s3;
	s6 =	simm.s32 @!p1 $0x1082;
	[sflag:s4] =	ssyncset.s32 $0xFFFFF086  }
0x25: {  	[simem:s6], [sflag:s4] =	dma.local [hbm:s3], $0xF7A  }
0x26: {  	[smem:$0x3F99] =	sst s1;
	(tag) =	ssettag s2;
	_ =	strace s9  }
0x27: {  	s1 =	sld [smem:$0x3FA9]  }
0x28: {  	s2 =	sld [smem:$0x3FAA]  }
0x29: {  	s4 =	sld [smem:$0x3FAC]  }
0x2a: {  	p0 =	seq.s32 s5, $0x0;
	s5 =	sld [smem:$0x3FAD]  }
0x2b: {  	s6 =	sld [smem:$0x3FAE]  }
0x2c: {  	s7 =	sld [smem:$0x3FAF]  }
0x2d: {  	s3 =	simm.s32 $0x108;
	s8 =	sld [smem:$0x3FB0]  }
0x2e: {  	s3 =	simm.s32 @!p0 $0x1082;
	s9 =	sld [smem:$0x3FB1]  }
0x2f: {  	lr =	sadd.s32 s0, s3;
	s0 =	sld [smem:$0x3FA8]  }
0x30: {  	s3 =	sld [smem:$0x3FAB]  }
0x31: {  	[smem:$0x3FB4] =	sst s10  }
0x32: {  	s10 =	sld [smem:$0x3FB2];
	_ =	sdelay $0x3  }
0x33: {  	p0 =	seq.s32 s10, $0x1;
	s10 =	sld [smem:$0x3FB4];
	_ =	sdelay $0x3  }
0x34: {  	[smem:$0x3FB4] =	sst s10  }
0x35: {  	s10 =	sld [smem:$0x3FB3];
	_ =	sdelay $0x3  }
0x36: {  	p1 =	seq.s32 s10, $0x1;
	s10 =	sld [smem:$0x3FB4];
	_ =	sdelay $0x3  }
0x37: {  	[smem:$0x3FB4] =	sst s10  }
0x38: {  	s10 =	sld [smem:$0x3FB5]  }
0x39: {  	_ = 	snop;
	(pc) =	sbr.ind lr, $3  }
0x3a: {  	_ = 	snop  }
0x3b: {  	_ = 	snop  }
0x3c: {  	p2 =	seq.s32 s10, $0x1;
	s10 =	sld [smem:$0x3FB4]  }
0x3d: {  	_ =	shalt  }
0x3e: {  	_ =	shalt  }
0x3f: {  	_ =	shalt  }
0x40: {  	_ =	shalt  }
0x41: {  	_ =	shalt  }
0x42: {  	_ =	shalt  }
0x43: {  	_ =	shalt  }
0x44: {  	_ =	shalt  }
0x45: {  	_ =	shalt  }
0x46: {  	_ =	shalt  }
0x47: {  	_ =	shalt  }
0x48: {  	_ =	shalt  }
0x49: {  	_ =	shalt  }
0x4a: {  	_ =	shalt  }
0x4b: {  	_ =	shalt  }
0x4c: {  	_ =	shalt  }
0x4d: {  	_ =	shalt  }
0x4e: {  	_ =	shalt  }
0x4f: {  	_ =	shalt  }
0x50: {  	_ =	shalt  }
0x51: {  	_ =	shalt  }
0x52: {  	_ =	shalt  }
0x53: {  	_ =	shalt  }
0x54: {  	_ =	shalt  }
0x55: {  	_ =	shalt  }
0x56: {  	_ =	shalt  }
0x57: {  	_ =	shalt  }
0x58: {  	_ =	shalt  }
0x59: {  	_ =	shalt  }
0x5a: {  	_ =	shalt  }
0x5b: {  	_ =	shalt  }
0x5c: {  	_ =	shalt  }
0x5d: {  	_ =	shalt  }
0x5e: {  	_ =	shalt  }
0x5f: {  	_ =	shalt  }
0x60: {  	_ =	shalt  }
0x61: {  	_ =	shalt  }
0x62: {  	_ =	shalt  }
0x63: {  	_ =	shalt  }
0x64: {  	_ =	shalt  }
0x65: {  	_ =	shalt  }
0x66: {  	_ =	shalt  }
0x67: {  	_ =	shalt  }
0x68: {  	_ =	shalt  }
0x69: {  	_ =	shalt  }
0x6a: {  	_ =	shalt  }
0x6b: {  	_ =	shalt  }
0x6c: {  	_ =	shalt  }
0x6d: {  	_ =	shalt  }
0x6e: {  	_ =	shalt  }
0x6f: {  	_ =	shalt  }
0x70: {  	_ =	shalt  }
0x71: {  	_ =	shalt  }
0x72: {  	_ =	shalt  }
0x73: {  	_ =	shalt  }
0x74: {  	_ =	shalt  }
0x75: {  	_ =	shalt  }
0x76: {  	_ =	shalt  }
0x77: {  	_ =	shalt  }
0x78: {  	_ =	shalt  }
0x79: {  	_ =	shalt  }
0x7a: {  	_ =	shalt  }
0x7b: {  	_ =	shalt  }
0x7c: {  	_ =	shalt  }
0x7d: {  	_ =	shalt  }
0x7e: {  	_ =	shalt  }
0x7f: {  	_ =	shalt  }
0x80: {  	_ =	shalt  }
0x81: {  	_ =	shalt  }
0x82: {  	_ =	shalt  }
0x83: {  	_ =	shalt  }
0x84: {  	_ =	shalt  }
0x85: {  	_ =	shalt  }
0x86: {  	_ =	shalt  }
0x87: {  	_ =	shalt  }
.Lfunc_end0:
.L_simem_size_0:
called_computation_lowered:
.L_overlay_start_0:
0x88: {  	s2 =	sld [smem:$0x3FD9]  }
0x89: {  	s3 =	sld [smem:$0x3FFE];
	_ =	sdelay $0x1  }
0x8a: {  	s1 =	srdreg.scid  }
0x8b: {  	s0 =	sand.u32 $0x1, s1  }
0x8c: {  	s16 =	sshll.u32 s0, $0xA;
	s2 =	sadd.s32 s3, s2  }
0x8d: {  	s2 =	sadd.s32 s2, s16  }
0x8e: {  	[smem:$0x3FC0] =	sst s2  }
0x8f: {  	_ = 	snop  }
0x90: {  	(tm) =	ssettm $0x1  }
0x91: {  	s17 =	sld [smem:$0x3FFB];
	_ =	sdelay $0x3  }
0x92: {  	_ =	strace s17  }
0x93: {  	s2 =	sld [smem:$0x3FFC];
	_ =	sdelay $0x3  }
0x94: {  	_ =	strace s2  }
0x95: {  	s2 =	sld [smem:$0x3FFD];
	_ =	sdelay $0x3  }
0x96: {  	_ =	strace s2  }
0x97: {  	_ =	strace $0x8FFFFFFF  }
0x98: {  	s18 =	sld [smem:$0x3FDB];
	_ =	sdelay $0x1  }
0x99: {  	s19 =	simm.s32 $_scs_section_size  }
0x9a: {  	s4 =	simm.s32 $_size__tile_overlayer_lowered;
	s5 =	simm.s32 $_tile_overlayer_lowered  }
0x9b: {  	s22 =	simm.s32 $0x1BFF;
	s21 =	sshll.u32 s5, $0x1;
	s2 =	sadd.s32 s19, s18  }
0x9c: {  	s6 =	simm.s32 $0x0;
	s20 =	sshll.u32 s4, $0x1;
	s4 =	sadd.s32 s21, s2  }
0x9d: {  	[timem:s6], [sflag:s22] =	dma.local [hbm:s4], s20  }
0x9e: {  	_ =	swait.ge [sflag:s22], s20  }
0x9f: {  	s3 =	ssub.s32 $0x0, s20;
	[sflag:s22] =	ssyncset.done $0x0  }
0xa0: {  	[sflag:s22] =	ssyncadd.s32 s3;
	_ =	sdelay $0x1  }
0xa1: {  	s23 =	simm.s32 $0x1B8B  }
0xa2: {  	_ =	swait.ge [sflag:s23], $0x1  }
0xa3: {  	[sflag:s23] =	ssyncset.done $0x0  }
0xa4: {  	s25 =	simm.s32 $0x1B8E;
	s24 =	sld [smem:$0x3FFE];
	[sflag:s23] =	ssyncadd.s32 $0xFFFFFFFF  }
0xa5: {  	s26 =	simm.s32 $execute0_lowered;
	[smem:$0x3FD2] =	sst s25  }
0xa6: {  	s4 =	sshll.u32 s26, $0x1;
	_ =	strace $0x80000046;
	[dreg:$0x1] =	wrdreg $0xFFFFFFFF  }
0xa7: {  	s28 =	simm.s32 $_size_execute0_lowered;
	s2 =	sadd.s32 s2, s4;
	[dreg:$0x0] =	wrdreg $0x0  }
0xa8: {  	s4 =	sshll.u32 s28, $0x1;
	[dreg:$0x2] =	wrdreg s2  }
0xa9: {  	[dreg:$0x3] =	wrdreg s4  }
0xaa: {  	[dreg:$0x4] =	wrdreg $0xC0  }
0xab: {  	_ =	task [dreg:s6], $0x5FFFF  }
0xac: {  	[dreg:$0x1] =	wrdreg $0xFFFFFFFF  }
0xad: {  	[dreg:$0x0] =	wrdreg $0x60  }
0xae: {  	[dreg:$0x2] =	wrdreg s24  }
0xaf: {  	[dreg:$0x3] =	wrdreg $0x58000  }
0xb0: {  	[dreg:$0x4] =	wrdreg $0x9  }
0xb1: {  	_ =	task.clear_ibuf [dreg:s6], $0x5FFFF;
	_ =	strace $0x90000046  }
0xb2: {  	s29 =	simm.s32 $0x9;
	_ =	strace $0x80000048  }
0xb3: {  	_ =	swait.ge [sflag:s29], $0x1  }
0xb4: {  	[sflag:s29] =	ssyncadd.s32 $0xFFFFFFFF  }
0xb5: {  	_ =	strace $0x90000048  }
0xb6: {  	_ =	sfence  }
0xb7: {  	s30 =	sld [smem:$0x0];
	_ =	sdelay $0x2  }
0xb8: {  	s31 =	sshll.u32 s1, $0xD;
	s1 =	sshrl.u32 s1, $0x2  }
0xb9: {  	s3 =	sand.u32 $0x4000, s31;
	s1 =	sadd.s32 s1, s30  }
0xba: {  	s0 =	sor.u32 s3, s0;
	s1 =	sshll.u32 s1, $0x11  }
0xbb: {  	s0 =	sor.u32 s1, s0  }
0xbc: {  	s0 =	sadd.s32 $0x8F2B, s0  }
0xbd: {  	[sflag:s0] =	ssyncadd.remote.s32 $0x1  }
0xbe: {  	_ =	sfence.sel $0xFFFF  }
0xbf: {  	[dreg:$0x0] =	wrdreg $0xFFFFFFFF;
	(pc) =	sbr.abs _section_cstart, $3  }
0xc0: {  	[dreg:$0x1] =	wrdreg $0xFFFFFFFF  }
0xc1: {  	_ =	task.clear_ibuf [dreg:s6], $0x2FFFF;
	_ =	strace $0x9FFFFFFF  }
0xc2: {  	(tm) =	ssettm $0x7FFFFFFF  }
0xc3: {  	_ =	shalt  }
tec
execute0_lowered:
.L_overlay_start_1:
0x0: {  	(tag) =	ssettag $0x1  }
0x1: {  	s1 =	rddreg [dreg:$0x0];
	s3 =	srdreg.scid  }
0x2: {  	s0 =	stileid.u32;
	s2 =	rddreg [dreg:$0x1];
	s11 =	simm.s32 $0x2800  }
0x3: {  	s12 =	simm.s32 $0x3000;
	s13 =	simm.s32 $0x80;
	s14 =	simm.s32 $0x100  }
0x4: {  	s15 =	simm.s32 $0x180;
	s16 =	simm.s32 $0x200;
	s17 =	simm.s32 $0x280  }
0x5: {  	s18 =	simm.s32 $0x300;
	s19 =	simm.s32 $0x380;
	s20 =	simm.s32 $0x400  }
0x6: {  	s21 =	simm.s32 $0x480;
	s22 =	simm.s32 $0x500;
	s23 =	simm.s32 $0x580  }
0x7: {  	s24 =	simm.s32 $0x600;
	s25 =	simm.s32 $0x680;
	s26 =	simm.s32 $0x700  }
0x8: {  	s28 =	simm.s32 $0x780;
	s29 =	simm.s32 $0x1;
	s30 =	simm.s32 $0x0  }
0x9: {  	s6 =	sand.u32 $0x1, s3;
	s4 =	sshll.u32 s0, $0x1;
	s3 =	simm.s32 $0x0  }
0xa: {  	s5 =	sadd.s32 $0xC600, s1;
	s10 =	smul.u32 $0x2800, s0;
	s4 =	sor.u32 s6, s4  }
0xb: {  	[smem:$0x7FF] =	sst s3;
	s8 =	ssub.s32 $0x2, s6;
	s4 =	smul.u32 $0x500, s4  }
0xc: {  	p0 =	seq.s32 s6, $0x0;
	_ =	strace $0x80000047;
	s9 =	sshrl.u32 s8, $0x1  }
0xd: {  	s8 =	ssub.s32 s8, s9;
	s9 =	simm.s32 $0xCC00;
	s7 =	sadd.s32 s4, s1  }
0xe: {  	s4 =	sadd.s32 $0x2400, s1;
	s9 =	simm.s32 @!p0 $0x11C00;
	s6 =	sadd.s32 $0x2600, s7  }
0xf: {  	s7 =	sadd.s32 s10, s2;
	s10 =	sshrl.u32 s10, $0x3;
	s1 =	sadd.s32 s9, s1  }
0x10: {  	s8 =	smax.u32 s8, $0x1;
	s9 =	sadd.s32 s1, s10;
	s10 =	simm.s32 $0x2  }
.LBB2_1:
0x11: {  	[tilespmem:s3], [sflag:$0x2] =	stream.linear.gather [hbm4b:s6+s3], $0x2800, $0x38;
	[tilespmem:$0x8000] =	vst v63  }
0x12: {  	_ =	swait.ge [sflag:s10], $0x2800  }
0x13: {  	[sflag:s10] =	ssyncset.done $0x0  }
0x14: {  	[sflag:s10] =	ssyncadd.s32 $0xFFFFD800  }
0x15: {  	[tilespmem:s11], [sflag:$0x2] =	stream.linear.gather [hbm4b:s4+s3], $0x800, $0x38;
	[tilespmem:$0x8000] =	vst v63  }
0x16: {  	_ =	swait.ge [sflag:s10], $0x800  }
0x17: {  	[sflag:s10] =	ssyncset.done $0x0  }
0x18: {  	[sflag:s10] =	ssyncadd.s32 $0xFFFFF800  }
0x19: {  	[tilespmem:s12], [sflag:$0x2] =	stream.linear.gather [hbm4b:s5+s3], $0x2800, $0x38;
	[tilespmem:$0x8000] =	vst v63  }
0x1a: {  	_ =	swait.ge [sflag:s10], $0x2800  }
0x1b: {  	[sflag:s10] =	ssyncset.done $0x0  }
0x1c: {  	[sflag:s10] =	ssyncadd.s32 $0xFFFFD800  }
0x1d: {  	[spmem:s7] =	stream.linear.scatter [tilespmem:s12], [sflag:$0x2], $0x2800, $0x38;
	[tilespmem:$0x8000] =	vst v63  }
0x1e: {  	_ =	swait.ge [sflag:s10], $0x2800  }
0x1f: {  	[sflag:s10] =	ssyncset.done $0x0  }
0x20: {  	[sflag:s10] =	ssyncadd.s32 $0xFFFFD800  }
0x21: {  	[bflag:$0x0] =	sbarrier.arrive $0xFFFF  }
0x22: {  	[spmem:s2] =	stream.indirect.scatter.add.f32 [tilespmem:s11], [sflag:$0x1], $0x10, s3, s13, $0xb8;
	[tilespmem:$0x8000] =	vst v63  }
0x23: {  	_ = 	snop  }
0x24: {  	[spmem:s2] =	stream.indirect.scatter.add.f32 [tilespmem:s11], [sflag:$0x1], $0x10, s13, s13, $0xb8;
	[tilespmem:$0x8000] =	vst v63  }
0x25: {  	_ = 	snop  }
0x26: {  	[spmem:s2] =	stream.indirect.scatter.add.f32 [tilespmem:s11], [sflag:$0x1], $0x10, s14, s13, $0xb8;
	[tilespmem:$0x8000] =	vst v63  }
0x27: {  	_ = 	snop  }
0x28: {  	[spmem:s2] =	stream.indirect.scatter.add.f32 [tilespmem:s11], [sflag:$0x1], $0x10, s15, s13, $0xb8;
	[tilespmem:$0x8000] =	vst v63  }
0x29: {  	_ = 	snop  }
0x2a: {  	[spmem:s2] =	stream.indirect.scatter.add.f32 [tilespmem:s11], [sflag:$0x1], $0x10, s16, s13, $0xb8;
	[tilespmem:$0x8000] =	vst v63  }
0x2b: {  	_ = 	snop  }
0x2c: {  	[spmem:s2] =	stream.indirect.scatter.add.f32 [tilespmem:s11], [sflag:$0x1], $0x10, s17, s13, $0xb8;
	[tilespmem:$0x8000] =	vst v63  }
0x2d: {  	_ = 	snop  }
0x2e: {  	[spmem:s2] =	stream.indirect.scatter.add.f32 [tilespmem:s11], [sflag:$0x1], $0x10, s18, s13, $0xb8;
	[tilespmem:$0x8000] =	vst v63  }
0x2f: {  	_ = 	snop  }
0x30: {  	[spmem:s2] =	stream.indirect.scatter.add.f32 [tilespmem:s11], [sflag:$0x1], $0x10, s19, s13, $0xb8;
	[tilespmem:$0x8000] =	vst v63  }
0x31: {  	_ = 	snop  }
0x32: {  	[spmem:s2] =	stream.indirect.scatter.add.f32 [tilespmem:s11], [sflag:$0x1], $0x10, s20, s13, $0xb8;
	[tilespmem:$0x8000] =	vst v63  }
0x33: {  	_ = 	snop  }
0x34: {  	[spmem:s2] =	stream.indirect.scatter.add.f32 [tilespmem:s11], [sflag:$0x1], $0x10, s21, s13, $0xb8;
	[tilespmem:$0x8000] =	vst v63  }
0x35: {  	_ = 	snop  }
0x36: {  	[spmem:s2] =	stream.indirect.scatter.add.f32 [tilespmem:s11], [sflag:$0x1], $0x10, s22, s13, $0xb8;
	[tilespmem:$0x8000] =	vst v63  }
0x37: {  	_ = 	snop  }
0x38: {  	[spmem:s2] =	stream.indirect.scatter.add.f32 [tilespmem:s11], [sflag:$0x1], $0x10, s23, s13, $0xb8;
	[tilespmem:$0x8000] =	vst v63  }
0x39: {  	_ = 	snop  }
0x3a: {  	[spmem:s2] =	stream.indirect.scatter.add.f32 [tilespmem:s11], [sflag:$0x1], $0x10, s24, s13, $0xb8;
	[tilespmem:$0x8000] =	vst v63  }
0x3b: {  	_ = 	snop  }
0x3c: {  	[spmem:s2] =	stream.indirect.scatter.add.f32 [tilespmem:s11], [sflag:$0x1], $0x10, s25, s13, $0xb8;
	[tilespmem:$0x8000] =	vst v63  }
0x3d: {  	_ = 	snop  }
0x3e: {  	[spmem:s2] =	stream.indirect.scatter.add.f32 [tilespmem:s11], [sflag:$0x1], $0x10, s26, s13, $0xb8;
	[tilespmem:$0x8000] =	vst v63  }
0x3f: {  	_ = 	snop  }
0x40: {  	[spmem:s2] =	stream.indirect.scatter.add.f32 [tilespmem:s11], [sflag:$0x1], $0x10, s28, s13, $0xb8;
	[tilespmem:$0x8000] =	vst v63  }
0x41: {  	_ =	swait.ge [sflag:s29], $0x800  }
0x42: {  	[sflag:s29] =	ssyncset.done $0x0  }
0x43: {  	s31 =	simm.s32 $0x200;
	s1 =	simm.s32 $0x800;
	[sflag:s29] =	ssyncadd.s32 $0xFFFFF800  }
.LBB2_2:
0x44: {  	[spmem:s2] =	stream.indirect.scatter.add.f32 [tilespmem:s11], [sflag:$0x1], $0x10, s1, s13, $0xb8;
	[tilespmem:$0x8000] =	vst v63  }
0x45: {  	s1 =	smov.u32 s31;
	p0 =	sne.s32 s31, $0x7E00  }
.Ltmp0:
0x46: {  	s31 =	sadd.s32 $0x200, s31;
	(pc) =	sbr.rel @p0 .LBB2_2-.Ltmp0, $4  }
0x47: {  	_ = 	snop  }
0x48: {  	_ =	swait.ge [sflag:s29], $0x800  }
0x49: {  	s1 =	sshra.s32 s1, $0x2;
	[sflag:s29] =	ssyncset.done $0x0  }
0x4a: {  	s1 =	sadd.s32 $0x800, s1;
	[sflag:s29] =	ssyncadd.s32 $0xFFFFF800  }
0x4b: {  	[spmem:s2] =	stream.indirect.scatter.add.f32 [tilespmem:s11], [sflag:$0x1], $0x10, s1, s13, $0xb8;
	[tilespmem:$0x8000] =	vst v63  }
0x4c: {  	_ =	swait.ge [sflag:s29], $0x800  }
0x4d: {  	[sflag:s29] =	ssyncset.done $0x0  }
0x4e: {  	[sflag:s29] =	ssyncadd.s32 $0xFFFFF800  }
0x4f: {  	_ =	swait.ge [sflag:s29], $0x800  }
0x50: {  	[sflag:s29] =	ssyncset.done $0x0  }
0x51: {  	[sflag:s29] =	ssyncadd.s32 $0xFFFFF800  }
0x52: {  	_ =	swait.ge [sflag:s29], $0x800  }
0x53: {  	[sflag:s29] =	ssyncset.done $0x0  }
0x54: {  	[sflag:s29] =	ssyncadd.s32 $0xFFFFF800  }
0x55: {  	_ =	swait.ge [sflag:s29], $0x800  }
0x56: {  	[sflag:s29] =	ssyncset.done $0x0  }
0x57: {  	[sflag:s29] =	ssyncadd.s32 $0xFFFFF800  }
0x58: {  	_ =	swait.ge [sflag:s29], $0x800  }
0x59: {  	[sflag:s29] =	ssyncset.done $0x0  }
0x5a: {  	[sflag:s29] =	ssyncadd.s32 $0xFFFFF800  }
0x5b: {  	_ =	swait.ge [sflag:s29], $0x800  }
0x5c: {  	[sflag:s29] =	ssyncset.done $0x0  }
0x5d: {  	[sflag:s29] =	ssyncadd.s32 $0xFFFFF800  }
0x5e: {  	_ =	swait.ge [sflag:s29], $0x800  }
0x5f: {  	[sflag:s29] =	ssyncset.done $0x0  }
0x60: {  	[sflag:s29] =	ssyncadd.s32 $0xFFFFF800  }
0x61: {  	_ =	swait.ge [sflag:s29], $0x800  }
0x62: {  	[sflag:s29] =	ssyncset.done $0x0  }
0x63: {  	[sflag:s29] =	ssyncadd.s32 $0xFFFFF800  }
0x64: {  	_ =	swait.ge [sflag:s29], $0x800  }
0x65: {  	[sflag:s29] =	ssyncset.done $0x0  }
0x66: {  	[sflag:s29] =	ssyncadd.s32 $0xFFFFF800  }
0x67: {  	_ =	swait.ge [sflag:s29], $0x800  }
0x68: {  	[sflag:s29] =	ssyncset.done $0x0  }
0x69: {  	[sflag:s29] =	ssyncadd.s32 $0xFFFFF800  }
0x6a: {  	_ =	swait.ge [sflag:s29], $0x800  }
0x6b: {  	[sflag:s29] =	ssyncset.done $0x0  }
0x6c: {  	[sflag:s29] =	ssyncadd.s32 $0xFFFFF800  }
0x6d: {  	_ =	swait.ge [sflag:s29], $0x800  }
0x6e: {  	[sflag:s29] =	ssyncset.done $0x0  }
0x6f: {  	[sflag:s29] =	ssyncadd.s32 $0xFFFFF800  }
0x70: {  	_ =	swait.ge [sflag:s29], $0x800  }
0x71: {  	[sflag:s29] =	ssyncset.done $0x0  }
0x72: {  	[sflag:s29] =	ssyncadd.s32 $0xFFFFF800  }
0x73: {  	_ =	swait.ge [sflag:s29], $0x800  }
0x74: {  	[sflag:s29] =	ssyncset.done $0x0  }
0x75: {  	[sflag:s29] =	ssyncadd.s32 $0xFFFFF800  }
0x76: {  	_ =	swait.ge [sflag:s29], $0x800  }
0x77: {  	[sflag:s29] =	ssyncset.done $0x0  }
0x78: {  	[sflag:s29] =	ssyncadd.s32 $0xFFFFF800  }
0x79: {  	_ =	swait.ge [sflag:s29], $0x800  }
0x7a: {  	[sflag:s29] =	ssyncset.done $0x0  }
0x7b: {  	[sflag:s29] =	ssyncadd.s32 $0xFFFFF800  }
0x7c: {  	[bflag:$0x0] =	sbarrier.arrive $0xFFFF  }
0x7d: {  	[tilespmem:s12], [sflag:$0x2] =	stream.linear.gather [spmem:s7], $0x2800, $0x38;
	[tilespmem:$0x8000] =	vst v63  }
0x7e: {  	s30 =	sadd.s32 $0x1, s30;
	_ =	swait.ge [sflag:s10], $0x2800  }
0x7f: {  	p0 =	sne.s32 s30, s8;
	[sflag:s10] =	ssyncset.done $0x0  }
.Ltmp1:
0x80: {  	[sflag:s10] =	ssyncadd.s32 $0xFFFFD800;
	(pc) =	sbr.rel @p0 .LBB2_1-.Ltmp1, $4  }
0x81: {  	[hbm4b:s9+s3] =	stream.linear.scatter [tilespmem:s12], [sflag:$0x2], $0x2800, $0x38;
	[tilespmem:$0x8000] =	vst v63  }
0x82: {  	_ =	swait.ge [sflag:s10], $0x2800  }
0x83: {  	[sflag:s10] =	ssyncset.done $0x0  }
0x84: {  	[sflag:s10] =	ssyncadd.s32 $0xFFFFD800  }
0x85: {  	_ =	sfence.sel $0x180000  }
0x86: {  	[bflag:$0x0] =	sbarrier.arrive $0xFFFF  }
0x87: {  	_ =	strace $0x90000047  }
0x88: {  	[bflag:$0x2] =	sbarrier.arrive $0xFFFF  }
0x89: {  	p0 =	sne.s32 s0, $0x0;
	s0 =	rddreg [dreg:$0x2]  }
0x8a: {  	s0 =	sadd.s32 @!p0 $0x100000, s0  }
0x8b: {  	[sflag:s0] =	ssyncadd.tile.s32 @!p0 $0x1;
	_ =	shalt  }
.Lfunc_end2:
_tile_overlayer_lowered:
.L_overlay_start_2:
0x8c: {  	(tag) =	ssettag $0x2  }
0x8d: {  	s0 =	rddreg [dreg:$0x0];
	s2 =	stileid.u32  }
0x8e: {  	s1 =	rddreg [dreg:$0x1];
	p0 =	sne.s32 s2, $0x0  }
0x8f: {  	s3 =	rddreg [dreg:$0x2];
	[bflag:$0x3] =	sbarrier.arrive $0xFFFF;
	s2 =	simm.s32 @!p0 $0x1C02  }
0x90: {  	[timem:s3], [sflag:s2] =	dma.local @!p0 [hbm:s0], s1  }
0x91: {  	s0 =	simm.s32 @!p0 $0x2  }
0x92: {  	_ =	swait.ge @!p0 [sflag:s0], s1  }
0x93: {  	s1 =	ssub.s32 @!p0 $0x0, s1;
	[sflag:s0] =	ssyncset.done @!p0 $0x0  }
0x94: {  	[sflag:s0] =	ssyncadd.s32 @!p0 s1  }
0x95: {  	[bflag:$0x3] =	sbarrier.arrive $0xFFFF  }
0x96: {  	_ =	shalt  }

// kernel: kernel.9.cloned.1.call-start
scs
__scs_entry_jumppad:
0x0: {  	(pc) =	sbr.rel $0x88, $3  }
0x1: {  	(tag) =	ssettag $0x0;
	lr =	simm.s32 $0x1  }
0x2: {  	[smem:$0x3F99] =	sst lr;
	_ =	strace $0xD0000000  }
0x3: {  	_ = 	snop  }
0x4: {  	_ = 	snop  }
0x5: {  	_ = 	snop  }
0x6: {  	_ = 	snop  }
0x7: {  	_ = 	snop  }
__scs_overlays_trampoline_lowered:
0x8: {  	[smem:$0x3FA8] =	sst s0  }
0x9: {  	[smem:$0x3FA9] =	sst s1  }
0xa: {  	[smem:$0x3FAA] =	sst s2  }
0xb: {  	[smem:$0x3FAB] =	sst s3  }
0xc: {  	[smem:$0x3FAC] =	sst s4  }
0xd: {  	[smem:$0x3FAD] =	sst s5  }
0xe: {  	[smem:$0x3FAE] =	sst s6  }
0xf: {  	[smem:$0x3FAF] =	sst s7  }
0x10: {  	[smem:$0x3FB0] =	sst s8  }
0x11: {  	[smem:$0x3FB1] =	sst s9;
	s0 =	simm.s32 @!p0 $0x0  }
0x12: {  	s1 =	sld [smem:$0x3F97];
	s0 =	simm.s32 @p0 $0x1  }
0x13: {  	[smem:$0x3FB2] =	sst s0;
	s0 =	simm.s32 @!p1 $0x0  }
0x14: {  	s2 =	sld [smem:$0x3F96];
	s0 =	simm.s32 @p1 $0x1  }
0x15: {  	[smem:$0x3FB3] =	sst s0;
	s0 =	simm.s32 @!p2 $0x0  }
0x16: {  	s3 =	sld [smem:$0x3FDB];
	s0 =	simm.s32 @p2 $0x1  }
0x17: {  	s4 =	simm.s32 $0x1BF5;
	[smem:$0x3FB5] =	sst s0  }
0x18: {  	s0 =	sld [smem:$0x3F98];
	_ =	swait.ge [sflag:s4], $0x0  }
0x19: {  	s7 =	sld [smem:$0x3F99]  }
0x1a: {  	s8 =	sadd.s32 $0xFFFFE003, lr  }
0x1b: {  	s9 =	sadd.s32 $0xFFFFFEF7, lr;
	s5 =	simm.s32 $0xFFFFFFFF;
	p2 =	slt.u32 s8, $0xFFFFF086  }
0x1c: {  	p1 =	slt.u32 s9, $0xF7A;
	s5 =	simm.s32 @!p2 $0x0  }
0x1d: {  	s5 =	simm.s32 @p1 $0x1;
	p0 =	seq.s32 s7, s2  }
0x1e: {  	s7 =	smul.u32 @!p0 $0xF7A, s2;
	p2 =	seq.s32 @!p0 s5, $0x0  }
0x1f: {  	s9 =	smul.u32 $0xF7A, s1;
	s8 =	simm.s32 @!p0 $0x1BF5;
	p2 =	por !p2, p0  }
0x20: {  	[sflag:s8] =	ssyncset.s32 @!p0 $0xFFFFF086;
	s6 =	sadd.s32 @!p0 s3, s7;
	s7 =	simm.s32 @!p0 $0x108  }
0x21: {  	s3 =	sadd.s32 s3, s9;
	s6 =	sadd.s32 @!p0 $0x88, s6;
	s7 =	simm.s32 @p2 $0x1082  }
0x22: {  	[simem:s7], [sflag:s8] =	dma.local @!p0 [hbm:s6], $0xF7A  }
0x23: {  	s9 =	sor.u32 $0xD0000000, s2;
	s6 =	simm.s32 $0x108;
	_ =	swait.ge @!p0 [sflag:s8], $0x0  }
0x24: {  	s3 =	sadd.s32 $0x88, s3;
	s6 =	simm.s32 @!p1 $0x1082;
	[sflag:s4] =	ssyncset.s32 $0xFFFFF086  }
0x25: {  	[simem:s6], [sflag:s4] =	dma.local [hbm:s3], $0xF7A  }
0x26: {  	[smem:$0x3F99] =	sst s1;
	(tag) =	ssettag s2;
	_ =	strace s9  }
0x27: {  	s1 =	sld [smem:$0x3FA9]  }
0x28: {  	s2 =	sld [smem:$0x3FAA]  }
0x29: {  	s4 =	sld [smem:$0x3FAC]  }
0x2a: {  	p0 =	seq.s32 s5, $0x0;
	s5 =	sld [smem:$0x3FAD]  }
0x2b: {  	s6 =	sld [smem:$0x3FAE]  }
0x2c: {  	s7 =	sld [smem:$0x3FAF]  }
0x2d: {  	s3 =	simm.s32 $0x108;
	s8 =	sld [smem:$0x3FB0]  }
0x2e: {  	s3 =	simm.s32 @!p0 $0x1082;
	s9 =	sld [smem:$0x3FB1]  }
0x2f: {  	lr =	sadd.s32 s0, s3;
	s0 =	sld [smem:$0x3FA8]  }
0x30: {  	s3 =	sld [smem:$0x3FAB]  }
0x31: {  	[smem:$0x3FB4] =	sst s10  }
0x32: {  	s10 =	sld [smem:$0x3FB2];
	_ =	sdelay $0x3  }
0x33: {  	p0 =	seq.s32 s10, $0x1;
	s10 =	sld [smem:$0x3FB4];
	_ =	sdelay $0x3  }
0x34: {  	[smem:$0x3FB4] =	sst s10  }
0x35: {  	s10 =	sld [smem:$0x3FB3];
	_ =	sdelay $0x3  }
0x36: {  	p1 =	seq.s32 s10, $0x1;
	s10 =	sld [smem:$0x3FB4];
	_ =	sdelay $0x3  }
0x37: {  	[smem:$0x3FB4] =	sst s10  }
0x38: {  	s10 =	sld [smem:$0x3FB5]  }
0x39: {  	_ = 	snop;
	(pc) =	sbr.ind lr, $3  }
0x3a: {  	_ = 	snop  }
0x3b: {  	_ = 	snop  }
0x3c: {  	p2 =	seq.s32 s10, $0x1;
	s10 =	sld [smem:$0x3FB4]  }
0x3d: {  	_ =	shalt  }
0x3e: {  	_ =	shalt  }
0x3f: {  	_ =	shalt  }
0x40: {  	_ =	shalt  }
0x41: {  	_ =	shalt  }
0x42: {  	_ =	shalt  }
0x43: {  	_ =	shalt  }
0x44: {  	_ =	shalt  }
0x45: {  	_ =	shalt  }
0x46: {  	_ =	shalt  }
0x47: {  	_ =	shalt  }
0x48: {  	_ =	shalt  }
0x49: {  	_ =	shalt  }
0x4a: {  	_ =	shalt  }
0x4b: {  	_ =	shalt  }
0x4c: {  	_ =	shalt  }
0x4d: {  	_ =	shalt  }
0x4e: {  	_ =	shalt  }
0x4f: {  	_ =	shalt  }
0x50: {  	_ =	shalt  }
0x51: {  	_ =	shalt  }
0x52: {  	_ =	shalt  }
0x53: {  	_ =	shalt  }
0x54: {  	_ =	shalt  }
0x55: {  	_ =	shalt  }
0x56: {  	_ =	shalt  }
0x57: {  	_ =	shalt  }
0x58: {  	_ =	shalt  }
0x59: {  	_ =	shalt  }
0x5a: {  	_ =	shalt  }
0x5b: {  	_ =	shalt  }
0x5c: {  	_ =	shalt  }
0x5d: {  	_ =	shalt  }
0x5e: {  	_ =	shalt  }
0x5f: {  	_ =	shalt  }
0x60: {  	_ =	shalt  }
0x61: {  	_ =	shalt  }
0x62: {  	_ =	shalt  }
0x63: {  	_ =	shalt  }
0x64: {  	_ =	shalt  }
0x65: {  	_ =	shalt  }
0x66: {  	_ =	shalt  }
0x67: {  	_ =	shalt  }
0x68: {  	_ =	shalt  }
0x69: {  	_ =	shalt  }
0x6a: {  	_ =	shalt  }
0x6b: {  	_ =	shalt  }
0x6c: {  	_ =	shalt  }
0x6d: {  	_ =	shalt  }
0x6e: {  	_ =	shalt  }
0x6f: {  	_ =	shalt  }
0x70: {  	_ =	shalt  }
0x71: {  	_ =	shalt  }
0x72: {  	_ =	shalt  }
0x73: {  	_ =	shalt  }
0x74: {  	_ =	shalt  }
0x75: {  	_ =	shalt  }
0x76: {  	_ =	shalt  }
0x77: {  	_ =	shalt  }
0x78: {  	_ =	shalt  }
0x79: {  	_ =	shalt  }
0x7a: {  	_ =	shalt  }
0x7b: {  	_ =	shalt  }
0x7c: {  	_ =	shalt  }
0x7d: {  	_ =	shalt  }
0x7e: {  	_ =	shalt  }
0x7f: {  	_ =	shalt  }
0x80: {  	_ =	shalt  }
0x81: {  	_ =	shalt  }
0x82: {  	_ =	shalt  }
0x83: {  	_ =	shalt  }
0x84: {  	_ =	shalt  }
0x85: {  	_ =	shalt  }
0x86: {  	_ =	shalt  }
0x87: {  	_ =	shalt  }
.Lfunc_end0:
.L_simem_size_0:
called_computation.1_lowered:
.L_overlay_start_0:
0x88: {  	s2 =	sld [smem:$0x3FD9]  }
0x89: {  	s3 =	sld [smem:$0x3FFE];
	_ =	sdelay $0x1  }
0x8a: {  	s1 =	srdreg.scid  }
0x8b: {  	s0 =	sand.u32 $0x1, s1  }
0x8c: {  	s17 =	sshll.u32 s0, $0xA;
	s2 =	sadd.s32 s3, s2  }
0x8d: {  	s2 =	sadd.s32 s2, s17  }
0x8e: {  	[smem:$0x3FC0] =	sst s2  }
0x8f: {  	_ = 	snop  }
0x90: {  	s2 =	sld [smem:$0x3FD0];
	(tm) =	ssettm $0x1  }
0x91: {  	s18 =	sld [smem:$0x3FFB];
	_ =	sdelay $0x3  }
0x92: {  	_ =	strace s18  }
0x93: {  	s3 =	sld [smem:$0x3FFC];
	_ =	sdelay $0x3  }
0x94: {  	_ =	strace s3  }
0x95: {  	s3 =	sld [smem:$0x3FFD];
	_ =	sdelay $0x3  }
0x96: {  	_ =	strace s3  }
0x97: {  	_ =	strace $0x8FFFFFFF  }
0x98: {  	s19 =	sld [smem:$0x3FDB];
	_ =	sdelay $0x1  }
0x99: {  	s4 =	simm.s32 $_scs_section_size  }
0x9a: {  	s5 =	simm.s32 $_size__tile_overlayer_lowered;
	s6 =	simm.s32 $_tile_overlayer_lowered  }
0x9b: {  	s22 =	simm.s32 $0x1BFF;
	s21 =	sshll.u32 s6, $0x1;
	s3 =	sadd.s32 s4, s19  }
0x9c: {  	s7 =	simm.s32 $0x0;
	s20 =	sshll.u32 s5, $0x1;
	s5 =	sadd.s32 s21, s3  }
0x9d: {  	[timem:s7], [sflag:s22] =	dma.local [hbm:s5], s20  }
0x9e: {  	_ =	swait.ge [sflag:s22], s20  }
0x9f: {  	s4 =	ssub.s32 $0x0, s20;
	[sflag:s22] =	ssyncset.done $0x0  }
0xa0: {  	[sflag:s22] =	ssyncadd.s32 s4;
	_ =	sdelay $0x1  }
0xa1: {  	s23 =	simm.s32 $0x1B8B  }
0xa2: {  	_ =	swait.ge [sflag:s23], $0x1  }
0xa3: {  	[sflag:s23] =	ssyncset.done $0x0  }
0xa4: {  	s25 =	simm.s32 $0x1B8E;
	s24 =	sld [smem:$0x3FFE];
	[sflag:s23] =	ssyncadd.s32 $0xFFFFFFFF  }
0xa5: {  	s26 =	simm.s32 $execute0_lowered;
	[smem:$0x3FD2] =	sst s25  }
0xa6: {  	s5 =	sshll.u32 s26, $0x1;
	_ =	strace $0x80000049;
	[dreg:$0x1] =	wrdreg $0xFFFFFFFF  }
0xa7: {  	s28 =	simm.s32 $_size_execute0_lowered;
	s3 =	sadd.s32 s3, s5;
	[dreg:$0x0] =	wrdreg $0x0  }
0xa8: {  	s5 =	sshll.u32 s28, $0x1;
	[dreg:$0x2] =	wrdreg s3  }
0xa9: {  	[dreg:$0x3] =	wrdreg s5  }
0xaa: {  	[dreg:$0x4] =	wrdreg $0xC0  }
0xab: {  	_ =	task [dreg:s7], $0x5FFFF  }
0xac: {  	[dreg:$0x1] =	wrdreg $0xFFFFFFFF  }
0xad: {  	[dreg:$0x0] =	wrdreg $0x60  }
0xae: {  	[dreg:$0x2] =	wrdreg s24  }
0xaf: {  	[dreg:$0x3] =	wrdreg s2  }
0xb0: {  	[dreg:$0x4] =	wrdreg $0x150000  }
0xb1: {  	[dreg:$0x5] =	wrdreg $0x9  }
0xb2: {  	_ =	task.clear_ibuf [dreg:s7], $0x6FFFF;
	_ =	strace $0x90000049  }
0xb3: {  	s29 =	simm.s32 $0x9;
	_ =	strace $0x8000004B  }
0xb4: {  	_ =	swait.ge [sflag:s29], $0x1  }
0xb5: {  	[sflag:s29] =	ssyncadd.s32 $0xFFFFFFFF  }
0xb6: {  	_ =	strace $0x9000004B  }
0xb7: {  	_ =	sfence  }
0xb8: {  	s30 =	sld [smem:$0x0];
	_ =	sdelay $0x2  }
0xb9: {  	s31 =	sshll.u32 s1, $0xD;
	s1 =	sshrl.u32 s1, $0x2  }
0xba: {  	s3 =	sand.u32 $0x4000, s31;
	s1 =	sadd.s32 s1, s30  }
0xbb: {  	s0 =	sor.u32 s3, s0;
	s1 =	sshll.u32 s1, $0x11  }
0xbc: {  	s0 =	sor.u32 s1, s0  }
0xbd: {  	s0 =	sadd.s32 $0x8F2B, s0  }
0xbe: {  	[sflag:s0] =	ssyncadd.remote.s32 $0x1  }
0xbf: {  	_ =	sfence.sel $0xFFFF  }
0xc0: {  	[dreg:$0x0] =	wrdreg $0xFFFFFFFF;
	(pc) =	sbr.abs _section_cstart, $3  }
0xc1: {  	[dreg:$0x1] =	wrdreg $0xFFFFFFFF  }
0xc2: {  	_ =	task.clear_ibuf [dreg:s7], $0x2FFFF;
	_ =	strace $0x9FFFFFFF  }
0xc3: {  	(tm) =	ssettm $0x7FFFFFFF  }
tec
execute0_lowered:
.L_overlay_start_1:
0x0: {  	(tag) =	ssettag $0x1  }
0x1: {  	s0 =	rddreg [dreg:$0x0]  }
0x2: {  	s2 =	rddreg [dreg:$0x1]  }
0x3: {  	s1 =	rddreg [dreg:$0x2];
	s3 =	simm.s32 $0x0  }
0x4: {  	s15 =	srdreg.scid;
	s11 =	stileid.u32;
	s14 =	simm.s32 $0x11  }
0x5: {  	s30 =	simm.s32 $0xF000;
	s31 =	simm.s32 $0x3;
	s12 =	simm.s32 $0xB  }
0x6: {  	s28 =	simm.s32 $0x8;
	s29 =	simm.s32 $0xC;
	s16 =	smul.u32 $0x14000, s11  }
0x7: {  	[smem:$0x7FF] =	sst s3;
	s4 =	sadd.s32 $0xC600, s0;
	s8 =	smul.u32 $0x28000, s11  }
0x8: {  	s6 =	sand.u32 $0x1, s15;
	s5 =	sadd.s32 $0x2600, s0;
	s10 =	smul.u32 $0x5000, s11  }
0x9: {  	s7 =	sadd.s32 $0x34600, s0;
	s21 =	sshll.u32 s11, $0x6;
	s22 =	smul.u32 $0xA00, s11  }
0xa: {  	s11 =	simm.s32 $0x7;
	_ =	strace $0x8000004A;
	[dreg:$0x4] =	wrdreg s7  }
0xb: {  	s17 =	sshll.u32 s6, $0x6;
	s18 =	ssub.s32 $0x2, s6;
	s13 =	sor.u32 $0x1C11, s21  }
0xc: {  	s21 =	simm.s32 $0x13000;
	v0 =	vmov s6;
	s6 =	simm.s32 $0x0;
	s3 =	sor.u32 s17, s16  }
0xd: {  	s9 =	sshrl.u32 s18, $0x1;
	s20 =	sshrl.u32 s8, $0x2;
	s10 =	sshrl.u32 s10, $0x3  }
0xe: {  	s24 =	sadd.s32 s2, s22;
	s16 =	simm.s32 $0x80;
	[dreg:$0xd] =	wrdreg s6  }
0xf: {  	s17 =	simm.s32 $0x5000;
	s8 =	simm.s32 $0x5;
	[dreg:$0x5] =	wrdreg s13  }
0x10: {  	s3 =	sshrl.u32 s3, $0x3;
	s19 =	ssub.s32 s18, s9;
	s7 =	sadd.s32 s20, s1  }
0x11: {  	s23 =	sadd.s32 $0x500, s10;
	[dreg:$0x6] =	wrdreg s24;
	s9 =	sadd.s32 s5, s22  }
0x12: {  	s18 =	simm.s32 $0x7000;
	s20 =	simm.s32 $0x9000;
	s22 =	simm.s32 $0xB000  }
0x13: {  	s10 =	simm.s32 $0x6;
	s24 =	simm.s32 $0xA;
	s0 =	sadd.s32 s3, s0  }
0x14: {  	[dreg:$0x7] =	wrdreg s9;
	s2 =	sadd.s32 s2, s23;
	s25 =	sadd.s32 s5, s23  }
0x15: {  	s26 =	smax.u32 s19, $0x1;
	s15 =	sshrl.u32 s7, $0x3;
	s23 =	simm.s32 $0x1  }
0x16: {  	s3 =	simm.s32 $0x11000;
	s5 =	simm.s32 $0x4;
	[dreg:$0x8] =	wrdreg s2  }
0x17: {  	s9 =	simm.s32 $0x9;
	s19 =	simm.s32 $0xF;
	[dreg:$0x9] =	wrdreg s25  }
0x18: {  	s7 =	simm.s32 $0x10;
	s0 =	sadd.s32 $0x35A00, s0;
	[dreg:$0xb] =	wrdreg s26  }
0x19: {  	s25 =	simm.s32 $0xD000;
	s26 =	simm.s32 $0x2;
	[dreg:$0xc] =	wrdreg s15  }
0x1a: {  	s2 =	simm.s32 $0xE;
	[dreg:$0xa] =	wrdreg s0;
	s0 =	simm.s32 $0xD  }
.LBB2_1:
0x1b: {  	s6 =	rddreg [dreg:$0x4]  }
0x1c: {  	[spmem:s15], [sflag:s13] =	dma.local [hbm:s6], $0x1400  }
0x1d: {  	_ =	swait.ge [sflag:s14], $0x1400  }
0x1e: {  	[sflag:s14] =	ssyncset.done $0x0  }
0x1f: {  	[sflag:s14] =	ssyncadd.s32 $0xFFFFEC00  }
0x20: {  	[bflag:$0x0] =	sbarrier.arrive $0xFFFF  }
0x21: {  	s6 =	simm.s32 $0x0;
	s15 =	rddreg [dreg:$0x6]  }
0x22: {  	[tilespmem:s6], [sflag:$0x11] =	stream.linear.gather [hbm4b:s15+s6], $0x2800, $0x38;
	[tilespmem:$0x1F000] =	vst v63  }
0x23: {  	_ =	swait.ge [sflag:s14], $0x2800  }
0x24: {  	[sflag:s14] =	ssyncset.done $0x0  }
0x25: {  	s15 =	simm.s32 $0x2800;
	s13 =	rddreg [dreg:$0x7];
	[sflag:s14] =	ssyncadd.s32 $0xFFFFD800  }
0x26: {  	[tilespmem:s15], [sflag:$0x11] =	stream.linear.gather [hbm4b:s13+s6], $0x2800, $0x38;
	[tilespmem:$0x1F000] =	vst v63  }
0x27: {  	_ =	swait.ge [sflag:s14], $0x2800  }
0x28: {  	[sflag:s14] =	ssyncset.done $0x0  }
0x29: {  	s13 =	simm.s32 $0x0;
	[sflag:s14] =	ssyncadd.s32 $0xFFFFD800  }
0x2a: {  	v2 =	vld [tilespmem:s13+$0x0]  }
0x2b: {  	v3 =	vld [tilespmem:s13+$0x10]  }
0x2c: {  	v5 =	vld [tilespmem:s13+$0x20]  }
0x2d: {  	v4 =	vld [tilespmem:s13+$0x30]  }
0x2e: {  	v1 =	vld [tilespmem:s13+$0x40]  }
0x2f: {  	v6 =	vshll.u32 v2, $0x1;
	v2 =	vld [tilespmem:s13+$0x50]  }
0x30: {  	s15 =	simm.s32 $0x200;
	v7 =	vshll.u32 v3, $0x1;
	v3 =	vld [tilespmem:s13+$0x60];
	v6 =	vor.u32 v0, v6  }
.LBB2_2:
0x31: {  	s6 =	sshra.s32 s15, $0x2;
	p0 =	sne.s32 s15, $0x9E00;
	[tilespmem:s13+$0x0] =	vst v6;
	v6 =	vor.u32 v0, v7;
	v5 =	vshll.u32 v5, $0x1;
	v7 =	vld [tilespmem:s13+$0x70]  }
0x32: {  	v8 =	vld [tilespmem:s6+$0x0];
	[tilespmem:s13+$0x10] =	vst v6;
	v5 =	vor.u32 v0, v5;
	v4 =	vshll.u32 v4, $0x1  }
0x33: {  	v9 =	vld [tilespmem:s6+$0x10];
	[tilespmem:s13+$0x20] =	vst v5;
	v4 =	vor.u32 v0, v4;
	v1 =	vshll.u32 v1, $0x1  }
.Ltmp0:
0x34: {  	v5 =	vld [tilespmem:s6+$0x20];
	[tilespmem:s13+$0x30] =	vst v4;
	v1 =	vor.u32 v0, v1;
	v2 =	vshll.u32 v2, $0x1;
	(pc) =	sbr.rel @p0 .LBB2_2-.Ltmp0, $4  }
0x35: {  	v4 =	vld [tilespmem:s6+$0x30];
	[tilespmem:s13+$0x40] =	vst v1;
	v2 =	vor.u32 v0, v2;
	v3 =	vshll.u32 v3, $0x1  }
0x36: {  	v1 =	vld [tilespmem:s6+$0x40];
	[tilespmem:s13+$0x50] =	vst v2;
	v3 =	vor.u32 v0, v3;
	v6 =	vshll.u32 v7, $0x1  }
0x37: {  	v7 =	vshll.u32 v8, $0x1;
	v2 =	vld [tilespmem:s6+$0x50];
	[tilespmem:s13+$0x60] =	vst v3;
	v8 =	vor.u32 v0, v6  }
0x38: {  	s15 =	sadd.s32 $0x200, s15;
	v6 =	vor.u32 v0, v7;
	v7 =	vshll.u32 v9, $0x1;
	v3 =	vld [tilespmem:s6+$0x60];
	[tilespmem:s13+$0x70] =	vst v8;
	s13 =	smov.u32 s6  }
0x39: {  	[tilespmem:s13+$0x0] =	vst v6;
	v62 =	vor.u32 v0, v7;
	v5 =	vshll.u32 v5, $0x1;
	v63 =	vld [tilespmem:s13+$0x70]  }
0x3a: {  	[tilespmem:s13+$0x10] =	vst v62;
	v5 =	vor.u32 v0, v5;
	v4 =	vshll.u32 v4, $0x1  }
0x3b: {  	[tilespmem:s13+$0x20] =	vst v5;
	v4 =	vor.u32 v0, v4;
	v1 =	vshll.u32 v1, $0x1  }
0x3c: {  	[tilespmem:s13+$0x30] =	vst v4;
	v1 =	vor.u32 v0, v1;
	v2 =	vshll.u32 v2, $0x1  }
0x3d: {  	[tilespmem:s13+$0x40] =	vst v1;
	v1 =	vor.u32 v0, v2;
	v2 =	vshll.u32 v3, $0x1  }
0x3e: {  	[tilespmem:s13+$0x50] =	vst v1;
	v1 =	vor.u32 v0, v2;
	v2 =	vshll.u32 v63, $0x1  }
0x3f: {  	[tilespmem:s13+$0x60] =	vst v1;
	v1 =	vor.u32 v0, v2  }
0x40: {  	s6 =	simm.s32 $0x0;
	[tilespmem:s13+$0x70] =	vst v1  }
0x41: {  	[tilespmem:s17], [sflag:$0x1] =	stream.indirect.gather [hbm4b:s4+s16], $0x40, s6, s16, $0xb8;
	[tilespmem:$0x1F000] =	vst v63  }
0x42: {  	_ = 	snop  }
0x43: {  	[tilespmem:s18], [sflag:$0x2] =	stream.indirect.gather [hbm4b:s4+s16], $0x40, s16, s16, $0xb8;
	[tilespmem:$0x1F000] =	vst v63  }
0x44: {  	s15 =	simm.s32 $0x100  }
0x45: {  	[tilespmem:s20], [sflag:$0x3] =	stream.indirect.gather [hbm4b:s4+s16], $0x40, s15, s16, $0xb8;
	[tilespmem:$0x1F000] =	vst v63  }
0x46: {  	s13 =	simm.s32 $0x180  }
0x47: {  	[tilespmem:s22], [sflag:$0x4] =	stream.indirect.gather [hbm4b:s4+s16], $0x40, s13, s16, $0xb8;
	[tilespmem:$0x1F000] =	vst v63  }
0x48: {  	_ =	swait.ge [sflag:s23], $0x2000  }
0x49: {  	[sflag:s23] =	ssyncset.done $0x0  }
0x4a: {  	s15 =	simm.s32 $0x2800;
	[sflag:s23] =	ssyncadd.s32 $0xFFFFE000  }
0x4b: {  	[spmem:s1] =	stream.indirect.scatter.add.f32 [tilespmem:s17], [sflag:$0x9], $0x40, s15, s16, $0xb8;
	[tilespmem:$0x1F000] =	vst v63  }
0x4c: {  	s13 =	simm.s32 $0x200  }
0x4d: {  	[tilespmem:s25], [sflag:$0x5] =	stream.indirect.gather [hbm4b:s4+s16], $0x40, s13, s16, $0xb8;
	[tilespmem:$0x1F000] =	vst v63  }
0x4e: {  	_ =	swait.ge [sflag:s26], $0x2000  }
0x4f: {  	[sflag:s26] =	ssyncset.done $0x0  }
0x50: {  	s15 =	simm.s32 $0x2880;
	[sflag:s26] =	ssyncadd.s32 $0xFFFFE000  }
0x51: {  	[spmem:s1] =	stream.indirect.scatter.add.f32 [tilespmem:s18], [sflag:$0xA], $0x40, s15, s16, $0xb8;
	[tilespmem:$0x1F000] =	vst v63  }
0x52: {  	s13 =	simm.s32 $0x280  }
0x53: {  	[tilespmem:s30], [sflag:$0x6] =	stream.indirect.gather [hbm4b:s4+s16], $0x40, s13, s16, $0xb8;
	[tilespmem:$0x1F000] =	vst v63  }
0x54: {  	_ =	swait.ge [sflag:s31], $0x2000  }
0x55: {  	[sflag:s31] =	ssyncset.done $0x0  }
0x56: {  	s15 =	simm.s32 $0x2900;
	[sflag:s31] =	ssyncadd.s32 $0xFFFFE000  }
0x57: {  	[spmem:s1] =	stream.indirect.scatter.add.f32 [tilespmem:s20], [sflag:$0xB], $0x40, s15, s16, $0xb8;
	[tilespmem:$0x1F000] =	vst v63  }
0x58: {  	s13 =	simm.s32 $0x300  }
0x59: {  	[tilespmem:s3], [sflag:$0x7] =	stream.indirect.gather [hbm4b:s4+s16], $0x40, s13, s16, $0xb8;
	[tilespmem:$0x1F000] =	vst v63  }
0x5a: {  	_ =	swait.ge [sflag:s5], $0x2000  }
0x5b: {  	[sflag:s5] =	ssyncset.done $0x0  }
0x5c: {  	s15 =	simm.s32 $0x2980;
	[sflag:s5] =	ssyncadd.s32 $0xFFFFE000  }
0x5d: {  	[spmem:s1] =	stream.indirect.scatter.add.f32 [tilespmem:s22], [sflag:$0xC], $0x40, s15, s16, $0xb8;
	[tilespmem:$0x1F000] =	vst v63  }
0x5e: {  	s13 =	simm.s32 $0x380  }
0x5f: {  	[tilespmem:s21], [sflag:$0x8] =	stream.indirect.gather [hbm4b:s4+s16], $0x40, s13, s16, $0xb8;
	[tilespmem:$0x1F000] =	vst v63  }
0x60: {  	_ =	swait.ge [sflag:s8], $0x2000  }
0x61: {  	[sflag:s8] =	ssyncset.done $0x0  }
0x62: {  	s15 =	simm.s32 $0x2A00;
	[sflag:s8] =	ssyncadd.s32 $0xFFFFE000  }
0x63: {  	[spmem:s1] =	stream.indirect.scatter.add.f32 [tilespmem:s25], [sflag:$0xD], $0x40, s15, s16, $0xb8;
	[tilespmem:$0x1F000] =	vst v63  }
0x64: {  	_ =	swait.ge [sflag:s9], $0x2000  }
0x65: {  	[sflag:s9] =	ssyncset.done $0x0  }
0x66: {  	s13 =	simm.s32 $0x400;
	[sflag:s9] =	ssyncadd.s32 $0xFFFFE000  }
0x67: {  	[tilespmem:s17], [sflag:$0x1] =	stream.indirect.gather [hbm4b:s4+s16], $0x40, s13, s16, $0xb8;
	[tilespmem:$0x1F000] =	vst v63  }
0x68: {  	_ =	swait.ge [sflag:s10], $0x2000  }
0x69: {  	[sflag:s10] =	ssyncset.done $0x0  }
0x6a: {  	s15 =	simm.s32 $0x2A80;
	[sflag:s10] =	ssyncadd.s32 $0xFFFFE000  }
0x6b: {  	[spmem:s1] =	stream.indirect.scatter.add.f32 [tilespmem:s30], [sflag:$0xE], $0x40, s15, s16, $0xb8;
	[tilespmem:$0x1F000] =	vst v63  }
0x6c: {  	_ =	swait.ge [sflag:s24], $0x2000  }
0x6d: {  	[sflag:s24] =	ssyncset.done $0x0  }
0x6e: {  	s13 =	simm.s32 $0x480;
	[sflag:s24] =	ssyncadd.s32 $0xFFFFE000  }
0x6f: {  	[tilespmem:s18], [sflag:$0x2] =	stream.indirect.gather [hbm4b:s4+s16], $0x40, s13, s16, $0xb8;
	[tilespmem:$0x1F000] =	vst v63  }
0x70: {  	_ =	swait.ge [sflag:s11], $0x2000  }
0x71: {  	[sflag:s11] =	ssyncset.done $0x0  }
0x72: {  	s15 =	simm.s32 $0x2B00;
	[sflag:s11] =	ssyncadd.s32 $0xFFFFE000  }
0x73: {  	[spmem:s1] =	stream.indirect.scatter.add.f32 [tilespmem:s3], [sflag:$0xF], $0x40, s15, s16, $0xb8;
	[tilespmem:$0x1F000] =	vst v63  }
0x74: {  	_ =	swait.ge [sflag:s12], $0x2000  }
0x75: {  	[sflag:s12] =	ssyncset.done $0x0  }
0x76: {  	s13 =	simm.s32 $0x500;
	[sflag:s12] =	ssyncadd.s32 $0xFFFFE000  }
0x77: {  	[tilespmem:s20], [sflag:$0x3] =	stream.indirect.gather [hbm4b:s4+s16], $0x40, s13, s16, $0xb8;
	[tilespmem:$0x1F000] =	vst v63  }
0x78: {  	_ =	swait.ge [sflag:s28], $0x2000  }
0x79: {  	[sflag:s28] =	ssyncset.done $0x0  }
0x7a: {  	s15 =	simm.s32 $0x2B80;
	[sflag:s28] =	ssyncadd.s32 $0xFFFFE000  }
0x7b: {  	[spmem:s1] =	stream.indirect.scatter.add.f32 [tilespmem:s21], [sflag:$0x10], $0x40, s15, s16, $0xb8;
	[tilespmem:$0x1F000] =	vst v63  }
0x7c: {  	_ =	swait.ge [sflag:s29], $0x2000  }
0x7d: {  	[sflag:s29] =	ssyncset.done $0x0  }
0x7e: {  	s13 =	simm.s32 $0x580;
	[sflag:s29] =	ssyncadd.s32 $0xFFFFE000  }
0x7f: {  	[tilespmem:s22], [sflag:$0x4] =	stream.indirect.gather [hbm4b:s4+s16], $0x40, s13, s16, $0xb8;
	[tilespmem:$0x1F000] =	vst v63  }
0x80: {  	_ =	swait.ge [sflag:s23], $0x2000  }
0x81: {  	[sflag:s23] =	ssyncset.done $0x0  }
0x82: {  	s15 =	simm.s32 $0x2C00;
	[sflag:s23] =	ssyncadd.s32 $0xFFFFE000  }
0x83: {  	[spmem:s1] =	stream.indirect.scatter.add.f32 [tilespmem:s17], [sflag:$0x9], $0x40, s15, s16, $0xb8;
	[tilespmem:$0x1F000] =	vst v63  }
0x84: {  	_ =	swait.ge [sflag:s0], $0x2000  }
0x85: {  	[sflag:s0] =	ssyncset.done $0x0  }
0x86: {  	s13 =	simm.s32 $0x600;
	[sflag:s0] =	ssyncadd.s32 $0xFFFFE000  }
0x87: {  	[tilespmem:s25], [sflag:$0x5] =	stream.indirect.gather [hbm4b:s4+s16], $0x40, s13, s16, $0xb8;
	[tilespmem:$0x1F000] =	vst v63  }
0x88: {  	_ =	swait.ge [sflag:s26], $0x2000  }
0x89: {  	[sflag:s26] =	ssyncset.done $0x0  }
0x8a: {  	s15 =	simm.s32 $0x2C80;
	[sflag:s26] =	ssyncadd.s32 $0xFFFFE000  }
0x8b: {  	[spmem:s1] =	stream.indirect.scatter.add.f32 [tilespmem:s18], [sflag:$0xA], $0x40, s15, s16, $0xb8;
	[tilespmem:$0x1F000] =	vst v63  }
0x8c: {  	_ =	swait.ge [sflag:s2], $0x2000  }
0x8d: {  	[sflag:s2] =	ssyncset.done $0x0  }
0x8e: {  	s13 =	simm.s32 $0x680;
	[sflag:s2] =	ssyncadd.s32 $0xFFFFE000  }
0x8f: {  	[tilespmem:s30], [sflag:$0x6] =	stream.indirect.gather [hbm4b:s4+s16], $0x40, s13, s16, $0xb8;
	[tilespmem:$0x1F000] =	vst v63  }
0x90: {  	_ =	swait.ge [sflag:s31], $0x2000  }
0x91: {  	[sflag:s31] =	ssyncset.done $0x0  }
0x92: {  	s15 =	simm.s32 $0x2D00;
	[sflag:s31] =	ssyncadd.s32 $0xFFFFE000  }
0x93: {  	[spmem:s1] =	stream.indirect.scatter.add.f32 [tilespmem:s20], [sflag:$0xB], $0x40, s15, s16, $0xb8;
	[tilespmem:$0x1F000] =	vst v63  }
0x94: {  	_ =	swait.ge [sflag:s19], $0x2000  }
0x95: {  	[sflag:s19] =	ssyncset.done $0x0  }
0x96: {  	s13 =	simm.s32 $0x700;
	[sflag:s19] =	ssyncadd.s32 $0xFFFFE000  }
0x97: {  	[tilespmem:s3], [sflag:$0x7] =	stream.indirect.gather [hbm4b:s4+s16], $0x40, s13, s16, $0xb8;
	[tilespmem:$0x1F000] =	vst v63  }
0x98: {  	_ =	swait.ge [sflag:s5], $0x2000  }
0x99: {  	[sflag:s5] =	ssyncset.done $0x0  }
0x9a: {  	s15 =	simm.s32 $0x2D80;
	[sflag:s5] =	ssyncadd.s32 $0xFFFFE000  }
0x9b: {  	[spmem:s1] =	stream.indirect.scatter.add.f32 [tilespmem:s22], [sflag:$0xC], $0x40, s15, s16, $0xb8;
	[tilespmem:$0x1F000] =	vst v63  }
0x9c: {  	_ =	swait.ge [sflag:s7], $0x2000  }
0x9d: {  	[sflag:s7] =	ssyncset.done $0x0  }
0x9e: {  	s13 =	simm.s32 $0x780;
	s15 =	simm.s32 $0x1000;
	[sflag:s7] =	ssyncadd.s32 $0xFFFFE000  }
.LBB2_4:
0x9f: {  	[tilespmem:s21], [sflag:$0x8] =	stream.indirect.gather [hbm4b:s4+s16], $0x40, s13, s16, $0xb8;
	[tilespmem:$0x1F000] =	vst v63  }
0xa0: {  	s6 =	smov.u32 s15  }
0xa1: {  	p0 =	sne.s32 s15, $0x8000;
	s15 =	sadd.s32 $0x1000, s15;
	_ =	swait.ge [sflag:s8], $0x2000  }
0xa2: {  	s13 =	sshra.s32 s6, $0x2;
	[sflag:s8] =	ssyncset.done $0x0  }
0xa3: {  	s6 =	sadd.s32 $0x2A00, s13;
	[sflag:s8] =	ssyncadd.s32 $0xFFFFE000  }
0xa4: {  	[spmem:s1] =	stream.indirect.scatter.add.f32 [tilespmem:s25], [sflag:$0xD], $0x40, s6, s16, $0xb8;
	[tilespmem:$0x1F000] =	vst v63  }
0xa5: {  	_ =	swait.ge [sflag:s9], $0x2000  }
0xa6: {  	[sflag:s9] =	ssyncset.done $0x0  }
0xa7: {  	s6 =	sadd.s32 $0x400, s13;
	[sflag:s9] =	ssyncadd.s32 $0xFFFFE000  }
0xa8: {  	[tilespmem:s17], [sflag:$0x1] =	stream.indirect.gather [hbm4b:s4+s16], $0x40, s6, s16, $0xb8;
	[tilespmem:$0x1F000] =	vst v63  }
0xa9: {  	_ =	swait.ge [sflag:s10], $0x2000  }
0xaa: {  	[sflag:s10] =	ssyncset.done $0x0  }
0xab: {  	s6 =	sadd.s32 $0x2A80, s13;
	[sflag:s10] =	ssyncadd.s32 $0xFFFFE000  }
0xac: {  	[spmem:s1] =	stream.indirect.scatter.add.f32 [tilespmem:s30], [sflag:$0xE], $0x40, s6, s16, $0xb8;
	[tilespmem:$0x1F000] =	vst v63  }
0xad: {  	_ =	swait.ge [sflag:s24], $0x2000  }
0xae: {  	[sflag:s24] =	ssyncset.done $0x0  }
0xaf: {  	s6 =	sadd.s32 $0x480, s13;
	[sflag:s24] =	ssyncadd.s32 $0xFFFFE000  }
0xb0: {  	[tilespmem:s18], [sflag:$0x2] =	stream.indirect.gather [hbm4b:s4+s16], $0x40, s6, s16, $0xb8;
	[tilespmem:$0x1F000] =	vst v63  }
0xb1: {  	_ =	swait.ge [sflag:s11], $0x2000  }
0xb2: {  	[sflag:s11] =	ssyncset.done $0x0  }
0xb3: {  	s6 =	sadd.s32 $0x2B00, s13;
	[sflag:s11] =	ssyncadd.s32 $0xFFFFE000  }
0xb4: {  	[spmem:s1] =	stream.indirect.scatter.add.f32 [tilespmem:s3], [sflag:$0xF], $0x40, s6, s16, $0xb8;
	[tilespmem:$0x1F000] =	vst v63  }
0xb5: {  	_ =	swait.ge [sflag:s12], $0x2000  }
0xb6: {  	[sflag:s12] =	ssyncset.done $0x0  }
0xb7: {  	s6 =	sadd.s32 $0x500, s13;
	[sflag:s12] =	ssyncadd.s32 $0xFFFFE000  }
0xb8: {  	[tilespmem:s20], [sflag:$0x3] =	stream.indirect.gather [hbm4b:s4+s16], $0x40, s6, s16, $0xb8;
	[tilespmem:$0x1F000] =	vst v63  }
0xb9: {  	_ =	swait.ge [sflag:s28], $0x2000  }
0xba: {  	[sflag:s28] =	ssyncset.done $0x0  }
0xbb: {  	s6 =	sadd.s32 $0x2B80, s13;
	[sflag:s28] =	ssyncadd.s32 $0xFFFFE000  }
0xbc: {  	[spmem:s1] =	stream.indirect.scatter.add.f32 [tilespmem:s21], [sflag:$0x10], $0x40, s6, s16, $0xb8;
	[tilespmem:$0x1F000] =	vst v63  }
0xbd: {  	_ =	swait.ge [sflag:s29], $0x2000  }
0xbe: {  	[sflag:s29] =	ssyncset.done $0x0  }
0xbf: {  	s6 =	sadd.s32 $0x580, s13;
	[sflag:s29] =	ssyncadd.s32 $0xFFFFE000  }
0xc0: {  	[tilespmem:s22], [sflag:$0x4] =	stream.indirect.gather [hbm4b:s4+s16], $0x40, s6, s16, $0xb8;
	[tilespmem:$0x1F000] =	vst v63  }
0xc1: {  	_ =	swait.ge [sflag:s23], $0x2000  }
0xc2: {  	[sflag:s23] =	ssyncset.done $0x0  }
0xc3: {  	s6 =	sadd.s32 $0x2C00, s13;
	[sflag:s23] =	ssyncadd.s32 $0xFFFFE000  }
0xc4: {  	[spmem:s1] =	stream.indirect.scatter.add.f32 [tilespmem:s17], [sflag:$0x9], $0x40, s6, s16, $0xb8;
	[tilespmem:$0x1F000] =	vst v63  }
0xc5: {  	_ =	swait.ge [sflag:s0], $0x2000  }
0xc6: {  	[sflag:s0] =	ssyncset.done $0x0  }
0xc7: {  	s6 =	sadd.s32 $0x600, s13;
	[sflag:s0] =	ssyncadd.s32 $0xFFFFE000  }
0xc8: {  	[tilespmem:s25], [sflag:$0x5] =	stream.indirect.gather [hbm4b:s4+s16], $0x40, s6, s16, $0xb8;
	[tilespmem:$0x1F000] =	vst v63  }
0xc9: {  	_ =	swait.ge [sflag:s26], $0x2000  }
0xca: {  	[sflag:s26] =	ssyncset.done $0x0  }
0xcb: {  	s6 =	sadd.s32 $0x2C80, s13;
	[sflag:s26] =	ssyncadd.s32 $0xFFFFE000  }
0xcc: {  	[spmem:s1] =	stream.indirect.scatter.add.f32 [tilespmem:s18], [sflag:$0xA], $0x40, s6, s16, $0xb8;
	[tilespmem:$0x1F000] =	vst v63  }
0xcd: {  	_ =	swait.ge [sflag:s2], $0x2000  }
0xce: {  	[sflag:s2] =	ssyncset.done $0x0  }
0xcf: {  	s6 =	sadd.s32 $0x680, s13;
	[sflag:s2] =	ssyncadd.s32 $0xFFFFE000  }
0xd0: {  	[tilespmem:s30], [sflag:$0x6] =	stream.indirect.gather [hbm4b:s4+s16], $0x40, s6, s16, $0xb8;
	[tilespmem:$0x1F000] =	vst v63  }
0xd1: {  	_ =	swait.ge [sflag:s31], $0x2000  }
0xd2: {  	[sflag:s31] =	ssyncset.done $0x0  }
0xd3: {  	s6 =	sadd.s32 $0x2D00, s13;
	[sflag:s31] =	ssyncadd.s32 $0xFFFFE000  }
0xd4: {  	[spmem:s1] =	stream.indirect.scatter.add.f32 [tilespmem:s20], [sflag:$0xB], $0x40, s6, s16, $0xb8;
	[tilespmem:$0x1F000] =	vst v63  }
0xd5: {  	_ =	swait.ge [sflag:s19], $0x2000  }
0xd6: {  	[sflag:s19] =	ssyncset.done $0x0  }
0xd7: {  	s6 =	sadd.s32 $0x700, s13;
	[sflag:s19] =	ssyncadd.s32 $0xFFFFE000  }
0xd8: {  	[tilespmem:s3], [sflag:$0x7] =	stream.indirect.gather [hbm4b:s4+s16], $0x40, s6, s16, $0xb8;
	[tilespmem:$0x1F000] =	vst v63  }
0xd9: {  	_ =	swait.ge [sflag:s5], $0x2000  }
0xda: {  	[sflag:s5] =	ssyncset.done $0x0  }
.Ltmp1:
0xdb: {  	s6 =	sadd.s32 $0x2D80, s13;
	[sflag:s5] =	ssyncadd.s32 $0xFFFFE000;
	(pc) =	sbr.rel @p0 .LBB2_4-.Ltmp1, $4  }
0xdc: {  	[spmem:s1] =	stream.indirect.scatter.add.f32 [tilespmem:s22], [sflag:$0xC], $0x40, s6, s16, $0xb8;
	[tilespmem:$0x1F000] =	vst v63  }
0xdd: {  	_ =	swait.ge [sflag:s7], $0x2000  }
0xde: {  	[sflag:s7] =	ssyncset.done $0x0  }
0xdf: {  	s13 =	sadd.s32 $0x780, s13;
	[sflag:s7] =	ssyncadd.s32 $0xFFFFE000  }
0xe0: {  	[tilespmem:s21], [sflag:$0x8] =	stream.indirect.gather [hbm4b:s4+s16], $0x40, s13, s16, $0xb8;
	[tilespmem:$0x1F000] =	vst v63  }
0xe1: {  	_ =	swait.ge [sflag:s8], $0x2000  }
0xe2: {  	[sflag:s8] =	ssyncset.done $0x0  }
0xe3: {  	s6 =	simm.s32 $0x4E00;
	[sflag:s8] =	ssyncadd.s32 $0xFFFFE000  }
0xe4: {  	[spmem:s1] =	stream.indirect.scatter.add.f32 [tilespmem:s25], [sflag:$0xD], $0x40, s6, s16, $0xb8;
	[tilespmem:$0x1F000] =	vst v63  }
0xe5: {  	_ =	swait.ge [sflag:s10], $0x2000  }
0xe6: {  	[sflag:s10] =	ssyncset.done $0x0  }
0xe7: {  	s13 =	simm.s32 $0x4E80;
	[sflag:s10] =	ssyncadd.s32 $0xFFFFE000  }
0xe8: {  	[spmem:s1] =	stream.indirect.scatter.add.f32 [tilespmem:s30], [sflag:$0xE], $0x40, s13, s16, $0xb8;
	[tilespmem:$0x1F000] =	vst v63  }
0xe9: {  	_ =	swait.ge [sflag:s11], $0x2000  }
0xea: {  	[sflag:s11] =	ssyncset.done $0x0  }
0xeb: {  	s15 =	simm.s32 $0x4F00;
	[sflag:s11] =	ssyncadd.s32 $0xFFFFE000  }
0xec: {  	[spmem:s1] =	stream.indirect.scatter.add.f32 [tilespmem:s3], [sflag:$0xF], $0x40, s15, s16, $0xb8;
	[tilespmem:$0x1F000] =	vst v63  }
0xed: {  	_ =	swait.ge [sflag:s28], $0x2000  }
0xee: {  	[sflag:s28] =	ssyncset.done $0x0  }
0xef: {  	s13 =	simm.s32 $0x4F80;
	[sflag:s28] =	ssyncadd.s32 $0xFFFFE000  }
0xf0: {  	[spmem:s1] =	stream.indirect.scatter.add.f32 [tilespmem:s21], [sflag:$0x10], $0x40, s13, s16, $0xb8;
	[tilespmem:$0x1F000] =	vst v63  }
0xf1: {  	_ =	swait.ge [sflag:s9], $0x2000  }
0xf2: {  	[sflag:s9] =	ssyncset.done $0x0  }
0xf3: {  	[sflag:s9] =	ssyncadd.s32 $0xFFFFE000  }
0xf4: {  	_ =	swait.ge [sflag:s24], $0x2000  }
0xf5: {  	[sflag:s24] =	ssyncset.done $0x0  }
0xf6: {  	[sflag:s24] =	ssyncadd.s32 $0xFFFFE000  }
0xf7: {  	_ =	swait.ge [sflag:s12], $0x2000  }
0xf8: {  	[sflag:s12] =	ssyncset.done $0x0  }
0xf9: {  	[sflag:s12] =	ssyncadd.s32 $0xFFFFE000  }
0xfa: {  	_ =	swait.ge [sflag:s29], $0x2000  }
0xfb: {  	[sflag:s29] =	ssyncset.done $0x0  }
0xfc: {  	[sflag:s29] =	ssyncadd.s32 $0xFFFFE000  }
0xfd: {  	_ =	swait.ge [sflag:s0], $0x2000  }
0xfe: {  	[sflag:s0] =	ssyncset.done $0x0  }
0xff: {  	[sflag:s0] =	ssyncadd.s32 $0xFFFFE000  }
0x100: {  	_ =	swait.ge [sflag:s2], $0x2000  }
0x101: {  	[sflag:s2] =	ssyncset.done $0x0  }
0x102: {  	[sflag:s2] =	ssyncadd.s32 $0xFFFFE000  }
0x103: {  	_ =	swait.ge [sflag:s19], $0x2000  }
0x104: {  	[sflag:s19] =	ssyncset.done $0x0  }
0x105: {  	[sflag:s19] =	ssyncadd.s32 $0xFFFFE000  }
0x106: {  	_ =	swait.ge [sflag:s7], $0x2000  }
0x107: {  	[sflag:s7] =	ssyncset.done $0x0  }
0x108: {  	s6 =	simm.s32 $0x0;
	s15 =	rddreg [dreg:$0x8];
	[sflag:s7] =	ssyncadd.s32 $0xFFFFE000  }
0x109: {  	[tilespmem:s6], [sflag:$0x11] =	stream.linear.gather [hbm4b:s15+s6], $0x2800, $0x38;
	[tilespmem:$0x1F000] =	vst v63  }
0x10a: {  	_ =	swait.ge [sflag:s14], $0x2800  }
0x10b: {  	[sflag:s14] =	ssyncset.done $0x0  }
0x10c: {  	s15 =	simm.s32 $0x2800;
	s13 =	rddreg [dreg:$0x9];
	[sflag:s14] =	ssyncadd.s32 $0xFFFFD800  }
0x10d: {  	[tilespmem:s15], [sflag:$0x11] =	stream.linear.gather [hbm4b:s13+s6], $0x2800, $0x38;
	[tilespmem:$0x1F000] =	vst v63  }
0x10e: {  	_ =	swait.ge [sflag:s14], $0x2800  }
0x10f: {  	[sflag:s14] =	ssyncset.done $0x0  }
0x110: {  	s13 =	simm.s32 $0x0;
	[sflag:s14] =	ssyncadd.s32 $0xFFFFD800  }
0x111: {  	v2 =	vld [tilespmem:s13+$0x0]  }
0x112: {  	v3 =	vld [tilespmem:s13+$0x10]  }
0x113: {  	v5 =	vld [tilespmem:s13+$0x20]  }
0x114: {  	v4 =	vld [tilespmem:s13+$0x30]  }
0x115: {  	v1 =	vld [tilespmem:s13+$0x40]  }
0x116: {  	v6 =	vshll.u32 v2, $0x1;
	v2 =	vld [tilespmem:s13+$0x50]  }
0x117: {  	s15 =	simm.s32 $0x200;
	v7 =	vshll.u32 v3, $0x1;
	v3 =	vld [tilespmem:s13+$0x60];
	v6 =	vor.u32 v0, v6  }
.LBB2_6:
0x118: {  	s6 =	sshra.s32 s15, $0x2;
	p0 =	sne.s32 s15, $0x9E00;
	[tilespmem:s13+$0x0] =	vst v6;
	v6 =	vor.u32 v0, v7;
	v5 =	vshll.u32 v5, $0x1;
	v7 =	vld [tilespmem:s13+$0x70]  }
0x119: {  	v8 =	vld [tilespmem:s6+$0x0];
	[tilespmem:s13+$0x10] =	vst v6;
	v5 =	vor.u32 v0, v5;
	v4 =	vshll.u32 v4, $0x1  }
0x11a: {  	v9 =	vld [tilespmem:s6+$0x10];
	[tilespmem:s13+$0x20] =	vst v5;
	v4 =	vor.u32 v0, v4;
	v1 =	vshll.u32 v1, $0x1  }
.Ltmp2:
0x11b: {  	v5 =	vld [tilespmem:s6+$0x20];
	[tilespmem:s13+$0x30] =	vst v4;
	v1 =	vor.u32 v0, v1;
	v2 =	vshll.u32 v2, $0x1;
	(pc) =	sbr.rel @p0 .LBB2_6-.Ltmp2, $4  }
0x11c: {  	v4 =	vld [tilespmem:s6+$0x30];
	[tilespmem:s13+$0x40] =	vst v1;
	v2 =	vor.u32 v0, v2;
	v3 =	vshll.u32 v3, $0x1  }
0x11d: {  	v1 =	vld [tilespmem:s6+$0x40];
	[tilespmem:s13+$0x50] =	vst v2;
	v3 =	vor.u32 v0, v3;
	v6 =	vshll.u32 v7, $0x1  }
0x11e: {  	v7 =	vshll.u32 v8, $0x1;
	v2 =	vld [tilespmem:s6+$0x50];
	[tilespmem:s13+$0x60] =	vst v3;
	v8 =	vor.u32 v0, v6  }
0x11f: {  	s15 =	sadd.s32 $0x200, s15;
	v6 =	vor.u32 v0, v7;
	v7 =	vshll.u32 v9, $0x1;
	v3 =	vld [tilespmem:s6+$0x60];
	[tilespmem:s13+$0x70] =	vst v8;
	s13 =	smov.u32 s6  }
0x120: {  	[tilespmem:s13+$0x0] =	vst v6;
	v62 =	vor.u32 v0, v7;
	v5 =	vshll.u32 v5, $0x1;
	v63 =	vld [tilespmem:s13+$0x70]  }
0x121: {  	[tilespmem:s13+$0x10] =	vst v62;
	v5 =	vor.u32 v0, v5;
	v4 =	vshll.u32 v4, $0x1  }
0x122: {  	[tilespmem:s13+$0x20] =	vst v5;
	v4 =	vor.u32 v0, v4;
	v1 =	vshll.u32 v1, $0x1  }
0x123: {  	[tilespmem:s13+$0x30] =	vst v4;
	v1 =	vor.u32 v0, v1;
	v2 =	vshll.u32 v2, $0x1  }
0x124: {  	[tilespmem:s13+$0x40] =	vst v1;
	v1 =	vor.u32 v0, v2;
	v2 =	vshll.u32 v3, $0x1  }
0x125: {  	[tilespmem:s13+$0x50] =	vst v1;
	v1 =	vor.u32 v0, v2;
	v2 =	vshll.u32 v63, $0x1  }
0x126: {  	[tilespmem:s13+$0x60] =	vst v1;
	v1 =	vor.u32 v0, v2  }
0x127: {  	s6 =	simm.s32 $0x0;
	[tilespmem:s13+$0x70] =	vst v1  }
0x128: {  	[tilespmem:s17], [sflag:$0x1] =	stream.indirect.gather [hbm4b:s4+s16], $0x40, s6, s16, $0xb8;
	[tilespmem:$0x1F000] =	vst v63  }
0x129: {  	_ = 	snop  }
0x12a: {  	[tilespmem:s18], [sflag:$0x2] =	stream.indirect.gather [hbm4b:s4+s16], $0x40, s16, s16, $0xb8;
	[tilespmem:$0x1F000] =	vst v63  }
0x12b: {  	s15 =	simm.s32 $0x100  }
0x12c: {  	[tilespmem:s20], [sflag:$0x3] =	stream.indirect.gather [hbm4b:s4+s16], $0x40, s15, s16, $0xb8;
	[tilespmem:$0x1F000] =	vst v63  }
0x12d: {  	s13 =	simm.s32 $0x180  }
0x12e: {  	[tilespmem:s22], [sflag:$0x4] =	stream.indirect.gather [hbm4b:s4+s16], $0x40, s13, s16, $0xb8;
	[tilespmem:$0x1F000] =	vst v63  }
0x12f: {  	_ =	swait.ge [sflag:s23], $0x2000  }
0x130: {  	[sflag:s23] =	ssyncset.done $0x0  }
0x131: {  	s15 =	simm.s32 $0x2800;
	[sflag:s23] =	ssyncadd.s32 $0xFFFFE000  }
0x132: {  	[spmem:s1] =	stream.indirect.scatter.add.f32 [tilespmem:s17], [sflag:$0x9], $0x40, s15, s16, $0xb8;
	[tilespmem:$0x1F000] =	vst v63  }
0x133: {  	s13 =	simm.s32 $0x200  }
0x134: {  	[tilespmem:s25], [sflag:$0x5] =	stream.indirect.gather [hbm4b:s4+s16], $0x40, s13, s16, $0xb8;
	[tilespmem:$0x1F000] =	vst v63  }
0x135: {  	_ =	swait.ge [sflag:s26], $0x2000  }
0x136: {  	[sflag:s26] =	ssyncset.done $0x0  }
0x137: {  	s15 =	simm.s32 $0x2880;
	[sflag:s26] =	ssyncadd.s32 $0xFFFFE000  }
0x138: {  	[spmem:s1] =	stream.indirect.scatter.add.f32 [tilespmem:s18], [sflag:$0xA], $0x40, s15, s16, $0xb8;
	[tilespmem:$0x1F000] =	vst v63  }
0x139: {  	s13 =	simm.s32 $0x280  }
0x13a: {  	[tilespmem:s30], [sflag:$0x6] =	stream.indirect.gather [hbm4b:s4+s16], $0x40, s13, s16, $0xb8;
	[tilespmem:$0x1F000] =	vst v63  }
0x13b: {  	_ =	swait.ge [sflag:s31], $0x2000  }
0x13c: {  	[sflag:s31] =	ssyncset.done $0x0  }
0x13d: {  	s15 =	simm.s32 $0x2900;
	[sflag:s31] =	ssyncadd.s32 $0xFFFFE000  }
0x13e: {  	[spmem:s1] =	stream.indirect.scatter.add.f32 [tilespmem:s20], [sflag:$0xB], $0x40, s15, s16, $0xb8;
	[tilespmem:$0x1F000] =	vst v63  }
0x13f: {  	s13 =	simm.s32 $0x300  }
0x140: {  	[tilespmem:s3], [sflag:$0x7] =	stream.indirect.gather [hbm4b:s4+s16], $0x40, s13, s16, $0xb8;
	[tilespmem:$0x1F000] =	vst v63  }
0x141: {  	_ =	swait.ge [sflag:s5], $0x2000  }
0x142: {  	[sflag:s5] =	ssyncset.done $0x0  }
0x143: {  	s15 =	simm.s32 $0x2980;
	[sflag:s5] =	ssyncadd.s32 $0xFFFFE000  }
0x144: {  	[spmem:s1] =	stream.indirect.scatter.add.f32 [tilespmem:s22], [sflag:$0xC], $0x40, s15, s16, $0xb8;
	[tilespmem:$0x1F000] =	vst v63  }
0x145: {  	s13 =	simm.s32 $0x380  }
0x146: {  	[tilespmem:s21], [sflag:$0x8] =	stream.indirect.gather [hbm4b:s4+s16], $0x40, s13, s16, $0xb8;
	[tilespmem:$0x1F000] =	vst v63  }
0x147: {  	_ =	swait.ge [sflag:s8], $0x2000  }
0x148: {  	[sflag:s8] =	ssyncset.done $0x0  }
0x149: {  	s15 =	simm.s32 $0x2A00;
	[sflag:s8] =	ssyncadd.s32 $0xFFFFE000  }
0x14a: {  	[spmem:s1] =	stream.indirect.scatter.add.f32 [tilespmem:s25], [sflag:$0xD], $0x40, s15, s16, $0xb8;
	[tilespmem:$0x1F000] =	vst v63  }
0x14b: {  	_ =	swait.ge [sflag:s9], $0x2000  }
0x14c: {  	[sflag:s9] =	ssyncset.done $0x0  }
0x14d: {  	s13 =	simm.s32 $0x400;
	[sflag:s9] =	ssyncadd.s32 $0xFFFFE000  }
0x14e: {  	[tilespmem:s17], [sflag:$0x1] =	stream.indirect.gather [hbm4b:s4+s16], $0x40, s13, s16, $0xb8;
	[tilespmem:$0x1F000] =	vst v63  }
0x14f: {  	_ =	swait.ge [sflag:s10], $0x2000  }
0x150: {  	[sflag:s10] =	ssyncset.done $0x0  }
0x151: {  	s15 =	simm.s32 $0x2A80;
	[sflag:s10] =	ssyncadd.s32 $0xFFFFE000  }
0x152: {  	[spmem:s1] =	stream.indirect.scatter.add.f32 [tilespmem:s30], [sflag:$0xE], $0x40, s15, s16, $0xb8;
	[tilespmem:$0x1F000] =	vst v63  }
0x153: {  	_ =	swait.ge [sflag:s24], $0x2000  }
0x154: {  	[sflag:s24] =	ssyncset.done $0x0  }
0x155: {  	s13 =	simm.s32 $0x480;
	[sflag:s24] =	ssyncadd.s32 $0xFFFFE000  }
0x156: {  	[tilespmem:s18], [sflag:$0x2] =	stream.indirect.gather [hbm4b:s4+s16], $0x40, s13, s16, $0xb8;
	[tilespmem:$0x1F000] =	vst v63  }
0x157: {  	_ =	swait.ge [sflag:s11], $0x2000  }
0x158: {  	[sflag:s11] =	ssyncset.done $0x0  }
0x159: {  	s15 =	simm.s32 $0x2B00;
	[sflag:s11] =	ssyncadd.s32 $0xFFFFE000  }
0x15a: {  	[spmem:s1] =	stream.indirect.scatter.add.f32 [tilespmem:s3], [sflag:$0xF], $0x40, s15, s16, $0xb8;
	[tilespmem:$0x1F000] =	vst v63  }
0x15b: {  	_ =	swait.ge [sflag:s12], $0x2000  }
0x15c: {  	[sflag:s12] =	ssyncset.done $0x0  }
0x15d: {  	s13 =	simm.s32 $0x500;
	[sflag:s12] =	ssyncadd.s32 $0xFFFFE000  }
0x15e: {  	[tilespmem:s20], [sflag:$0x3] =	stream.indirect.gather [hbm4b:s4+s16], $0x40, s13, s16, $0xb8;
	[tilespmem:$0x1F000] =	vst v63  }
0x15f: {  	_ =	swait.ge [sflag:s28], $0x2000  }
0x160: {  	[sflag:s28] =	ssyncset.done $0x0  }
0x161: {  	s15 =	simm.s32 $0x2B80;
	[sflag:s28] =	ssyncadd.s32 $0xFFFFE000  }
0x162: {  	[spmem:s1] =	stream.indirect.scatter.add.f32 [tilespmem:s21], [sflag:$0x10], $0x40, s15, s16, $0xb8;
	[tilespmem:$0x1F000] =	vst v63  }
0x163: {  	_ =	swait.ge [sflag:s29], $0x2000  }
0x164: {  	[sflag:s29] =	ssyncset.done $0x0  }
0x165: {  	s13 =	simm.s32 $0x580;
	[sflag:s29] =	ssyncadd.s32 $0xFFFFE000  }
0x166: {  	[tilespmem:s22], [sflag:$0x4] =	stream.indirect.gather [hbm4b:s4+s16], $0x40, s13, s16, $0xb8;
	[tilespmem:$0x1F000] =	vst v63  }
0x167: {  	_ =	swait.ge [sflag:s23], $0x2000  }
0x168: {  	[sflag:s23] =	ssyncset.done $0x0  }
0x169: {  	s15 =	simm.s32 $0x2C00;
	[sflag:s23] =	ssyncadd.s32 $0xFFFFE000  }
0x16a: {  	[spmem:s1] =	stream.indirect.scatter.add.f32 [tilespmem:s17], [sflag:$0x9], $0x40, s15, s16, $0xb8;
	[tilespmem:$0x1F000] =	vst v63  }
0x16b: {  	_ =	swait.ge [sflag:s0], $0x2000  }
0x16c: {  	[sflag:s0] =	ssyncset.done $0x0  }
0x16d: {  	s13 =	simm.s32 $0x600;
	[sflag:s0] =	ssyncadd.s32 $0xFFFFE000  }
0x16e: {  	[tilespmem:s25], [sflag:$0x5] =	stream.indirect.gather [hbm4b:s4+s16], $0x40, s13, s16, $0xb8;
	[tilespmem:$0x1F000] =	vst v63  }
0x16f: {  	_ =	swait.ge [sflag:s26], $0x2000  }
0x170: {  	[sflag:s26] =	ssyncset.done $0x0  }
0x171: {  	s15 =	simm.s32 $0x2C80;
	[sflag:s26] =	ssyncadd.s32 $0xFFFFE000  }
0x172: {  	[spmem:s1] =	stream.indirect.scatter.add.f32 [tilespmem:s18], [sflag:$0xA], $0x40, s15, s16, $0xb8;
	[tilespmem:$0x1F000] =	vst v63  }
0x173: {  	_ =	swait.ge [sflag:s2], $0x2000  }
0x174: {  	[sflag:s2] =	ssyncset.done $0x0  }
0x175: {  	s13 =	simm.s32 $0x680;
	[sflag:s2] =	ssyncadd.s32 $0xFFFFE000  }
0x176: {  	[tilespmem:s30], [sflag:$0x6] =	stream.indirect.gather [hbm4b:s4+s16], $0x40, s13, s16, $0xb8;
	[tilespmem:$0x1F000] =	vst v63  }
0x177: {  	_ =	swait.ge [sflag:s31], $0x2000  }
0x178: {  	[sflag:s31] =	ssyncset.done $0x0  }
0x179: {  	s15 =	simm.s32 $0x2D00;
	[sflag:s31] =	ssyncadd.s32 $0xFFFFE000  }
0x17a: {  	[spmem:s1] =	stream.indirect.scatter.add.f32 [tilespmem:s20], [sflag:$0xB], $0x40, s15, s16, $0xb8;
	[tilespmem:$0x1F000] =	vst v63  }
0x17b: {  	_ =	swait.ge [sflag:s19], $0x2000  }
0x17c: {  	[sflag:s19] =	ssyncset.done $0x0  }
0x17d: {  	s13 =	simm.s32 $0x700;
	[sflag:s19] =	ssyncadd.s32 $0xFFFFE000  }
0x17e: {  	[tilespmem:s3], [sflag:$0x7] =	stream.indirect.gather [hbm4b:s4+s16], $0x40, s13, s16, $0xb8;
	[tilespmem:$0x1F000] =	vst v63  }
0x17f: {  	_ =	swait.ge [sflag:s5], $0x2000  }
0x180: {  	[sflag:s5] =	ssyncset.done $0x0  }
0x181: {  	s15 =	simm.s32 $0x2D80;
	[sflag:s5] =	ssyncadd.s32 $0xFFFFE000  }
0x182: {  	[spmem:s1] =	stream.indirect.scatter.add.f32 [tilespmem:s22], [sflag:$0xC], $0x40, s15, s16, $0xb8;
	[tilespmem:$0x1F000] =	vst v63  }
0x183: {  	_ =	swait.ge [sflag:s7], $0x2000  }
0x184: {  	[sflag:s7] =	ssyncset.done $0x0  }
0x185: {  	s13 =	simm.s32 $0x780;
	s15 =	simm.s32 $0x1000;
	[sflag:s7] =	ssyncadd.s32 $0xFFFFE000  }
.LBB2_8:
0x186: {  	[tilespmem:s21], [sflag:$0x8] =	stream.indirect.gather [hbm4b:s4+s16], $0x40, s13, s16, $0xb8;
	[tilespmem:$0x1F000] =	vst v63  }
0x187: {  	s6 =	smov.u32 s15  }
0x188: {  	p0 =	sne.s32 s15, $0x8000;
	s15 =	sadd.s32 $0x1000, s15;
	_ =	swait.ge [sflag:s8], $0x2000  }
0x189: {  	s13 =	sshra.s32 s6, $0x2;
	[sflag:s8] =	ssyncset.done $0x0  }
0x18a: {  	s6 =	sadd.s32 $0x2A00, s13;
	[sflag:s8] =	ssyncadd.s32 $0xFFFFE000  }
0x18b: {  	[spmem:s1] =	stream.indirect.scatter.add.f32 [tilespmem:s25], [sflag:$0xD], $0x40, s6, s16, $0xb8;
	[tilespmem:$0x1F000] =	vst v63  }
0x18c: {  	_ =	swait.ge [sflag:s9], $0x2000  }
0x18d: {  	[sflag:s9] =	ssyncset.done $0x0  }
0x18e: {  	s6 =	sadd.s32 $0x400, s13;
	[sflag:s9] =	ssyncadd.s32 $0xFFFFE000  }
0x18f: {  	[tilespmem:s17], [sflag:$0x1] =	stream.indirect.gather [hbm4b:s4+s16], $0x40, s6, s16, $0xb8;
	[tilespmem:$0x1F000] =	vst v63  }
0x190: {  	_ =	swait.ge [sflag:s10], $0x2000  }
0x191: {  	[sflag:s10] =	ssyncset.done $0x0  }
0x192: {  	s6 =	sadd.s32 $0x2A80, s13;
	[sflag:s10] =	ssyncadd.s32 $0xFFFFE000  }
0x193: {  	[spmem:s1] =	stream.indirect.scatter.add.f32 [tilespmem:s30], [sflag:$0xE], $0x40, s6, s16, $0xb8;
	[tilespmem:$0x1F000] =	vst v63  }
0x194: {  	_ =	swait.ge [sflag:s24], $0x2000  }
0x195: {  	[sflag:s24] =	ssyncset.done $0x0  }
0x196: {  	s6 =	sadd.s32 $0x480, s13;
	[sflag:s24] =	ssyncadd.s32 $0xFFFFE000  }
0x197: {  	[tilespmem:s18], [sflag:$0x2] =	stream.indirect.gather [hbm4b:s4+s16], $0x40, s6, s16, $0xb8;
	[tilespmem:$0x1F000] =	vst v63  }
0x198: {  	_ =	swait.ge [sflag:s11], $0x2000  }
0x199: {  	[sflag:s11] =	ssyncset.done $0x0  }
0x19a: {  	s6 =	sadd.s32 $0x2B00, s13;
	[sflag:s11] =	ssyncadd.s32 $0xFFFFE000  }
0x19b: {  	[spmem:s1] =	stream.indirect.scatter.add.f32 [tilespmem:s3], [sflag:$0xF], $0x40, s6, s16, $0xb8;
	[tilespmem:$0x1F000] =	vst v63  }
0x19c: {  	_ =	swait.ge [sflag:s12], $0x2000  }
0x19d: {  	[sflag:s12] =	ssyncset.done $0x0  }
0x19e: {  	s6 =	sadd.s32 $0x500, s13;
	[sflag:s12] =	ssyncadd.s32 $0xFFFFE000  }
0x19f: {  	[tilespmem:s20], [sflag:$0x3] =	stream.indirect.gather [hbm4b:s4+s16], $0x40, s6, s16, $0xb8;
	[tilespmem:$0x1F000] =	vst v63  }
0x1a0: {  	_ =	swait.ge [sflag:s28], $0x2000  }
0x1a1: {  	[sflag:s28] =	ssyncset.done $0x0  }
0x1a2: {  	s6 =	sadd.s32 $0x2B80, s13;
	[sflag:s28] =	ssyncadd.s32 $0xFFFFE000  }
0x1a3: {  	[spmem:s1] =	stream.indirect.scatter.add.f32 [tilespmem:s21], [sflag:$0x10], $0x40, s6, s16, $0xb8;
	[tilespmem:$0x1F000] =	vst v63  }
0x1a4: {  	_ =	swait.ge [sflag:s29], $0x2000  }
0x1a5: {  	[sflag:s29] =	ssyncset.done $0x0  }
0x1a6: {  	s6 =	sadd.s32 $0x580, s13;
	[sflag:s29] =	ssyncadd.s32 $0xFFFFE000  }
0x1a7: {  	[tilespmem:s22], [sflag:$0x4] =	stream.indirect.gather [hbm4b:s4+s16], $0x40, s6, s16, $0xb8;
	[tilespmem:$0x1F000] =	vst v63  }
0x1a8: {  	_ =	swait.ge [sflag:s23], $0x2000  }
0x1a9: {  	[sflag:s23] =	ssyncset.done $0x0  }
0x1aa: {  	s6 =	sadd.s32 $0x2C00, s13;
	[sflag:s23] =	ssyncadd.s32 $0xFFFFE000  }
0x1ab: {  	[spmem:s1] =	stream.indirect.scatter.add.f32 [tilespmem:s17], [sflag:$0x9], $0x40, s6, s16, $0xb8;
	[tilespmem:$0x1F000] =	vst v63  }
0x1ac: {  	_ =	swait.ge [sflag:s0], $0x2000  }
0x1ad: {  	[sflag:s0] =	ssyncset.done $0x0  }
0x1ae: {  	s6 =	sadd.s32 $0x600, s13;
	[sflag:s0] =	ssyncadd.s32 $0xFFFFE000  }
0x1af: {  	[tilespmem:s25], [sflag:$0x5] =	stream.indirect.gather [hbm4b:s4+s16], $0x40, s6, s16, $0xb8;
	[tilespmem:$0x1F000] =	vst v63  }
0x1b0: {  	_ =	swait.ge [sflag:s26], $0x2000  }
0x1b1: {  	[sflag:s26] =	ssyncset.done $0x0  }
0x1b2: {  	s6 =	sadd.s32 $0x2C80, s13;
	[sflag:s26] =	ssyncadd.s32 $0xFFFFE000  }
0x1b3: {  	[spmem:s1] =	stream.indirect.scatter.add.f32 [tilespmem:s18], [sflag:$0xA], $0x40, s6, s16, $0xb8;
	[tilespmem:$0x1F000] =	vst v63  }
0x1b4: {  	_ =	swait.ge [sflag:s2], $0x2000  }
0x1b5: {  	[sflag:s2] =	ssyncset.done $0x0  }
0x1b6: {  	s6 =	sadd.s32 $0x680, s13;
	[sflag:s2] =	ssyncadd.s32 $0xFFFFE000  }
0x1b7: {  	[tilespmem:s30], [sflag:$0x6] =	stream.indirect.gather [hbm4b:s4+s16], $0x40, s6, s16, $0xb8;
	[tilespmem:$0x1F000] =	vst v63  }
0x1b8: {  	_ =	swait.ge [sflag:s31], $0x2000  }
0x1b9: {  	[sflag:s31] =	ssyncset.done $0x0  }
0x1ba: {  	s6 =	sadd.s32 $0x2D00, s13;
	[sflag:s31] =	ssyncadd.s32 $0xFFFFE000  }
0x1bb: {  	[spmem:s1] =	stream.indirect.scatter.add.f32 [tilespmem:s20], [sflag:$0xB], $0x40, s6, s16, $0xb8;
	[tilespmem:$0x1F000] =	vst v63  }
0x1bc: {  	_ =	swait.ge [sflag:s19], $0x2000  }
0x1bd: {  	[sflag:s19] =	ssyncset.done $0x0  }
0x1be: {  	s6 =	sadd.s32 $0x700, s13;
	[sflag:s19] =	ssyncadd.s32 $0xFFFFE000  }
0x1bf: {  	[tilespmem:s3], [sflag:$0x7] =	stream.indirect.gather [hbm4b:s4+s16], $0x40, s6, s16, $0xb8;
	[tilespmem:$0x1F000] =	vst v63  }
0x1c0: {  	_ =	swait.ge [sflag:s5], $0x2000  }
0x1c1: {  	[sflag:s5] =	ssyncset.done $0x0  }
.Ltmp3:
0x1c2: {  	s6 =	sadd.s32 $0x2D80, s13;
	[sflag:s5] =	ssyncadd.s32 $0xFFFFE000;
	(pc) =	sbr.rel @p0 .LBB2_8-.Ltmp3, $4  }
0x1c3: {  	[spmem:s1] =	stream.indirect.scatter.add.f32 [tilespmem:s22], [sflag:$0xC], $0x40, s6, s16, $0xb8;
	[tilespmem:$0x1F000] =	vst v63  }
0x1c4: {  	_ =	swait.ge [sflag:s7], $0x2000  }
0x1c5: {  	[sflag:s7] =	ssyncset.done $0x0  }
0x1c6: {  	s13 =	sadd.s32 $0x780, s13;
	[sflag:s7] =	ssyncadd.s32 $0xFFFFE000  }
0x1c7: {  	[tilespmem:s21], [sflag:$0x8] =	stream.indirect.gather [hbm4b:s4+s16], $0x40, s13, s16, $0xb8;
	[tilespmem:$0x1F000] =	vst v63  }
0x1c8: {  	_ =	swait.ge [sflag:s8], $0x2000  }
0x1c9: {  	[sflag:s8] =	ssyncset.done $0x0  }
0x1ca: {  	s6 =	simm.s32 $0x4E00;
	[sflag:s8] =	ssyncadd.s32 $0xFFFFE000  }
0x1cb: {  	[spmem:s1] =	stream.indirect.scatter.add.f32 [tilespmem:s25], [sflag:$0xD], $0x40, s6, s16, $0xb8;
	[tilespmem:$0x1F000] =	vst v63  }
0x1cc: {  	_ =	swait.ge [sflag:s10], $0x2000  }
0x1cd: {  	[sflag:s10] =	ssyncset.done $0x0  }
0x1ce: {  	s15 =	simm.s32 $0x4E80;
	[sflag:s10] =	ssyncadd.s32 $0xFFFFE000  }
0x1cf: {  	[spmem:s1] =	stream.indirect.scatter.add.f32 [tilespmem:s30], [sflag:$0xE], $0x40, s15, s16, $0xb8;
	[tilespmem:$0x1F000] =	vst v63  }
0x1d0: {  	_ =	swait.ge [sflag:s11], $0x2000  }
0x1d1: {  	[sflag:s11] =	ssyncset.done $0x0  }
0x1d2: {  	s13 =	simm.s32 $0x4F00;
	[sflag:s11] =	ssyncadd.s32 $0xFFFFE000  }
0x1d3: {  	[spmem:s1] =	stream.indirect.scatter.add.f32 [tilespmem:s3], [sflag:$0xF], $0x40, s13, s16, $0xb8;
	[tilespmem:$0x1F000] =	vst v63  }
0x1d4: {  	_ =	swait.ge [sflag:s28], $0x2000  }
0x1d5: {  	[sflag:s28] =	ssyncset.done $0x0  }
0x1d6: {  	s15 =	simm.s32 $0x4F80;
	[sflag:s28] =	ssyncadd.s32 $0xFFFFE000  }
0x1d7: {  	[spmem:s1] =	stream.indirect.scatter.add.f32 [tilespmem:s21], [sflag:$0x10], $0x40, s15, s16, $0xb8;
	[tilespmem:$0x1F000] =	vst v63  }
0x1d8: {  	_ =	swait.ge [sflag:s9], $0x2000  }
0x1d9: {  	[sflag:s9] =	ssyncset.done $0x0  }
0x1da: {  	[sflag:s9] =	ssyncadd.s32 $0xFFFFE000  }
0x1db: {  	_ =	swait.ge [sflag:s24], $0x2000  }
0x1dc: {  	[sflag:s24] =	ssyncset.done $0x0  }
0x1dd: {  	[sflag:s24] =	ssyncadd.s32 $0xFFFFE000  }
0x1de: {  	_ =	swait.ge [sflag:s12], $0x2000  }
0x1df: {  	[sflag:s12] =	ssyncset.done $0x0  }
0x1e0: {  	[sflag:s12] =	ssyncadd.s32 $0xFFFFE000  }
0x1e1: {  	_ =	swait.ge [sflag:s29], $0x2000  }
0x1e2: {  	[sflag:s29] =	ssyncset.done $0x0  }
0x1e3: {  	[sflag:s29] =	ssyncadd.s32 $0xFFFFE000  }
0x1e4: {  	_ =	swait.ge [sflag:s0], $0x2000  }
0x1e5: {  	[sflag:s0] =	ssyncset.done $0x0  }
0x1e6: {  	[sflag:s0] =	ssyncadd.s32 $0xFFFFE000  }
0x1e7: {  	_ =	swait.ge [sflag:s2], $0x2000  }
0x1e8: {  	[sflag:s2] =	ssyncset.done $0x0  }
0x1e9: {  	[sflag:s2] =	ssyncadd.s32 $0xFFFFE000  }
0x1ea: {  	_ =	swait.ge [sflag:s19], $0x2000  }
0x1eb: {  	[sflag:s19] =	ssyncset.done $0x0  }
0x1ec: {  	[sflag:s19] =	ssyncadd.s32 $0xFFFFE000  }
0x1ed: {  	_ =	swait.ge [sflag:s7], $0x2000  }
0x1ee: {  	[sflag:s7] =	ssyncset.done $0x0  }
0x1ef: {  	[sflag:s7] =	ssyncadd.s32 $0xFFFFE000  }
0x1f0: {  	[bflag:$0x0] =	sbarrier.arrive $0xFFFF  }
0x1f1: {  	s13 =	rddreg [dreg:$0x5]  }
0x1f2: {  	s6 =	rddreg [dreg:$0xa]  }
0x1f3: {  	s15 =	rddreg [dreg:$0xc]  }
0x1f4: {  	[hbm:s6@s7], [sflag:s13] =	dma.strided [spmem:s15@s28], $0x1400, s23, $0x8   }
0x1f5: {  	_ =	swait.ge [sflag:s14], $0x1400  }
0x1f6: {  	s6 =	simm.s32 $0x11;
	s14 =	rddreg [dreg:$0xd]  }
0x1f7: {  	[sflag:s6] =	ssyncset.done $0x0;
	s6 =	rddreg [dreg:$0xb];
	s14 =	sadd.s32 $0x1, s14  }
0x1f8: {  	p0 =	sne.s32 s14, s6  }
.Ltmp4:
0x1f9: {  	_ = 	snop;
	(pc) =	sbr.rel @p0 .LBB2_1-.Ltmp4, $3  }
0x1fa: {  	_ =	sdelay $0x1  }
0x1fb: {  	[dreg:$0xd] =	wrdreg s14;
	s14 =	simm.s32 $0x11  }
0x1fc: {  	[sflag:s14] =	ssyncadd.s32 $0xFFFFEC00  }
0x1fd: {  	_ =	sfence.sel $0x180000  }
0x1fe: {  	[bflag:$0x0] =	sbarrier.arrive $0xFFFF  }
0x1ff: {  	_ =	strace $0x9000004A  }
0x200: {  	s0 =	stileid.u32;
	[bflag:$0x2] =	sbarrier.arrive $0xFFFF  }
0x201: {  	p0 =	sne.s32 s0, $0x0;
	s0 =	rddreg [dreg:$0x3]  }
0x202: {  	s0 =	sadd.s32 @!p0 $0x100000, s0  }
0x203: {  	[sflag:s0] =	ssyncadd.tile.s32 @!p0 $0x1;
	_ =	shalt  }
.Lfunc_end2:
_tile_overlayer_lowered:
.L_overlay_start_2:
0x204: {  	(tag) =	ssettag $0x2  }
0x205: {  	s0 =	rddreg [dreg:$0x0];
	s2 =	stileid.u32  }
0x206: {  	s1 =	rddreg [dreg:$0x1];
	p0 =	sne.s32 s2, $0x0  }
0x207: {  	s3 =	rddreg [dreg:$0x2];
	[bflag:$0x3] =	sbarrier.arrive $0xFFFF;
	s2 =	simm.s32 @!p0 $0x1C11  }
0x208: {  	[timem:s3], [sflag:s2] =	dma.local @!p0 [hbm:s0], s1  }
0x209: {  	s0 =	simm.s32 @!p0 $0x11  }
0x20a: {  	_ =	swait.ge @!p0 [sflag:s0], s1  }
0x20b: {  	s1 =	ssub.s32 @!p0 $0x0, s1;
	[sflag:s0] =	ssyncset.done @!p0 $0x0  }
0x20c: {  	[sflag:s0] =	ssyncadd.s32 @!p0 s1  }
0x20d: {  	[bflag:$0x3] =	sbarrier.arrive $0xFFFF  }
0x20e: {  	_ =	shalt  }

</sc_bundles>
